<compile_context>
chip_gen: v7x
topology: tpu7x:2x2x1
jax: 0.10.2.dev20260603
libtpu: 0.0.44.dev20260713+nightly
codegen_flags: <defaults>
</compile_context>

<pallas_src>
import functools

import jax
import jax.numpy as jnp
from jax import lax
from jax.experimental import pallas as pl
from jax.experimental.pallas import tpu as pltpu
from jax.experimental.pallas import tpu_sc as plsc

N = 5000
D = 128
N_PAD = 5120
E = 160000
L = 50000
L_PAD = 50176
NW = 32
ET = E // 16
LW = L_PAD // NW


@functools.cache
def _get_mesh():
    return plsc.VectorSubcoreMesh(core_axis_name="c", subcore_axis_name="s")


@functools.cache
def _build_sc_edge_agg():
  kern = functools.partial(
    pl.kernel,
    out_type=(
        jax.ShapeDtypeStruct((N_PAD, D), jnp.float32),
        jax.ShapeDtypeStruct((16, N_PAD), jnp.int32),
        jax.ShapeDtypeStruct((N_PAD, D), jnp.float32),
        jax.ShapeDtypeStruct((16, N_PAD), jnp.int32),
    ),
    mesh=_get_mesh(),
    compiler_params=pltpu.CompilerParams(needs_layout_passes=False),
    scratch_types=[
        pltpu.VMEM_SHARED((N_PAD, D), jnp.float32),
        pltpu.VMEM((128,), jnp.int32),
        pltpu.VMEM((128,), jnp.int32),
        pltpu.VMEM((16,), jnp.int32),
        pltpu.VMEM((16,), jnp.int32),
        pltpu.VMEM((128, D), jnp.float32),
        pltpu.VMEM((16, D), jnp.float32),
        pltpu.VMEM((N_PAD,), jnp.int32),
        pltpu.VMEM((16, D), jnp.float32),
        pltpu.SemaphoreType.DMA,
    ],
  )

  @kern
  def _sc_edge_agg(xv_hbm, xh_hbm, svh, dvh, shv, dhv,
                   out_svh, out_cvh, out_shv, out_chv,
                   acc, idx_s, idx_d, idx_s16, idx_d16,
                   rows, rows16, hist, zbuf, sem):
      cid = lax.axis_index("c")
      sid = lax.axis_index("s")

      one16i = jnp.full((16,), 1, jnp.int32)
      zero16 = jnp.zeros((16,), jnp.float32)
      zero16i = jnp.zeros((16,), jnp.int32)

      @pl.loop(0, N_PAD // 16)
      def _zero_hist(i):
          hist[pl.ds(pl.multiple_of(i * 16, 16), 16)] = zero16i

      for r in range(16):
          for c8 in range(D // 16):
              zbuf[r, pl.ds(c8 * 16, 16)] = zero16
      row0 = sid * 320
      for k in range(20):
          pltpu.sync_copy(zbuf, acc.at[pl.ds(row0 + k * 16, 16)])
      plsc.subcore_barrier()

      def run_edges(x_hbm, s_hbm, d_hbm, cnt_out):
          base0 = sid * ET

          @pl.loop(0, 78)
          def _chunk(j):
              base = pl.multiple_of(base0 + j * 128, 8)
              pltpu.sync_copy(s_hbm.at[pl.ds(base, 128)], idx_s)
              pltpu.sync_copy(d_hbm.at[pl.ds(base, 128)], idx_d)
              pltpu.async_copy(x_hbm.at[idx_s], rows, sem).wait()
              pltpu.sync_copy(rows, acc.at[idx_d], add=True)
              for g in range(8):
                  plsc.addupdate_scatter(hist, [idx_d[pl.ds(g * 16, 16)]], one16i)

          tail = base0 + 78 * 128
          pltpu.sync_copy(s_hbm.at[pl.ds(tail, 16)], idx_s16)
          pltpu.sync_copy(d_hbm.at[pl.ds(tail, 16)], idx_d16)
          pltpu.async_copy(x_hbm.at[idx_s16], rows16, sem).wait()
          pltpu.sync_copy(rows16, acc.at[idx_d16], add=True)
          plsc.addupdate_scatter(hist, [idx_d16[...]], one16i)
          pltpu.sync_copy(hist, cnt_out.at[sid])

      @pl.when(cid == 0)
      def _():
          run_edges(xv_hbm, svh, dvh, out_cvh)

      @pl.when(cid == 1)
      def _():
          run_edges(xh_hbm, shv, dhv, out_chv)

      plsc.subcore_barrier()

      @pl.when(cid == 0)
      def _():
          pltpu.sync_copy(acc.at[pl.ds(row0, 320)], out_svh.at[pl.ds(row0, 320)])

      @pl.when(cid == 1)
      def _():
          pltpu.sync_copy(acc.at[pl.ds(row0, 320)], out_shv.at[pl.ds(row0, 320)])

  return _sc_edge_agg


def _tc_combine_body(svh_ref, cvh_ref, shv_ref, chv_ref, xv_ref, xh_ref,
                     wlt_vh_ref, wrt_vh_ref, bvh_ref,
                     wlt_hv_ref, wrt_hv_ref, bhv_ref,
                     w1t_ref, zv1_ref, zh1_ref):
    ones_j = jnp.ones((16, D), jnp.float32)

    def node_update(sums, cnts, x_dst, wlt, wrt, b):
        cnt2d = lax.dot_general(cnts.astype(jnp.float32), ones_j,
                                (((0,), (0,)), ((), ())),
                                preferred_element_type=jnp.float32)
        mean = sums[:N] / jnp.maximum(cnt2d[:N], 1.0)
        h = (jnp.dot(mean, wlt, preferred_element_type=jnp.float32)
             + b
             + jnp.dot(x_dst, wrt, preferred_element_type=jnp.float32))
        return jnp.maximum(h, 0.0)

    z_host = node_update(svh_ref[...], cvh_ref[...], xh_ref[...],
                         wlt_vh_ref[...], wrt_vh_ref[...], bvh_ref[...])
    z_virus = node_update(shv_ref[...], chv_ref[...], xv_ref[...],
                          wlt_hv_ref[...], wrt_hv_ref[...], bhv_ref[...])
    w1t = w1t_ref[...]
    zv1_ref[...] = jnp.dot(z_virus, w1t, preferred_element_type=jnp.float32)
    zh1_ref[...] = jnp.dot(z_host, w1t, preferred_element_type=jnp.float32)


_tc_combine = pl.pallas_call(
    _tc_combine_body,
    out_shape=(
        jax.ShapeDtypeStruct((N, D), jnp.float32),
        jax.ShapeDtypeStruct((N, D), jnp.float32),
    ),
)


@functools.cache
def _build_sc_decoder_gather():
  kern = functools.partial(
    pl.kernel,
    out_type=(
        jax.ShapeDtypeStruct((L_PAD, D), jnp.float32),
        jax.ShapeDtypeStruct((L_PAD, D), jnp.float32),
    ),
    mesh=_get_mesh(),
    scratch_types=[
        pltpu.VMEM((128,), jnp.int32),
        pltpu.VMEM((128,), jnp.int32),
        pltpu.VMEM((32,), jnp.int32),
        pltpu.VMEM((32,), jnp.int32),
        pltpu.VMEM((128, D), jnp.float32),
        pltpu.VMEM((128, D), jnp.float32),
        pltpu.VMEM((32, D), jnp.float32),
        pltpu.VMEM((32, D), jnp.float32),
        pltpu.SemaphoreType.DMA,
        pltpu.SemaphoreType.DMA,
    ],
  )

  @kern
  def _sc_decoder_gather(zv1_hbm, zh1_hbm, row_hbm, col_hbm,
                         out_a, out_b,
                         idx_r, idx_c, idx_r32, idx_c32,
                         ra, rb, ra32, rb32, sem_a, sem_b):
      cid = lax.axis_index("c")
      sid = lax.axis_index("s")
      wid = sid * 2 + cid
      base0 = wid * LW

      @pl.loop(0, 12)
      def _chunk(j):
          base = pl.multiple_of(base0 + j * 128, 8)
          pltpu.sync_copy(row_hbm.at[pl.ds(base, 128)], idx_r)
          pltpu.sync_copy(col_hbm.at[pl.ds(base, 128)], idx_c)
          cp_a = pltpu.async_copy(zv1_hbm.at[idx_r], ra, sem_a)
          cp_b = pltpu.async_copy(zh1_hbm.at[idx_c], rb, sem_b)
          cp_a.wait()
          cp_b.wait()
          pltpu.sync_copy(ra, out_a.at[pl.ds(base, 128)])
          pltpu.sync_copy(rb, out_b.at[pl.ds(base, 128)])

      tail = base0 + 12 * 128
      pltpu.sync_copy(row_hbm.at[pl.ds(tail, 32)], idx_r32)
      pltpu.sync_copy(col_hbm.at[pl.ds(tail, 32)], idx_c32)
      cp_a = pltpu.async_copy(zv1_hbm.at[idx_r32], ra32, sem_a)
      cp_b = pltpu.async_copy(zh1_hbm.at[idx_c32], rb32, sem_b)
      cp_a.wait()
      cp_b.wait()
      pltpu.sync_copy(ra32, out_a.at[pl.ds(tail, 32)])
      pltpu.sync_copy(rb32, out_b.at[pl.ds(tail, 32)])

  return _sc_decoder_gather


def _tc_decode_body(a_ref, b_ref, b1_ref, w2t_ref, b2_ref, o_ref):
    z = jnp.maximum(a_ref[...] - b_ref[...] + b1_ref[...], 0.0)
    o_ref[...] = (jnp.dot(z, w2t_ref[...], preferred_element_type=jnp.float32)
                  + b2_ref[...])


_tc_decode = pl.pallas_call(
    _tc_decode_body,
    grid=(L_PAD // LW,),
    in_specs=[
        pl.BlockSpec((LW, D), lambda i: (i, 0)),
        pl.BlockSpec((LW, D), lambda i: (i, 0)),
        pl.BlockSpec((1, D), lambda i: (0, 0)),
        pl.BlockSpec((D, 1), lambda i: (0, 0)),
        pl.BlockSpec((1, 1), lambda i: (0, 0)),
    ],
    out_specs=pl.BlockSpec((LW, 1), lambda i: (i, 0)),
    out_shape=jax.ShapeDtypeStruct((L_PAD, 1), jnp.float32),
)


def kernel(x_virus, x_host, edge_index_vh, edge_index_hv, edge_label_index,
           Wl_vh, Wr_vh, b_vh, Wl_hv, Wr_hv, b_hv, W1, b1, W2, b2):
    svh, cvh, shv, chv = _build_sc_edge_agg()(
        x_virus, x_host,
        edge_index_vh[0], edge_index_vh[1],
        edge_index_hv[0], edge_index_hv[1],
    )

    zv1, zh1 = _tc_combine(
        svh, cvh, shv, chv, x_virus, x_host,
        Wl_vh.T, Wr_vh.T, b_vh.reshape(1, D),
        Wl_hv.T, Wr_hv.T, b_hv.reshape(1, D),
        W1.T,
    )

    ipad = jnp.zeros((L_PAD - L,), jnp.int32)
    row = jnp.concatenate([edge_label_index[0], ipad])
    col = jnp.concatenate([edge_label_index[1], ipad])
    a, b = _build_sc_decoder_gather()(zv1, zh1, row, col)

    out = _tc_decode(a, b, b1.reshape(1, D), W2.reshape(D, 1),
                     b2.reshape(1, 1))
    return out[:L, 0]

# --- scband reference (transcript-rebuilt; emitter-appended) ---
"""Pipeline reference for scband-cherry-model-12257836663108 (READ-ONLY COPY).

The authoritative reference and input builder live on the scoring server;
editing this copy changes nothing except your own understanding.
"""

import jax, jax.numpy as jnp
import numpy as np

N_V = 5000
N_H = 5000
D = 128
H = 128
E = 160000
L = 50000


def _glorot(key, shape):
    fan_in, fan_out = shape[1], shape[0]
    limit = np.sqrt(6.0 / (fan_in + fan_out))
    return jax.random.uniform(key, shape, jnp.float32, -limit, limit)


def setup_inputs(seed: int = 0) -> dict:
    key = jax.random.key(seed)
    ks = jax.random.split(key, 16)
    x_virus = jax.random.normal(ks[0], (N_V, D), jnp.float32)
    x_host = jax.random.normal(ks[1], (N_H, D), jnp.float32)
    edge_index_vh = jax.random.randint(ks[2], (2, E), 0, N_V, jnp.int32)
    edge_index_hv = jax.random.randint(ks[3], (2, E), 0, N_H, jnp.int32)
    edge_label_index = jax.random.randint(ks[4], (2, L), 0, N_V, jnp.int32)
    # SAGEConv params for edge type (virus, infects, host)
    Wl_vh = _glorot(ks[5], (H, D))
    Wr_vh = _glorot(ks[6], (H, D))
    b_vh = jnp.zeros((H,), jnp.float32)
    # SAGEConv params for edge type (host, rev_infects, virus)
    Wl_hv = _glorot(ks[7], (H, D))
    Wr_hv = _glorot(ks[8], (H, D))
    b_hv = jnp.zeros((H,), jnp.float32)
    # LinkDecoder params: Linear(H,128) -> ReLU -> Linear(128,1)
    W1 = _glorot(ks[9], (128, H))
    b1 = jnp.zeros((128,), jnp.float32)
    W2 = _glorot(ks[10], (1, 128))
    b2 = jnp.zeros((1,), jnp.float32)
    return {
        "x_virus": x_virus, "x_host": x_host,
        "edge_index_vh": edge_index_vh, "edge_index_hv": edge_index_hv,
        "edge_label_index": edge_label_index,
        "Wl_vh": Wl_vh, "Wr_vh": Wr_vh, "b_vh": b_vh,
        "Wl_hv": Wl_hv, "Wr_hv": Wr_hv, "b_hv": b_hv,
        "W1": W1, "b1": b1, "W2": W2, "b2": b2,
    }


def _sage_conv(x_src, x_dst, edge_index, Wl, Wr, b, num_dst):
    # SAGEConv with mean aggregation: lin_l(mean_j x_src[j]) + lin_r(x_dst)
    src = edge_index[0]
    dst = edge_index[1]
    msg = x_src[src]  # gather [E, D]
    sums = jax.ops.segment_sum(msg, dst, num_segments=num_dst)
    cnt = jax.ops.segment_sum(jnp.ones((src.shape[0], 1), x_src.dtype), dst, num_segments=num_dst)
    mean = sums / jnp.clip(cnt, 1.0)
    return mean @ Wl.T + b + x_dst @ Wr.T


def reference(x_virus, x_host, edge_index_vh, edge_index_hv, edge_label_index,
              Wl_vh, Wr_vh, b_vh, Wl_hv, Wr_hv, b_hv, W1, b1, W2, b2):
    # to_hetero(GNNEncoder, aggr='sum'): one SAGEConv per edge type, summed per dst
    # node type (single edge type per dst here). Dropout is identity in eval mode.
    z_host = jax.nn.relu(_sage_conv(x_virus, x_host, edge_index_vh, Wl_vh, Wr_vh, b_vh, N_H))
    z_virus = jax.nn.relu(_sage_conv(x_host, x_virus, edge_index_hv, Wl_hv, Wr_hv, b_hv, N_V))
    # LinkDecoder
    row = edge_label_index[0]
    col = edge_label_index[1]
    z = z_virus[row] - z_host[col]
    z = jax.nn.relu(z @ W1.T + b1)
    z = z @ W2.T + b2
    return z.squeeze(-1)

if __name__ == "__main__":
    import jax
    _d = setup_inputs()
    print(jax.jit(kernel)(*tuple(_d.values())))

</pallas_src>

<mosaic_0001>
#map = affine_map<(d0, d1) -> (0, 0)>
#map1 = affine_map<(d0, d1) -> (0)>
module attributes {stable_mosaic.version = 14 : i64} {
  func.func @_sc_decoder_gather(%arg0: i32, %arg1: i32, %arg2: memref<5000x128xf32, #tpu.memory_space<hbm>>, %arg3: memref<5000x128xf32, #tpu.memory_space<hbm>>, %arg4: memref<50176xi32, #tpu.memory_space<hbm>>, %arg5: memref<50176xi32, #tpu.memory_space<hbm>>, %arg6: memref<50176x128xf32, #tpu.memory_space<hbm>>, %arg7: memref<50176x128xf32, #tpu.memory_space<hbm>>, %arg8: memref<128xi32, #tpu.memory_space<vmem>>, %arg9: memref<128xi32, #tpu.memory_space<vmem>>, %arg10: memref<32xi32, #tpu.memory_space<vmem>>, %arg11: memref<32xi32, #tpu.memory_space<vmem>>, %arg12: memref<128x128xf32, #tpu.memory_space<vmem>>, %arg13: memref<128x128xf32, #tpu.memory_space<vmem>>, %arg14: memref<32x128xf32, #tpu.memory_space<vmem>>, %arg15: memref<32x128xf32, #tpu.memory_space<vmem>>, %arg16: memref<!tpu.dma_semaphore, #tpu.memory_space<semaphore_mem>>, %arg17: memref<!tpu.dma_semaphore, #tpu.memory_space<semaphore_mem>>) attributes {dimension_semantics = [#tpu.dimension_semantics<core_parallel>, #tpu.dimension_semantics<subcore_parallel>], iteration_bounds = array<i64: 2, 16>, scalar_prefetch = 0 : i64, scratch_operands = 10 : i64, tpu.core_type = #tpu.core_type<sc_vector_subcore>, window_params = [{transform_indices = #map}, {transform_indices = #map}, {transform_indices = #map1}, {transform_indices = #map1}, {transform_indices = #map}, {transform_indices = #map}]} {
    %mul3A = arith.constant 2 : i32
    %mul3A_0 = arith.muli %arg1, %mul3A : i32
    %add3A = arith.addi %mul3A_0, %arg0 : i32
    %mul3A_1 = arith.constant 1568 : i32
    %mul3A_2 = arith.muli %add3A, %mul3A_1 : i32
    %scan3A = arith.constant 0 : i32
    %scan3A_3 = arith.constant 12 : i32
    %scan3A_4 = arith.addi %scan3A, %scan3A_3 : i32
    %scan3A_5 = arith.constant 1 : i32
    scf.for %scan3A_19 = %scan3A to %scan3A_4 step %scan3A_5  : i32 {
      %mul3A_20 = arith.constant 1 : i32
      %mul3A_21 = arith.muli %scan3A_19, %mul3A_20 : i32
      %add3A_22 = arith.constant 0 : i32
      %add3A_23 = arith.addi %add3A_22, %mul3A_21 : i32
      %mul3A_24 = arith.constant 128 : i32
      %mul3A_25 = arith.muli %add3A_23, %mul3A_24 : i32
      %add3A_26 = arith.addi %mul3A_2, %mul3A_25 : i32
      %multiple_of3A = tpu.assume_multiple %add3A_26, 8 : i32
      "tpu.region"() ({
        %run_scoped3A = tpu.sem_alloc : memref<!tpu.dma_semaphore, #tpu.memory_space<semaphore_mem>>
        %dma_start3A_39 = tpu.memref_slice %arg4[%multiple_of3A] : memref<50176xi32, #tpu.memory_space<hbm>> -> memref<128xi32, #tpu.memory_space<hbm>>
        %dma_start3A_40 = tpu.memref_slice %arg4[%multiple_of3A] : memref<50176xi32, #tpu.memory_space<hbm>> -> memref<128xi32, #tpu.memory_space<hbm>>
        tpu.enqueue_dma source(%dma_start3A_40 : memref<128xi32, #tpu.memory_space<hbm>>) target(%arg8 : memref<128xi32, #tpu.memory_space<vmem>>) target_semaphore(%run_scoped3A : memref<!tpu.dma_semaphore, #tpu.memory_space<semaphore_mem>>)
        %dma_wait3A_41 = tpu.memref_slice %arg4[%multiple_of3A] : memref<50176xi32, #tpu.memory_space<hbm>> -> memref<128xi32, #tpu.memory_space<hbm>>
        %dma_wait3A_42 = tpu.memref_slice %arg4[%multiple_of3A] : memref<50176xi32, #tpu.memory_space<hbm>> -> memref<128xi32, #tpu.memory_space<hbm>>
        tpu.wait_dma2 semaphore(%run_scoped3A : memref<!tpu.dma_semaphore, #tpu.memory_space<semaphore_mem>>) src(%dma_wait3A_42 : memref<128xi32, #tpu.memory_space<hbm>>) dst(%arg8 : memref<128xi32, #tpu.memory_space<vmem>>)
        tpu.yield
      }) : () -> ()
      "tpu.region"() ({
        %run_scoped3A = tpu.sem_alloc : memref<!tpu.dma_semaphore, #tpu.memory_space<semaphore_mem>>
        %dma_start3A_39 = tpu.memref_slice %arg5[%multiple_of3A] : memref<50176xi32, #tpu.memory_space<hbm>> -> memref<128xi32, #tpu.memory_space<hbm>>
        %dma_start3A_40 = tpu.memref_slice %arg5[%multiple_of3A] : memref<50176xi32, #tpu.memory_space<hbm>> -> memref<128xi32, #tpu.memory_space<hbm>>
        tpu.enqueue_dma source(%dma_start3A_40 : memref<128xi32, #tpu.memory_space<hbm>>) target(%arg9 : memref<128xi32, #tpu.memory_space<vmem>>) target_semaphore(%run_scoped3A : memref<!tpu.dma_semaphore, #tpu.memory_space<semaphore_mem>>)
        %dma_wait3A_41 = tpu.memref_slice %arg5[%multiple_of3A] : memref<50176xi32, #tpu.memory_space<hbm>> -> memref<128xi32, #tpu.memory_space<hbm>>
        %dma_wait3A_42 = tpu.memref_slice %arg5[%multiple_of3A] : memref<50176xi32, #tpu.memory_space<hbm>> -> memref<128xi32, #tpu.memory_space<hbm>>
        tpu.wait_dma2 semaphore(%run_scoped3A : memref<!tpu.dma_semaphore, #tpu.memory_space<semaphore_mem>>) src(%dma_wait3A_42 : memref<128xi32, #tpu.memory_space<hbm>>) dst(%arg9 : memref<128xi32, #tpu.memory_space<vmem>>)
        tpu.yield
      }) : () -> ()
      %dma_start3A_27 = arith.constant 0 : i32
      %dma_start3A_28 = arith.constant 0 : i32
      %dma_start3A_29 = tpu.memref_slice %arg2[%dma_start3A_27, %dma_start3A_28] : memref<5000x128xf32, #tpu.memory_space<hbm>> -> memref<5000x128xf32, #tpu.memory_space<hbm>>
      tpu.enqueue_indirect_dma source(%dma_start3A_29 : memref<5000x128xf32, #tpu.memory_space<hbm>>) target(%arg12 : memref<128x128xf32, #tpu.memory_space<vmem>>) offsets(%arg8 : memref<128xi32, #tpu.memory_space<vmem>>) semaphore(%arg16 : memref<!tpu.dma_semaphore, #tpu.memory_space<semaphore_mem>>)
      %dma_start3A_30 = arith.constant 0 : i32
      %dma_start3A_31 = arith.constant 0 : i32
      %dma_start3A_32 = tpu.memref_slice %arg3[%dma_start3A_30, %dma_start3A_31] : memref<5000x128xf32, #tpu.memory_space<hbm>> -> memref<5000x128xf32, #tpu.memory_space<hbm>>
      tpu.enqueue_indirect_dma source(%dma_start3A_32 : memref<5000x128xf32, #tpu.memory_space<hbm>>) target(%arg13 : memref<128x128xf32, #tpu.memory_space<vmem>>) offsets(%arg9 : memref<128xi32, #tpu.memory_space<vmem>>) semaphore(%arg17 : memref<!tpu.dma_semaphore, #tpu.memory_space<semaphore_mem>>)
      %dma_wait3A_33 = arith.constant 0 : i32
      %dma_wait3A_34 = arith.constant 0 : i32
      %dma_wait3A_35 = tpu.memref_slice %arg2[%dma_wait3A_33, %dma_wait3A_34] : memref<5000x128xf32, #tpu.memory_space<hbm>> -> memref<5000x128xf32, #tpu.memory_space<hbm>>
      tpu.wait_indirect_dma semaphore(%arg16 : memref<!tpu.dma_semaphore, #tpu.memory_space<semaphore_mem>>) src(%dma_wait3A_35 : memref<5000x128xf32, #tpu.memory_space<hbm>>) dst(%arg12 : memref<128x128xf32, #tpu.memory_space<vmem>>)
      %dma_wait3A_36 = arith.constant 0 : i32
      %dma_wait3A_37 = arith.constant 0 : i32
      %dma_wait3A_38 = tpu.memref_slice %arg3[%dma_wait3A_36, %dma_wait3A_37] : memref<5000x128xf32, #tpu.memory_space<hbm>> -> memref<5000x128xf32, #tpu.memory_space<hbm>>
      tpu.wait_indirect_dma semaphore(%arg17 : memref<!tpu.dma_semaphore, #tpu.memory_space<semaphore_mem>>) src(%dma_wait3A_38 : memref<5000x128xf32, #tpu.memory_space<hbm>>) dst(%arg13 : memref<128x128xf32, #tpu.memory_space<vmem>>)
      "tpu.region"() ({
        %run_scoped3A = tpu.sem_alloc : memref<!tpu.dma_semaphore, #tpu.memory_space<semaphore_mem>>
        %dma_start3A_39 = arith.constant 0 : i32
        %dma_start3A_40 = tpu.memref_slice %arg6[%multiple_of3A, %dma_start3A_39] : memref<50176x128xf32, #tpu.memory_space<hbm>> -> memref<128x128xf32, #tpu.memory_space<hbm>>
        %dma_start3A_41 = arith.constant 0 : i32
        %dma_start3A_42 = tpu.memref_slice %arg6[%multiple_of3A, %dma_start3A_41] : memref<50176x128xf32, #tpu.memory_space<hbm>> -> memref<128x128xf32, #tpu.memory_space<hbm>>
        tpu.enqueue_dma source(%arg12 : memref<128x128xf32, #tpu.memory_space<vmem>>) target(%dma_start3A_42 : memref<128x128xf32, #tpu.memory_space<hbm>>) target_semaphore(%run_scoped3A : memref<!tpu.dma_semaphore, #tpu.memory_space<semaphore_mem>>)
        %dma_wait3A_43 = arith.constant 0 : i32
        %dma_wait3A_44 = tpu.memref_slice %arg6[%multiple_of3A, %dma_wait3A_43] : memref<50176x128xf32, #tpu.memory_space<hbm>> -> memref<128x128xf32, #tpu.memory_space<hbm>>
        %dma_wait3A_45 = arith.constant 0 : i32
        %dma_wait3A_46 = tpu.memref_slice %arg6[%multiple_of3A, %dma_wait3A_45] : memref<50176x128xf32, #tpu.memory_space<hbm>> -> memref<128x128xf32, #tpu.memory_space<hbm>>
        tpu.wait_dma2 semaphore(%run_scoped3A : memref<!tpu.dma_semaphore, #tpu.memory_space<semaphore_mem>>) src(%arg12 : memref<128x128xf32, #tpu.memory_space<vmem>>) dst(%dma_wait3A_46 : memref<128x128xf32, #tpu.memory_space<hbm>>)
        tpu.yield
      }) : () -> ()
      "tpu.region"() ({
        %run_scoped3A = tpu.sem_alloc : memref<!tpu.dma_semaphore, #tpu.memory_space<semaphore_mem>>
        %dma_start3A_39 = arith.constant 0 : i32
        %dma_start3A_40 = tpu.memref_slice %arg7[%multiple_of3A, %dma_start3A_39] : memref<50176x128xf32, #tpu.memory_space<hbm>> -> memref<128x128xf32, #tpu.memory_space<hbm>>
        %dma_start3A_41 = arith.constant 0 : i32
        %dma_start3A_42 = tpu.memref_slice %arg7[%multiple_of3A, %dma_start3A_41] : memref<50176x128xf32, #tpu.memory_space<hbm>> -> memref<128x128xf32, #tpu.memory_space<hbm>>
        tpu.enqueue_dma source(%arg13 : memref<128x128xf32, #tpu.memory_space<vmem>>) target(%dma_start3A_42 : memref<128x128xf32, #tpu.memory_space<hbm>>) target_semaphore(%run_scoped3A : memref<!tpu.dma_semaphore, #tpu.memory_space<semaphore_mem>>)
        %dma_wait3A_43 = arith.constant 0 : i32
        %dma_wait3A_44 = tpu.memref_slice %arg7[%multiple_of3A, %dma_wait3A_43] : memref<50176x128xf32, #tpu.memory_space<hbm>> -> memref<128x128xf32, #tpu.memory_space<hbm>>
        %dma_wait3A_45 = arith.constant 0 : i32
        %dma_wait3A_46 = tpu.memref_slice %arg7[%multiple_of3A, %dma_wait3A_45] : memref<50176x128xf32, #tpu.memory_space<hbm>> -> memref<128x128xf32, #tpu.memory_space<hbm>>
        tpu.wait_dma2 semaphore(%run_scoped3A : memref<!tpu.dma_semaphore, #tpu.memory_space<semaphore_mem>>) src(%arg13 : memref<128x128xf32, #tpu.memory_space<vmem>>) dst(%dma_wait3A_46 : memref<128x128xf32, #tpu.memory_space<hbm>>)
        tpu.yield
      }) : () -> ()
    }
    %scan3A_6 = arith.constant 12 : i32
    %add3A_7 = arith.constant 1536 : i32
    %add3A_8 = arith.addi %mul3A_2, %add3A_7 : i32
    "tpu.region"() ({
      %run_scoped3A = tpu.sem_alloc : memref<!tpu.dma_semaphore, #tpu.memory_space<semaphore_mem>>
      %dma_start3A_19 = tpu.memref_slice %arg4[%add3A_8] : memref<50176xi32, #tpu.memory_space<hbm>> -> memref<32xi32, #tpu.memory_space<hbm>>
      %dma_start3A_20 = tpu.memref_slice %arg4[%add3A_8] : memref<50176xi32, #tpu.memory_space<hbm>> -> memref<32xi32, #tpu.memory_space<hbm>>
      tpu.enqueue_dma source(%dma_start3A_20 : memref<32xi32, #tpu.memory_space<hbm>>) target(%arg10 : memref<32xi32, #tpu.memory_space<vmem>>) target_semaphore(%run_scoped3A : memref<!tpu.dma_semaphore, #tpu.memory_space<semaphore_mem>>)
      %dma_wait3A_21 = tpu.memref_slice %arg4[%add3A_8] : memref<50176xi32, #tpu.memory_space<hbm>> -> memref<32xi32, #tpu.memory_space<hbm>>
      %dma_wait3A_22 = tpu.memref_slice %arg4[%add3A_8] : memref<50176xi32, #tpu.memory_space<hbm>> -> memref<32xi32, #tpu.memory_space<hbm>>
      tpu.wait_dma2 semaphore(%run_scoped3A : memref<!tpu.dma_semaphore, #tpu.memory_space<semaphore_mem>>) src(%dma_wait3A_22 : memref<32xi32, #tpu.memory_space<hbm>>) dst(%arg10 : memref<32xi32, #tpu.memory_space<vmem>>)
      tpu.yield
    }) : () -> ()
    "tpu.region"() ({
      %run_scoped3A = tpu.sem_alloc : memref<!tpu.dma_semaphore, #tpu.memory_space<semaphore_mem>>
      %dma_start3A_19 = tpu.memref_slice %arg5[%add3A_8] : memref<50176xi32, #tpu.memory_space<hbm>> -> memref<32xi32, #tpu.memory_space<hbm>>
      %dma_start3A_20 = tpu.memref_slice %arg5[%add3A_8] : memref<50176xi32, #tpu.memory_space<hbm>> -> memref<32xi32, #tpu.memory_space<hbm>>
      tpu.enqueue_dma source(%dma_start3A_20 : memref<32xi32, #tpu.memory_space<hbm>>) target(%arg11 : memref<32xi32, #tpu.memory_space<vmem>>) target_semaphore(%run_scoped3A : memref<!tpu.dma_semaphore, #tpu.memory_space<semaphore_mem>>)
      %dma_wait3A_21 = tpu.memref_slice %arg5[%add3A_8] : memref<50176xi32, #tpu.memory_space<hbm>> -> memref<32xi32, #tpu.memory_space<hbm>>
      %dma_wait3A_22 = tpu.memref_slice %arg5[%add3A_8] : memref<50176xi32, #tpu.memory_space<hbm>> -> memref<32xi32, #tpu.memory_space<hbm>>
      tpu.wait_dma2 semaphore(%run_scoped3A : memref<!tpu.dma_semaphore, #tpu.memory_space<semaphore_mem>>) src(%dma_wait3A_22 : memref<32xi32, #tpu.memory_space<hbm>>) dst(%arg11 : memref<32xi32, #tpu.memory_space<vmem>>)
      tpu.yield
    }) : () -> ()
    %dma_start3A = arith.constant 0 : i32
    %dma_start3A_9 = arith.constant 0 : i32
    %dma_start3A_10 = tpu.memref_slice %arg2[%dma_start3A, %dma_start3A_9] : memref<5000x128xf32, #tpu.memory_space<hbm>> -> memref<5000x128xf32, #tpu.memory_space<hbm>>
    tpu.enqueue_indirect_dma source(%dma_start3A_10 : memref<5000x128xf32, #tpu.memory_space<hbm>>) target(%arg14 : memref<32x128xf32, #tpu.memory_space<vmem>>) offsets(%arg10 : memref<32xi32, #tpu.memory_space<vmem>>) semaphore(%arg16 : memref<!tpu.dma_semaphore, #tpu.memory_space<semaphore_mem>>)
    %dma_start3A_11 = arith.constant 0 : i32
    %dma_start3A_12 = arith.constant 0 : i32
    %dma_start3A_13 = tpu.memref_slice %arg3[%dma_start3A_11, %dma_start3A_12] : memref<5000x128xf32, #tpu.memory_space<hbm>> -> memref<5000x128xf32, #tpu.memory_space<hbm>>
    tpu.enqueue_indirect_dma source(%dma_start3A_13 : memref<5000x128xf32, #tpu.memory_space<hbm>>) target(%arg15 : memref<32x128xf32, #tpu.memory_space<vmem>>) offsets(%arg11 : memref<32xi32, #tpu.memory_space<vmem>>) semaphore(%arg17 : memref<!tpu.dma_semaphore, #tpu.memory_space<semaphore_mem>>)
    %dma_wait3A = arith.constant 0 : i32
    %dma_wait3A_14 = arith.constant 0 : i32
    %dma_wait3A_15 = tpu.memref_slice %arg2[%dma_wait3A, %dma_wait3A_14] : memref<5000x128xf32, #tpu.memory_space<hbm>> -> memref<5000x128xf32, #tpu.memory_space<hbm>>
    tpu.wait_indirect_dma semaphore(%arg16 : memref<!tpu.dma_semaphore, #tpu.memory_space<semaphore_mem>>) src(%dma_wait3A_15 : memref<5000x128xf32, #tpu.memory_space<hbm>>) dst(%arg14 : memref<32x128xf32, #tpu.memory_space<vmem>>)
    %dma_wait3A_16 = arith.constant 0 : i32
    %dma_wait3A_17 = arith.constant 0 : i32
    %dma_wait3A_18 = tpu.memref_slice %arg3[%dma_wait3A_16, %dma_wait3A_17] : memref<5000x128xf32, #tpu.memory_space<hbm>> -> memref<5000x128xf32, #tpu.memory_space<hbm>>
    tpu.wait_indirect_dma semaphore(%arg17 : memref<!tpu.dma_semaphore, #tpu.memory_space<semaphore_mem>>) src(%dma_wait3A_18 : memref<5000x128xf32, #tpu.memory_space<hbm>>) dst(%arg15 : memref<32x128xf32, #tpu.memory_space<vmem>>)
    "tpu.region"() ({
      %run_scoped3A = tpu.sem_alloc : memref<!tpu.dma_semaphore, #tpu.memory_space<semaphore_mem>>
      %dma_start3A_19 = arith.constant 0 : i32
      %dma_start3A_20 = tpu.memref_slice %arg6[%add3A_8, %dma_start3A_19] : memref<50176x128xf32, #tpu.memory_space<hbm>> -> memref<32x128xf32, #tpu.memory_space<hbm>>
      %dma_start3A_21 = arith.constant 0 : i32
      %dma_start3A_22 = tpu.memref_slice %arg6[%add3A_8, %dma_start3A_21] : memref<50176x128xf32, #tpu.memory_space<hbm>> -> memref<32x128xf32, #tpu.memory_space<hbm>>
      tpu.enqueue_dma source(%arg14 : memref<32x128xf32, #tpu.memory_space<vmem>>) target(%dma_start3A_22 : memref<32x128xf32, #tpu.memory_space<hbm>>) target_semaphore(%run_scoped3A : memref<!tpu.dma_semaphore, #tpu.memory_space<semaphore_mem>>)
      %dma_wait3A_23 = arith.constant 0 : i32
      %dma_wait3A_24 = tpu.memref_slice %arg6[%add3A_8, %dma_wait3A_23] : memref<50176x128xf32, #tpu.memory_space<hbm>> -> memref<32x128xf32, #tpu.memory_space<hbm>>
      %dma_wait3A_25 = arith.constant 0 : i32
      %dma_wait3A_26 = tpu.memref_slice %arg6[%add3A_8, %dma_wait3A_25] : memref<50176x128xf32, #tpu.memory_space<hbm>> -> memref<32x128xf32, #tpu.memory_space<hbm>>
      tpu.wait_dma2 semaphore(%run_scoped3A : memref<!tpu.dma_semaphore, #tpu.memory_space<semaphore_mem>>) src(%arg14 : memref<32x128xf32, #tpu.memory_space<vmem>>) dst(%dma_wait3A_26 : memref<32x128xf32, #tpu.memory_space<hbm>>)
      tpu.yield
    }) : () -> ()
    "tpu.region"() ({
      %run_scoped3A = tpu.sem_alloc : memref<!tpu.dma_semaphore, #tpu.memory_space<semaphore_mem>>
      %dma_start3A_19 = arith.constant 0 : i32
      %dma_start3A_20 = tpu.memref_slice %arg7[%add3A_8, %dma_start3A_19] : memref<50176x128xf32, #tpu.memory_space<hbm>> -> memref<32x128xf32, #tpu.memory_space<hbm>>
      %dma_start3A_21 = arith.constant 0 : i32
      %dma_start3A_22 = tpu.memref_slice %arg7[%add3A_8, %dma_start3A_21] : memref<50176x128xf32, #tpu.memory_space<hbm>> -> memref<32x128xf32, #tpu.memory_space<hbm>>
      tpu.enqueue_dma source(%arg15 : memref<32x128xf32, #tpu.memory_space<vmem>>) target(%dma_start3A_22 : memref<32x128xf32, #tpu.memory_space<hbm>>) target_semaphore(%run_scoped3A : memref<!tpu.dma_semaphore, #tpu.memory_space<semaphore_mem>>)
      %dma_wait3A_23 = arith.constant 0 : i32
      %dma_wait3A_24 = tpu.memref_slice %arg7[%add3A_8, %dma_wait3A_23] : memref<50176x128xf32, #tpu.memory_space<hbm>> -> memref<32x128xf32, #tpu.memory_space<hbm>>
      %dma_wait3A_25 = arith.constant 0 : i32
      %dma_wait3A_26 = tpu.memref_slice %arg7[%add3A_8, %dma_wait3A_25] : memref<50176x128xf32, #tpu.memory_space<hbm>> -> memref<32x128xf32, #tpu.memory_space<hbm>>
      tpu.wait_dma2 semaphore(%run_scoped3A : memref<!tpu.dma_semaphore, #tpu.memory_space<semaphore_mem>>) src(%arg15 : memref<32x128xf32, #tpu.memory_space<vmem>>) dst(%dma_wait3A_26 : memref<32x128xf32, #tpu.memory_space<hbm>>)
      tpu.yield
    }) : () -> ()
    return
  }
}

#map = affine_map<(d0, d1) -> (0, 0)>
#map1 = affine_map<(d0, d1) -> (0)>
module attributes {stable_mosaic.version = 14 : i64} {
  func.func @_sc_edge_agg(%arg0: i32, %arg1: i32, %arg2: memref<5000x128xf32, #tpu.memory_space<hbm>>, %arg3: memref<5000x128xf32, #tpu.memory_space<hbm>>, %arg4: memref<160000xi32, #tpu.memory_space<hbm>>, %arg5: memref<160000xi32, #tpu.memory_space<hbm>>, %arg6: memref<160000xi32, #tpu.memory_space<hbm>>, %arg7: memref<160000xi32, #tpu.memory_space<hbm>>, %arg8: memref<5120x128xf32, #tpu.memory_space<hbm>>, %arg9: memref<16x5120xi32, #tpu.memory_space<hbm>>, %arg10: memref<5120x128xf32, #tpu.memory_space<hbm>>, %arg11: memref<16x5120xi32, #tpu.memory_space<hbm>>, %arg12: memref<5120x128xf32, #tpu.memory_space<vmem_shared>>, %arg13: memref<128xi32, #tpu.memory_space<vmem>>, %arg14: memref<128xi32, #tpu.memory_space<vmem>>, %arg15: memref<16xi32, #tpu.memory_space<vmem>>, %arg16: memref<16xi32, #tpu.memory_space<vmem>>, %arg17: memref<128x128xf32, #tpu.memory_space<vmem>>, %arg18: memref<16x128xf32, #tpu.memory_space<vmem>>, %arg19: memref<5120xi32, #tpu.memory_space<vmem>>, %arg20: memref<16x128xf32, #tpu.memory_space<vmem>>, %arg21: memref<!tpu.dma_semaphore, #tpu.memory_space<semaphore_mem>>) attributes {dimension_semantics = [#tpu.dimension_semantics<core_parallel>, #tpu.dimension_semantics<subcore_parallel>], iteration_bounds = array<i64: 2, 16>, scalar_prefetch = 0 : i64, scratch_operands = 10 : i64, tpu.core_type = #tpu.core_type<sc_vector_subcore>, window_params = [{transform_indices = #map}, {transform_indices = #map}, {transform_indices = #map1}, {transform_indices = #map1}, {transform_indices = #map1}, {transform_indices = #map1}, {transform_indices = #map}, {transform_indices = #map}, {transform_indices = #map}, {transform_indices = #map}]} {
    %broadcast_in_dim3A = arith.constant 1 : i32
    %broadcast_in_dim3A_0 = vector.broadcast %broadcast_in_dim3A : i32 to vector<16xi32>
    %broadcast_in_dim3A_1 = arith.constant 0.000000e+00 : f32
    %broadcast_in_dim3A_2 = vector.broadcast %broadcast_in_dim3A_1 : f32 to vector<16xf32>
    %broadcast_in_dim3A_3 = arith.constant 0 : i32
    %broadcast_in_dim3A_4 = vector.broadcast %broadcast_in_dim3A_3 : i32 to vector<16xi32>
    %scan3A = arith.constant 0 : i32
    %scan3A_5 = arith.constant 320 : i32
    %scan3A_6 = arith.addi %scan3A, %scan3A_5 : i32
    %scan3A_7 = arith.constant 1 : i32
    scf.for %scan3A_578 = %scan3A to %scan3A_6 step %scan3A_7  : i32 {
      %mul3A_579 = arith.constant 1 : i32
      %mul3A_580 = arith.muli %scan3A_578, %mul3A_579 : i32
      %add3A_581 = arith.constant 0 : i32
      %add3A_582 = arith.addi %add3A_581, %mul3A_580 : i32
      %mul3A_583 = arith.constant 16 : i32
      %mul3A_584 = arith.muli %add3A_582, %mul3A_583 : i32
      %multiple_of3A = tpu.assume_multiple %mul3A_584, 16 : i32
      %swap3A_585 = arith.index_cast %multiple_of3A : i32 to index
      %swap3A_586 = tpu.vector_load %arg19[%swap3A_585] {strides = array<i32>} : memref<5120xi32, #tpu.memory_space<vmem>>, vector<16xi32>,
      tpu.vector_store %arg19[%swap3A_585], %broadcast_in_dim3A_4 {strides = array<i32>} : memref<5120xi32, #tpu.memory_space<vmem>>, vector<16xi32>,
    }
    %scan3A_8 = arith.constant 320 : i32
    %swap3A = arith.constant 0 : i32
    %swap3A_9 = arith.index_cast %swap3A : i32 to index
    %swap3A_10 = arith.constant 0 : index
    %swap3A_11 = tpu.vector_load %arg20[%swap3A_9, %swap3A_10] {strides = array<i32>} : memref<16x128xf32, #tpu.memory_space<vmem>>, vector<16xf32>,
    tpu.vector_store %arg20[%swap3A_9, %swap3A_10], %broadcast_in_dim3A_2 {strides = array<i32>} : memref<16x128xf32, #tpu.memory_space<vmem>>, vector<16xf32>,
    %swap3A_12 = arith.constant 0 : i32
    %swap3A_13 = arith.index_cast %swap3A_12 : i32 to index
    %swap3A_14 = arith.constant 16 : index
    %swap3A_15 = tpu.vector_load %arg20[%swap3A_13, %swap3A_14] {strides = array<i32>} : memref<16x128xf32, #tpu.memory_space<vmem>>, vector<16xf32>,
    tpu.vector_store %arg20[%swap3A_13, %swap3A_14], %broadcast_in_dim3A_2 {strides = array<i32>} : memref<16x128xf32, #tpu.memory_space<vmem>>, vector<16xf32>,
    %swap3A_16 = arith.constant 0 : i32
    %swap3A_17 = arith.index_cast %swap3A_16 : i32 to index
    %swap3A_18 = arith.constant 32 : index
    %swap3A_19 = tpu.vector_load %arg20[%swap3A_17, %swap3A_18] {strides = array<i32>} : memref<16x128xf32, #tpu.memory_space<vmem>>, vector<16xf32>,
    tpu.vector_store %arg20[%swap3A_17, %swap3A_18], %broadcast_in_dim3A_2 {strides = array<i32>} : memref<16x128xf32, #tpu.memory_space<vmem>>, vector<16xf32>,
    %swap3A_20 = arith.constant 0 : i32
    %swap3A_21 = arith.index_cast %swap3A_20 : i32 to index
    %swap3A_22 = arith.constant 48 : index
    %swap3A_23 = tpu.vector_load %arg20[%swap3A_21, %swap3A_22] {strides = array<i32>} : memref<16x128xf32, #tpu.memory_space<vmem>>, vector<16xf32>,
    tpu.vector_store %arg20[%swap3A_21, %swap3A_22], %broadcast_in_dim3A_2 {strides = array<i32>} : memref<16x128xf32, #tpu.memory_space<vmem>>, vector<16xf32>,
    %swap3A_24 = arith.constant 0 : i32
    %swap3A_25 = arith.index_cast %swap3A_24 : i32 to index
    %swap3A_26 = arith.constant 64 : index
    %swap3A_27 = tpu.vector_load %arg20[%swap3A_25, %swap3A_26] {strides = array<i32>} : memref<16x128xf32, #tpu.memory_space<vmem>>, vector<16xf32>,
    tpu.vector_store %arg20[%swap3A_25, %swap3A_26], %broadcast_in_dim3A_2 {strides = array<i32>} : memref<16x128xf32, #tpu.memory_space<vmem>>, vector<16xf32>,
    %swap3A_28 = arith.constant 0 : i32
    %swap3A_29 = arith.index_cast %swap3A_28 : i32 to index
    %swap3A_30 = arith.constant 80 : index
    %swap3A_31 = tpu.vector_load %arg20[%swap3A_29, %swap3A_30] {strides = array<i32>} : memref<16x128xf32, #tpu.memory_space<vmem>>, vector<16xf32>,
    tpu.vector_store %arg20[%swap3A_29, %swap3A_30], %broadcast_in_dim3A_2 {strides = array<i32>} : memref<16x128xf32, #tpu.memory_space<vmem>>, vector<16xf32>,
    %swap3A_32 = arith.constant 0 : i32
    %swap3A_33 = arith.index_cast %swap3A_32 : i32 to index
    %swap3A_34 = arith.constant 96 : index
    %swap3A_35 = tpu.vector_load %arg20[%swap3A_33, %swap3A_34] {strides = array<i32>} : memref<16x128xf32, #tpu.memory_space<vmem>>, vector<16xf32>,
    tpu.vector_store %arg20[%swap3A_33, %swap3A_34], %broadcast_in_dim3A_2 {strides = array<i32>} : memref<16x128xf32, #tpu.memory_space<vmem>>, vector<16xf32>,
    %swap3A_36 = arith.constant 0 : i32
    %swap3A_37 = arith.index_cast %swap3A_36 : i32 to index
    %swap3A_38 = arith.constant 112 : index
    %swap3A_39 = tpu.vector_load %arg20[%swap3A_37, %swap3A_38] {strides = array<i32>} : memref<16x128xf32, #tpu.memory_space<vmem>>, vector<16xf32>,
    tpu.vector_store %arg20[%swap3A_37, %swap3A_38], %broadcast_in_dim3A_2 {strides = array<i32>} : memref<16x128xf32, #tpu.memory_space<vmem>>, vector<16xf32>,
    %swap3A_40 = arith.constant 1 : i32
    %swap3A_41 = arith.index_cast %swap3A_40 : i32 to index
    %swap3A_42 = arith.constant 0 : index
    %swap3A_43 = tpu.vector_load %arg20[%swap3A_41, %swap3A_42] {strides = array<i32>} : memref<16x128xf32, #tpu.memory_space<vmem>>, vector<16xf32>,
    tpu.vector_store %arg20[%swap3A_41, %swap3A_42], %broadcast_in_dim3A_2 {strides = array<i32>} : memref<16x128xf32, #tpu.memory_space<vmem>>, vector<16xf32>,
    %swap3A_44 = arith.constant 1 : i32
    %swap3A_45 = arith.index_cast %swap3A_44 : i32 to index
    %swap3A_46 = arith.constant 16 : index
    %swap3A_47 = tpu.vector_load %arg20[%swap3A_45, %swap3A_46] {strides = array<i32>} : memref<16x128xf32, #tpu.memory_space<vmem>>, vector<16xf32>,
    tpu.vector_store %arg20[%swap3A_45, %swap3A_46], %broadcast_in_dim3A_2 {strides = array<i32>} : memref<16x128xf32, #tpu.memory_space<vmem>>, vector<16xf32>,
    %swap3A_48 = arith.constant 1 : i32
    %swap3A_49 = arith.index_cast %swap3A_48 : i32 to index
    %swap3A_50 = arith.constant 32 : index
    %swap3A_51 = tpu.vector_load %arg20[%swap3A_49, %swap3A_50] {strides = array<i32>} : memref<16x128xf32, #tpu.memory_space<vmem>>, vector<16xf32>,
    tpu.vector_store %arg20[%swap3A_49, %swap3A_50], %broadcast_in_dim3A_2 {strides = array<i32>} : memref<16x128xf32, #tpu.memory_space<vmem>>, vector<16xf32>,
    %swap3A_52 = arith.constant 1 : i32
    %swap3A_53 = arith.index_cast %swap3A_52 : i32 to index
    %swap3A_54 = arith.constant 48 : index
    %swap3A_55 = tpu.vector_load %arg20[%swap3A_53, %swap3A_54] {strides = array<i32>} : memref<16x128xf32, #tpu.memory_space<vmem>>, vector<16xf32>,
    tpu.vector_store %arg20[%swap3A_53, %swap3A_54], %broadcast_in_dim3A_2 {strides = array<i32>} : memref<16x128xf32, #tpu.memory_space<vmem>>, vector<16xf32>,
    %swap3A_56 = arith.constant 1 : i32
    %swap3A_57 = arith.index_cast %swap3A_56 : i32 to index
    %swap3A_58 = arith.constant 64 : index
    %swap3A_59 = tpu.vector_load %arg20[%swap3A_57, %swap3A_58] {strides = array<i32>} : memref<16x128xf32, #tpu.memory_space<vmem>>, vector<16xf32>,
    tpu.vector_store %arg20[%swap3A_57, %swap3A_58], %broadcast_in_dim3A_2 {strides = array<i32>} : memref<16x128xf32, #tpu.memory_space<vmem>>, vector<16xf32>,
    %swap3A_60 = arith.constant 1 : i32
    %swap3A_61 = arith.index_cast %swap3A_60 : i32 to index
    %swap3A_62 = arith.constant 80 : index
    %swap3A_63 = tpu.vector_load %arg20[%swap3A_61, %swap3A_62] {strides = array<i32>} : memref<16x128xf32, #tpu.memory_space<vmem>>, vector<16xf32>,
    tpu.vector_store %arg20[%swap3A_61, %swap3A_62], %broadcast_in_dim3A_2 {strides = array<i32>} : memref<16x128xf32, #tpu.memory_space<vmem>>, vector<16xf32>,
    %swap3A_64 = arith.constant 1 : i32
    %swap3A_65 = arith.index_cast %swap3A_64 : i32 to index
    %swap3A_66 = arith.constant 96 : index
    %swap3A_67 = tpu.vector_load %arg20[%swap3A_65, %swap3A_66] {strides = array<i32>} : memref<16x128xf32, #tpu.memory_space<vmem>>, vector<16xf32>,
    tpu.vector_store %arg20[%swap3A_65, %swap3A_66], %broadcast_in_dim3A_2 {strides = array<i32>} : memref<16x128xf32, #tpu.memory_space<vmem>>, vector<16xf32>,
    %swap3A_68 = arith.constant 1 : i32
    %swap3A_69 = arith.index_cast %swap3A_68 : i32 to index
    %swap3A_70 = arith.constant 112 : index
    %swap3A_71 = tpu.vector_load %arg20[%swap3A_69, %swap3A_70] {strides = array<i32>} : memref<16x128xf32, #tpu.memory_space<vmem>>, vector<16xf32>,
    tpu.vector_store %arg20[%swap3A_69, %swap3A_70], %broadcast_in_dim3A_2 {strides = array<i32>} : memref<16x128xf32, #tpu.memory_space<vmem>>, vector<16xf32>,
    %swap3A_72 = arith.constant 2 : i32
    %swap3A_73 = arith.index_cast %swap3A_72 : i32 to index
    %swap3A_74 = arith.constant 0 : index
    %swap3A_75 = tpu.vector_load %arg20[%swap3A_73, %swap3A_74] {strides = array<i32>} : memref<16x128xf32, #tpu.memory_space<vmem>>, vector<16xf32>,
    tpu.vector_store %arg20[%swap3A_73, %swap3A_74], %broadcast_in_dim3A_2 {strides = array<i32>} : memref<16x128xf32, #tpu.memory_space<vmem>>, vector<16xf32>,
    %swap3A_76 = arith.constant 2 : i32
    %swap3A_77 = arith.index_cast %swap3A_76 : i32 to index
    %swap3A_78 = arith.constant 16 : index
    %swap3A_79 = tpu.vector_load %arg20[%swap3A_77, %swap3A_78] {strides = array<i32>} : memref<16x128xf32, #tpu.memory_space<vmem>>, vector<16xf32>,
    tpu.vector_store %arg20[%swap3A_77, %swap3A_78], %broadcast_in_dim3A_2 {strides = array<i32>} : memref<16x128xf32, #tpu.memory_space<vmem>>, vector<16xf32>,
    %swap3A_80 = arith.constant 2 : i32
    %swap3A_81 = arith.index_cast %swap3A_80 : i32 to index
    %swap3A_82 = arith.constant 32 : index
    %swap3A_83 = tpu.vector_load %arg20[%swap3A_81, %swap3A_82] {strides = array<i32>} : memref<16x128xf32, #tpu.memory_space<vmem>>, vector<16xf32>,
    tpu.vector_store %arg20[%swap3A_81, %swap3A_82], %broadcast_in_dim3A_2 {strides = array<i32>} : memref<16x128xf32, #tpu.memory_space<vmem>>, vector<16xf32>,
    %swap3A_84 = arith.constant 2 : i32
    %swap3A_85 = arith.index_cast %swap3A_84 : i32 to index
    %swap3A_86 = arith.constant 48 : index
    %swap3A_87 = tpu.vector_load %arg20[%swap3A_85, %swap3A_86] {strides = array<i32>} : memref<16x128xf32, #tpu.memory_space<vmem>>, vector<16xf32>,
    tpu.vector_store %arg20[%swap3A_85, %swap3A_86], %broadcast_in_dim3A_2 {strides = array<i32>} : memref<16x128xf32, #tpu.memory_space<vmem>>, vector<16xf32>,
    %swap3A_88 = arith.constant 2 : i32
    %swap3A_89 = arith.index_cast %swap3A_88 : i32 to index
    %swap3A_90 = arith.constant 64 : index
    %swap3A_91 = tpu.vector_load %arg20[%swap3A_89, %swap3A_90] {strides = array<i32>} : memref<16x128xf32, #tpu.memory_space<vmem>>, vector<16xf32>,
    tpu.vector_store %arg20[%swap3A_89, %swap3A_90], %broadcast_in_dim3A_2 {strides = array<i32>} : memref<16x128xf32, #tpu.memory_space<vmem>>, vector<16xf32>,
    %swap3A_92 = arith.constant 2 : i32
    %swap3A_93 = arith.index_cast %swap3A_92 : i32 to index
    %swap3A_94 = arith.constant 80 : index
    %swap3A_95 = tpu.vector_load %arg20[%swap3A_93, %swap3A_94] {strides = array<i32>} : memref<16x128xf32, #tpu.memory_space<vmem>>, vector<16xf32>,
    tpu.vector_store %arg20[%swap3A_93, %swap3A_94], %broadcast_in_dim3A_2 {strides = array<i32>} : memref<16x128xf32, #tpu.memory_space<vmem>>, vector<16xf32>,
    %swap3A_96 = arith.constant 2 : i32
    %swap3A_97 = arith.index_cast %swap3A_96 : i32 to index
    %swap3A_98 = arith.constant 96 : index
    %swap3A_99 = tpu.vector_load %arg20[%swap3A_97, %swap3A_98] {strides = array<i32>} : memref<16x128xf32, #tpu.memory_space<vmem>>, vector<16xf32>,
    tpu.vector_store %arg20[%swap3A_97, %swap3A_98], %broadcast_in_dim3A_2 {strides = array<i32>} : memref<16x128xf32, #tpu.memory_space<vmem>>, vector<16xf32>,
    %swap3A_100 = arith.constant 2 : i32
    %swap3A_101 = arith.index_cast %swap3A_100 : i32 to index
    %swap3A_102 = arith.constant 112 : index
    %swap3A_103 = tpu.vector_load %arg20[%swap3A_101, %swap3A_102] {strides = array<i32>} : memref<16x128xf32, #tpu.memory_space<vmem>>, vector<16xf32>,
    tpu.vector_store %arg20[%swap3A_101, %swap3A_102], %broadcast_in_dim3A_2 {strides = array<i32>} : memref<16x128xf32, #tpu.memory_space<vmem>>, vector<16xf32>,
    %swap3A_104 = arith.constant 3 : i32
    %swap3A_105 = arith.index_cast %swap3A_104 : i32 to index
    %swap3A_106 = arith.constant 0 : index
    %swap3A_107 = tpu.vector_load %arg20[%swap3A_105, %swap3A_106] {strides = array<i32>} : memref<16x128xf32, #tpu.memory_space<vmem>>, vector<16xf32>,
    tpu.vector_store %arg20[%swap3A_105, %swap3A_106], %broadcast_in_dim3A_2 {strides = array<i32>} : memref<16x128xf32, #tpu.memory_space<vmem>>, vector<16xf32>,
    %swap3A_108 = arith.constant 3 : i32
    %swap3A_109 = arith.index_cast %swap3A_108 : i32 to index
    %swap3A_110 = arith.constant 16 : index
    %swap3A_111 = tpu.vector_load %arg20[%swap3A_109, %swap3A_110] {strides = array<i32>} : memref<16x128xf32, #tpu.memory_space<vmem>>, vector<16xf32>,
    tpu.vector_store %arg20[%swap3A_109, %swap3A_110], %broadcast_in_dim3A_2 {strides = array<i32>} : memref<16x128xf32, #tpu.memory_space<vmem>>, vector<16xf32>,
    %swap3A_112 = arith.constant 3 : i32
    %swap3A_113 = arith.index_cast %swap3A_112 : i32 to index
    %swap3A_114 = arith.constant 32 : index
    %swap3A_115 = tpu.vector_load %arg20[%swap3A_113, %swap3A_114] {strides = array<i32>} : memref<16x128xf32, #tpu.memory_space<vmem>>, vector<16xf32>,
    tpu.vector_store %arg20[%swap3A_113, %swap3A_114], %broadcast_in_dim3A_2 {strides = array<i32>} : memref<16x128xf32, #tpu.memory_space<vmem>>, vector<16xf32>,
    %swap3A_116 = arith.constant 3 : i32
    %swap3A_117 = arith.index_cast %swap3A_116 : i32 to index
    %swap3A_118 = arith.constant 48 : index
    %swap3A_119 = tpu.vector_load %arg20[%swap3A_117, %swap3A_118] {strides = array<i32>} : memref<16x128xf32, #tpu.memory_space<vmem>>, vector<16xf32>,
    tpu.vector_store %arg20[%swap3A_117, %swap3A_118], %broadcast_in_dim3A_2 {strides = array<i32>} : memref<16x128xf32, #tpu.memory_space<vmem>>, vector<16xf32>,
    %swap3A_120 = arith.constant 3 : i32
    %swap3A_121 = arith.index_cast %swap3A_120 : i32 to index
    %swap3A_122 = arith.constant 64 : index
    %swap3A_123 = tpu.vector_load %arg20[%swap3A_121, %swap3A_122] {strides = array<i32>} : memref<16x128xf32, #tpu.memory_space<vmem>>, vector<16xf32>,
    tpu.vector_store %arg20[%swap3A_121, %swap3A_122], %broadcast_in_dim3A_2 {strides = array<i32>} : memref<16x128xf32, #tpu.memory_space<vmem>>, vector<16xf32>,
    %swap3A_124 = arith.constant 3 : i32
    %swap3A_125 = arith.index_cast %swap3A_124 : i32 to index
    %swap3A_126 = arith.constant 80 : index
    %swap3A_127 = tpu.vector_load %arg20[%swap3A_125, %swap3A_126] {strides = array<i32>} : memref<16x128xf32, #tpu.memory_space<vmem>>, vector<16xf32>,
    tpu.vector_store %arg20[%swap3A_125, %swap3A_126], %broadcast_in_dim3A_2 {strides = array<i32>} : memref<16x128xf32, #tpu.memory_space<vmem>>, vector<16xf32>,
    %swap3A_128 = arith.constant 3 : i32
    %swap3A_129 = arith.index_cast %swap3A_128 : i32 to index
    %swap3A_130 = arith.constant 96 : index
    %swap3A_131 = tpu.vector_load %arg20[%swap3A_129, %swap3A_130] {strides = array<i32>} : memref<16x128xf32, #tpu.memory_space<vmem>>, vector<16xf32>,
    tpu.vector_store %arg20[%swap3A_129, %swap3A_130], %broadcast_in_dim3A_2 {strides = array<i32>} : memref<16x128xf32, #tpu.memory_space<vmem>>, vector<16xf32>,
    %swap3A_132 = arith.constant 3 : i32
    %swap3A_133 = arith.index_cast %swap3A_132 : i32 to index
    %swap3A_134 = arith.constant 112 : index
    %swap3A_135 = tpu.vector_load %arg20[%swap3A_133, %swap3A_134] {strides = array<i32>} : memref<16x128xf32, #tpu.memory_space<vmem>>, vector<16xf32>,
    tpu.vector_store %arg20[%swap3A_133, %swap3A_134], %broadcast_in_dim3A_2 {strides = array<i32>} : memref<16x128xf32, #tpu.memory_space<vmem>>, vector<16xf32>,
    %swap3A_136 = arith.constant 4 : i32
    %swap3A_137 = arith.index_cast %swap3A_136 : i32 to index
    %swap3A_138 = arith.constant 0 : index
    %swap3A_139 = tpu.vector_load %arg20[%swap3A_137, %swap3A_138] {strides = array<i32>} : memref<16x128xf32, #tpu.memory_space<vmem>>, vector<16xf32>,
    tpu.vector_store %arg20[%swap3A_137, %swap3A_138], %broadcast_in_dim3A_2 {strides = array<i32>} : memref<16x128xf32, #tpu.memory_space<vmem>>, vector<16xf32>,
    %swap3A_140 = arith.constant 4 : i32
    %swap3A_141 = arith.index_cast %swap3A_140 : i32 to index
    %swap3A_142 = arith.constant 16 : index
    %swap3A_143 = tpu.vector_load %arg20[%swap3A_141, %swap3A_142] {strides = array<i32>} : memref<16x128xf32, #tpu.memory_space<vmem>>, vector<16xf32>,
    tpu.vector_store %arg20[%swap3A_141, %swap3A_142], %broadcast_in_dim3A_2 {strides = array<i32>} : memref<16x128xf32, #tpu.memory_space<vmem>>, vector<16xf32>,
    %swap3A_144 = arith.constant 4 : i32
    %swap3A_145 = arith.index_cast %swap3A_144 : i32 to index
    %swap3A_146 = arith.constant 32 : index
    %swap3A_147 = tpu.vector_load %arg20[%swap3A_145, %swap3A_146] {strides = array<i32>} : memref<16x128xf32, #tpu.memory_space<vmem>>, vector<16xf32>,
    tpu.vector_store %arg20[%swap3A_145, %swap3A_146], %broadcast_in_dim3A_2 {strides = array<i32>} : memref<16x128xf32, #tpu.memory_space<vmem>>, vector<16xf32>,
    %swap3A_148 = arith.constant 4 : i32
    %swap3A_149 = arith.index_cast %swap3A_148 : i32 to index
    %swap3A_150 = arith.constant 48 : index
    %swap3A_151 = tpu.vector_load %arg20[%swap3A_149, %swap3A_150] {strides = array<i32>} : memref<16x128xf32, #tpu.memory_space<vmem>>, vector<16xf32>,
    tpu.vector_store %arg20[%swap3A_149, %swap3A_150], %broadcast_in_dim3A_2 {strides = array<i32>} : memref<16x128xf32, #tpu.memory_space<vmem>>, vector<16xf32>,
    %swap3A_152 = arith.constant 4 : i32
    %swap3A_153 = arith.index_cast %swap3A_152 : i32 to index
    %swap3A_154 = arith.constant 64 : index
    %swap3A_155 = tpu.vector_load %arg20[%swap3A_153, %swap3A_154] {strides = array<i32>} : memref<16x128xf32, #tpu.memory_space<vmem>>, vector<16xf32>,
    tpu.vector_store %arg20[%swap3A_153, %swap3A_154], %broadcast_in_dim3A_2 {strides = array<i32>} : memref<16x128xf32, #tpu.memory_space<vmem>>, vector<16xf32>,
    %swap3A_156 = arith.constant 4 : i32
    %swap3A_157 = arith.index_cast %swap3A_156 : i32 to index
    %swap3A_158 = arith.constant 80 : index
    %swap3A_159 = tpu.vector_load %arg20[%swap3A_157, %swap3A_158] {strides = array<i32>} : memref<16x128xf32, #tpu.memory_space<vmem>>, vector<16xf32>,
    tpu.vector_store %arg20[%swap3A_157, %swap3A_158], %broadcast_in_dim3A_2 {strides = array<i32>} : memref<16x128xf32, #tpu.memory_space<vmem>>, vector<16xf32>,
    %swap3A_160 = arith.constant 4 : i32
    %swap3A_161 = arith.index_cast %swap3A_160 : i32 to index
    %swap3A_162 = arith.constant 96 : index
    %swap3A_163 = tpu.vector_load %arg20[%swap3A_161, %swap3A_162] {strides = array<i32>} : memref<16x128xf32, #tpu.memory_space<vmem>>, vector<16xf32>,
    tpu.vector_store %arg20[%swap3A_161, %swap3A_162], %broadcast_in_dim3A_2 {strides = array<i32>} : memref<16x128xf32, #tpu.memory_space<vmem>>, vector<16xf32>,
    %swap3A_164 = arith.constant 4 : i32
    %swap3A_165 = arith.index_cast %swap3A_164 : i32 to index
    %swap3A_166 = arith.constant 112 : index
    %swap3A_167 = tpu.vector_load %arg20[%swap3A_165, %swap3A_166] {strides = array<i32>} : memref<16x128xf32, #tpu.memory_space<vmem>>, vector<16xf32>,
    tpu.vector_store %arg20[%swap3A_165, %swap3A_166], %broadcast_in_dim3A_2 {strides = array<i32>} : memref<16x128xf32, #tpu.memory_space<vmem>>, vector<16xf32>,
    %swap3A_168 = arith.constant 5 : i32
    %swap3A_169 = arith.index_cast %swap3A_168 : i32 to index
    %swap3A_170 = arith.constant 0 : index
    %swap3A_171 = tpu.vector_load %arg20[%swap3A_169, %swap3A_170] {strides = array<i32>} : memref<16x128xf32, #tpu.memory_space<vmem>>, vector<16xf32>,
    tpu.vector_store %arg20[%swap3A_169, %swap3A_170], %broadcast_in_dim3A_2 {strides = array<i32>} : memref<16x128xf32, #tpu.memory_space<vmem>>, vector<16xf32>,
    %swap3A_172 = arith.constant 5 : i32
    %swap3A_173 = arith.index_cast %swap3A_172 : i32 to index
    %swap3A_174 = arith.constant 16 : index
    %swap3A_175 = tpu.vector_load %arg20[%swap3A_173, %swap3A_174] {strides = array<i32>} : memref<16x128xf32, #tpu.memory_space<vmem>>, vector<16xf32>,
    tpu.vector_store %arg20[%swap3A_173, %swap3A_174], %broadcast_in_dim3A_2 {strides = array<i32>} : memref<16x128xf32, #tpu.memory_space<vmem>>, vector<16xf32>,
    %swap3A_176 = arith.constant 5 : i32
    %swap3A_177 = arith.index_cast %swap3A_176 : i32 to index
    %swap3A_178 = arith.constant 32 : index
    %swap3A_179 = tpu.vector_load %arg20[%swap3A_177, %swap3A_178] {strides = array<i32>} : memref<16x128xf32, #tpu.memory_space<vmem>>, vector<16xf32>,
    tpu.vector_store %arg20[%swap3A_177, %swap3A_178], %broadcast_in_dim3A_2 {strides = array<i32>} : memref<16x128xf32, #tpu.memory_space<vmem>>, vector<16xf32>,
    %swap3A_180 = arith.constant 5 : i32
    %swap3A_181 = arith.index_cast %swap3A_180 : i32 to index
    %swap3A_182 = arith.constant 48 : index
    %swap3A_183 = tpu.vector_load %arg20[%swap3A_181, %swap3A_182] {strides = array<i32>} : memref<16x128xf32, #tpu.memory_space<vmem>>, vector<16xf32>,
    tpu.vector_store %arg20[%swap3A_181, %swap3A_182], %broadcast_in_dim3A_2 {strides = array<i32>} : memref<16x128xf32, #tpu.memory_space<vmem>>, vector<16xf32>,
    %swap3A_184 = arith.constant 5 : i32
    %swap3A_185 = arith.index_cast %swap3A_184 : i32 to index
    %swap3A_186 = arith.constant 64 : index
    %swap3A_187 = tpu.vector_load %arg20[%swap3A_185, %swap3A_186] {strides = array<i32>} : memref<16x128xf32, #tpu.memory_space<vmem>>, vector<16xf32>,
    tpu.vector_store %arg20[%swap3A_185, %swap3A_186], %broadcast_in_dim3A_2 {strides = array<i32>} : memref<16x128xf32, #tpu.memory_space<vmem>>, vector<16xf32>,
    %swap3A_188 = arith.constant 5 : i32
    %swap3A_189 = arith.index_cast %swap3A_188 : i32 to index
    %swap3A_190 = arith.constant 80 : index
    %swap3A_191 = tpu.vector_load %arg20[%swap3A_189, %swap3A_190] {strides = array<i32>} : memref<16x128xf32, #tpu.memory_space<vmem>>, vector<16xf32>,
    tpu.vector_store %arg20[%swap3A_189, %swap3A_190], %broadcast_in_dim3A_2 {strides = array<i32>} : memref<16x128xf32, #tpu.memory_space<vmem>>, vector<16xf32>,
    %swap3A_192 = arith.constant 5 : i32
    %swap3A_193 = arith.index_cast %swap3A_192 : i32 to index
    %swap3A_194 = arith.constant 96 : index
    %swap3A_195 = tpu.vector_load %arg20[%swap3A_193, %swap3A_194] {strides = array<i32>} : memref<16x128xf32, #tpu.memory_space<vmem>>, vector<16xf32>,
    tpu.vector_store %arg20[%swap3A_193, %swap3A_194], %broadcast_in_dim3A_2 {strides = array<i32>} : memref<16x128xf32, #tpu.memory_space<vmem>>, vector<16xf32>,
    %swap3A_196 = arith.constant 5 : i32
    %swap3A_197 = arith.index_cast %swap3A_196 : i32 to index
    %swap3A_198 = arith.constant 112 : index
    %swap3A_199 = tpu.vector_load %arg20[%swap3A_197, %swap3A_198] {strides = array<i32>} : memref<16x128xf32, #tpu.memory_space<vmem>>, vector<16xf32>,
    tpu.vector_store %arg20[%swap3A_197, %swap3A_198], %broadcast_in_dim3A_2 {strides = array<i32>} : memref<16x128xf32, #tpu.memory_space<vmem>>, vector<16xf32>,
    %swap3A_200 = arith.constant 6 : i32
    %swap3A_201 = arith.index_cast %swap3A_200 : i32 to index
    %swap3A_202 = arith.constant 0 : index
    %swap3A_203 = tpu.vector_load %arg20[%swap3A_201, %swap3A_202] {strides = array<i32>} : memref<16x128xf32, #tpu.memory_space<vmem>>, vector<16xf32>,
    tpu.vector_store %arg20[%swap3A_201, %swap3A_202], %broadcast_in_dim3A_2 {strides = array<i32>} : memref<16x128xf32, #tpu.memory_space<vmem>>, vector<16xf32>,
    %swap3A_204 = arith.constant 6 : i32
    %swap3A_205 = arith.index_cast %swap3A_204 : i32 to index
    %swap3A_206 = arith.constant 16 : index
    %swap3A_207 = tpu.vector_load %arg20[%swap3A_205, %swap3A_206] {strides = array<i32>} : memref<16x128xf32, #tpu.memory_space<vmem>>, vector<16xf32>,
    tpu.vector_store %arg20[%swap3A_205, %swap3A_206], %broadcast_in_dim3A_2 {strides = array<i32>} : memref<16x128xf32, #tpu.memory_space<vmem>>, vector<16xf32>,
    %swap3A_208 = arith.constant 6 : i32
    %swap3A_209 = arith.index_cast %swap3A_208 : i32 to index
    %swap3A_210 = arith.constant 32 : index
    %swap3A_211 = tpu.vector_load %arg20[%swap3A_209, %swap3A_210] {strides = array<i32>} : memref<16x128xf32, #tpu.memory_space<vmem>>, vector<16xf32>,
    tpu.vector_store %arg20[%swap3A_209, %swap3A_210], %broadcast_in_dim3A_2 {strides = array<i32>} : memref<16x128xf32, #tpu.memory_space<vmem>>, vector<16xf32>,
    %swap3A_212 = arith.constant 6 : i32
    %swap3A_213 = arith.index_cast %swap3A_212 : i32 to index
    %swap3A_214 = arith.constant 48 : index
    %swap3A_215 = tpu.vector_load %arg20[%swap3A_213, %swap3A_214] {strides = array<i32>} : memref<16x128xf32, #tpu.memory_space<vmem>>, vector<16xf32>,
    tpu.vector_store %arg20[%swap3A_213, %swap3A_214], %broadcast_in_dim3A_2 {strides = array<i32>} : memref<16x128xf32, #tpu.memory_space<vmem>>, vector<16xf32>,
    %swap3A_216 = arith.constant 6 : i32
    %swap3A_217 = arith.index_cast %swap3A_216 : i32 to index
    %swap3A_218 = arith.constant 64 : index
    %swap3A_219 = tpu.vector_load %arg20[%swap3A_217, %swap3A_218] {strides = array<i32>} : memref<16x128xf32, #tpu.memory_space<vmem>>, vector<16xf32>,
    tpu.vector_store %arg20[%swap3A_217, %swap3A_218], %broadcast_in_dim3A_2 {strides = array<i32>} : memref<16x128xf32, #tpu.memory_space<vmem>>, vector<16xf32>,
    %swap3A_220 = arith.constant 6 : i32
    %swap3A_221 = arith.index_cast %swap3A_220 : i32 to index
    %swap3A_222 = arith.constant 80 : index
    %swap3A_223 = tpu.vector_load %arg20[%swap3A_221, %swap3A_222] {strides = array<i32>} : memref<16x128xf32, #tpu.memory_space<vmem>>, vector<16xf32>,
    tpu.vector_store %arg20[%swap3A_221, %swap3A_222], %broadcast_in_dim3A_2 {strides = array<i32>} : memref<16x128xf32, #tpu.memory_space<vmem>>, vector<16xf32>,
    %swap3A_224 = arith.constant 6 : i32
    %swap3A_225 = arith.index_cast %swap3A_224 : i32 to index
    %swap3A_226 = arith.constant 96 : index
    %swap3A_227 = tpu.vector_load %arg20[%swap3A_225, %swap3A_226] {strides = array<i32>} : memref<16x128xf32, #tpu.memory_space<vmem>>, vector<16xf32>,
    tpu.vector_store %arg20[%swap3A_225, %swap3A_226], %broadcast_in_dim3A_2 {strides = array<i32>} : memref<16x128xf32, #tpu.memory_space<vmem>>, vector<16xf32>,
    %swap3A_228 = arith.constant 6 : i32
    %swap3A_229 = arith.index_cast %swap3A_228 : i32 to index
    %swap3A_230 = arith.constant 112 : index
    %swap3A_231 = tpu.vector_load %arg20[%swap3A_229, %swap3A_230] {strides = array<i32>} : memref<16x128xf32, #tpu.memory_space<vmem>>, vector<16xf32>,
    tpu.vector_store %arg20[%swap3A_229, %swap3A_230], %broadcast_in_dim3A_2 {strides = array<i32>} : memref<16x128xf32, #tpu.memory_space<vmem>>, vector<16xf32>,
    %swap3A_232 = arith.constant 7 : i32
    %swap3A_233 = arith.index_cast %swap3A_232 : i32 to index
    %swap3A_234 = arith.constant 0 : index
    %swap3A_235 = tpu.vector_load %arg20[%swap3A_233, %swap3A_234] {strides = array<i32>} : memref<16x128xf32, #tpu.memory_space<vmem>>, vector<16xf32>,
    tpu.vector_store %arg20[%swap3A_233, %swap3A_234], %broadcast_in_dim3A_2 {strides = array<i32>} : memref<16x128xf32, #tpu.memory_space<vmem>>, vector<16xf32>,
    %swap3A_236 = arith.constant 7 : i32
    %swap3A_237 = arith.index_cast %swap3A_236 : i32 to index
    %swap3A_238 = arith.constant 16 : index
    %swap3A_239 = tpu.vector_load %arg20[%swap3A_237, %swap3A_238] {strides = array<i32>} : memref<16x128xf32, #tpu.memory_space<vmem>>, vector<16xf32>,
    tpu.vector_store %arg20[%swap3A_237, %swap3A_238], %broadcast_in_dim3A_2 {strides = array<i32>} : memref<16x128xf32, #tpu.memory_space<vmem>>, vector<16xf32>,
    %swap3A_240 = arith.constant 7 : i32
    %swap3A_241 = arith.index_cast %swap3A_240 : i32 to index
    %swap3A_242 = arith.constant 32 : index
    %swap3A_243 = tpu.vector_load %arg20[%swap3A_241, %swap3A_242] {strides = array<i32>} : memref<16x128xf32, #tpu.memory_space<vmem>>, vector<16xf32>,
    tpu.vector_store %arg20[%swap3A_241, %swap3A_242], %broadcast_in_dim3A_2 {strides = array<i32>} : memref<16x128xf32, #tpu.memory_space<vmem>>, vector<16xf32>,
    %swap3A_244 = arith.constant 7 : i32
    %swap3A_245 = arith.index_cast %swap3A_244 : i32 to index
    %swap3A_246 = arith.constant 48 : index
    %swap3A_247 = tpu.vector_load %arg20[%swap3A_245, %swap3A_246] {strides = array<i32>} : memref<16x128xf32, #tpu.memory_space<vmem>>, vector<16xf32>,
    tpu.vector_store %arg20[%swap3A_245, %swap3A_246], %broadcast_in_dim3A_2 {strides = array<i32>} : memref<16x128xf32, #tpu.memory_space<vmem>>, vector<16xf32>,
    %swap3A_248 = arith.constant 7 : i32
    %swap3A_249 = arith.index_cast %swap3A_248 : i32 to index
    %swap3A_250 = arith.constant 64 : index
    %swap3A_251 = tpu.vector_load %arg20[%swap3A_249, %swap3A_250] {strides = array<i32>} : memref<16x128xf32, #tpu.memory_space<vmem>>, vector<16xf32>,
    tpu.vector_store %arg20[%swap3A_249, %swap3A_250], %broadcast_in_dim3A_2 {strides = array<i32>} : memref<16x128xf32, #tpu.memory_space<vmem>>, vector<16xf32>,
    %swap3A_252 = arith.constant 7 : i32
    %swap3A_253 = arith.index_cast %swap3A_252 : i32 to index
    %swap3A_254 = arith.constant 80 : index
    %swap3A_255 = tpu.vector_load %arg20[%swap3A_253, %swap3A_254] {strides = array<i32>} : memref<16x128xf32, #tpu.memory_space<vmem>>, vector<16xf32>,
    tpu.vector_store %arg20[%swap3A_253, %swap3A_254], %broadcast_in_dim3A_2 {strides = array<i32>} : memref<16x128xf32, #tpu.memory_space<vmem>>, vector<16xf32>,
    %swap3A_256 = arith.constant 7 : i32
    %swap3A_257 = arith.index_cast %swap3A_256 : i32 to index
    %swap3A_258 = arith.constant 96 : index
    %swap3A_259 = tpu.vector_load %arg20[%swap3A_257, %swap3A_258] {strides = array<i32>} : memref<16x128xf32, #tpu.memory_space<vmem>>, vector<16xf32>,
    tpu.vector_store %arg20[%swap3A_257, %swap3A_258], %broadcast_in_dim3A_2 {strides = array<i32>} : memref<16x128xf32, #tpu.memory_space<vmem>>, vector<16xf32>,
    %swap3A_260 = arith.constant 7 : i32
    %swap3A_261 = arith.index_cast %swap3A_260 : i32 to index
    %swap3A_262 = arith.constant 112 : index
    %swap3A_263 = tpu.vector_load %arg20[%swap3A_261, %swap3A_262] {strides = array<i32>} : memref<16x128xf32, #tpu.memory_space<vmem>>, vector<16xf32>,
    tpu.vector_store %arg20[%swap3A_261, %swap3A_262], %broadcast_in_dim3A_2 {strides = array<i32>} : memref<16x128xf32, #tpu.memory_space<vmem>>, vector<16xf32>,
    %swap3A_264 = arith.constant 8 : i32
    %swap3A_265 = arith.index_cast %swap3A_264 : i32 to index
    %swap3A_266 = arith.constant 0 : index
    %swap3A_267 = tpu.vector_load %arg20[%swap3A_265, %swap3A_266] {strides = array<i32>} : memref<16x128xf32, #tpu.memory_space<vmem>>, vector<16xf32>,
    tpu.vector_store %arg20[%swap3A_265, %swap3A_266], %broadcast_in_dim3A_2 {strides = array<i32>} : memref<16x128xf32, #tpu.memory_space<vmem>>, vector<16xf32>,
    %swap3A_268 = arith.constant 8 : i32
    %swap3A_269 = arith.index_cast %swap3A_268 : i32 to index
    %swap3A_270 = arith.constant 16 : index
    %swap3A_271 = tpu.vector_load %arg20[%swap3A_269, %swap3A_270] {strides = array<i32>} : memref<16x128xf32, #tpu.memory_space<vmem>>, vector<16xf32>,
    tpu.vector_store %arg20[%swap3A_269, %swap3A_270], %broadcast_in_dim3A_2 {strides = array<i32>} : memref<16x128xf32, #tpu.memory_space<vmem>>, vector<16xf32>,
    %swap3A_272 = arith.constant 8 : i32
    %swap3A_273 = arith.index_cast %swap3A_272 : i32 to index
    %swap3A_274 = arith.constant 32 : index
    %swap3A_275 = tpu.vector_load %arg20[%swap3A_273, %swap3A_274] {strides = array<i32>} : memref<16x128xf32, #tpu.memory_space<vmem>>, vector<16xf32>,
    tpu.vector_store %arg20[%swap3A_273, %swap3A_274], %broadcast_in_dim3A_2 {strides = array<i32>} : memref<16x128xf32, #tpu.memory_space<vmem>>, vector<16xf32>,
    %swap3A_276 = arith.constant 8 : i32
    %swap3A_277 = arith.index_cast %swap3A_276 : i32 to index
    %swap3A_278 = arith.constant 48 : index
    %swap3A_279 = tpu.vector_load %arg20[%swap3A_277, %swap3A_278] {strides = array<i32>} : memref<16x128xf32, #tpu.memory_space<vmem>>, vector<16xf32>,
    tpu.vector_store %arg20[%swap3A_277, %swap3A_278], %broadcast_in_dim3A_2 {strides = array<i32>} : memref<16x128xf32, #tpu.memory_space<vmem>>, vector<16xf32>,
    %swap3A_280 = arith.constant 8 : i32
    %swap3A_281 = arith.index_cast %swap3A_280 : i32 to index
    %swap3A_282 = arith.constant 64 : index
    %swap3A_283 = tpu.vector_load %arg20[%swap3A_281, %swap3A_282] {strides = array<i32>} : memref<16x128xf32, #tpu.memory_space<vmem>>, vector<16xf32>,
    tpu.vector_store %arg20[%swap3A_281, %swap3A_282], %broadcast_in_dim3A_2 {strides = array<i32>} : memref<16x128xf32, #tpu.memory_space<vmem>>, vector<16xf32>,
    %swap3A_284 = arith.constant 8 : i32
    %swap3A_285 = arith.index_cast %swap3A_284 : i32 to index
    %swap3A_286 = arith.constant 80 : index
    %swap3A_287 = tpu.vector_load %arg20[%swap3A_285, %swap3A_286] {strides = array<i32>} : memref<16x128xf32, #tpu.memory_space<vmem>>, vector<16xf32>,
    tpu.vector_store %arg20[%swap3A_285, %swap3A_286], %broadcast_in_dim3A_2 {strides = array<i32>} : memref<16x128xf32, #tpu.memory_space<vmem>>, vector<16xf32>,
    %swap3A_288 = arith.constant 8 : i32
    %swap3A_289 = arith.index_cast %swap3A_288 : i32 to index
    %swap3A_290 = arith.constant 96 : index
    %swap3A_291 = tpu.vector_load %arg20[%swap3A_289, %swap3A_290] {strides = array<i32>} : memref<16x128xf32, #tpu.memory_space<vmem>>, vector<16xf32>,
    tpu.vector_store %arg20[%swap3A_289, %swap3A_290], %broadcast_in_dim3A_2 {strides = array<i32>} : memref<16x128xf32, #tpu.memory_space<vmem>>, vector<16xf32>,
    %swap3A_292 = arith.constant 8 : i32
    %swap3A_293 = arith.index_cast %swap3A_292 : i32 to index
    %swap3A_294 = arith.constant 112 : index
    %swap3A_295 = tpu.vector_load %arg20[%swap3A_293, %swap3A_294] {strides = array<i32>} : memref<16x128xf32, #tpu.memory_space<vmem>>, vector<16xf32>,
    tpu.vector_store %arg20[%swap3A_293, %swap3A_294], %broadcast_in_dim3A_2 {strides = array<i32>} : memref<16x128xf32, #tpu.memory_space<vmem>>, vector<16xf32>,
    %swap3A_296 = arith.constant 9 : i32
    %swap3A_297 = arith.index_cast %swap3A_296 : i32 to index
    %swap3A_298 = arith.constant 0 : index
    %swap3A_299 = tpu.vector_load %arg20[%swap3A_297, %swap3A_298] {strides = array<i32>} : memref<16x128xf32, #tpu.memory_space<vmem>>, vector<16xf32>,
    tpu.vector_store %arg20[%swap3A_297, %swap3A_298], %broadcast_in_dim3A_2 {strides = array<i32>} : memref<16x128xf32, #tpu.memory_space<vmem>>, vector<16xf32>,
    %swap3A_300 = arith.constant 9 : i32
    %swap3A_301 = arith.index_cast %swap3A_300 : i32 to index
    %swap3A_302 = arith.constant 16 : index
    %swap3A_303 = tpu.vector_load %arg20[%swap3A_301, %swap3A_302] {strides = array<i32>} : memref<16x128xf32, #tpu.memory_space<vmem>>, vector<16xf32>,
    tpu.vector_store %arg20[%swap3A_301, %swap3A_302], %broadcast_in_dim3A_2 {strides = array<i32>} : memref<16x128xf32, #tpu.memory_space<vmem>>, vector<16xf32>,
    %swap3A_304 = arith.constant 9 : i32
    %swap3A_305 = arith.index_cast %swap3A_304 : i32 to index
    %swap3A_306 = arith.constant 32 : index
    %swap3A_307 = tpu.vector_load %arg20[%swap3A_305, %swap3A_306] {strides = array<i32>} : memref<16x128xf32, #tpu.memory_space<vmem>>, vector<16xf32>,
    tpu.vector_store %arg20[%swap3A_305, %swap3A_306], %broadcast_in_dim3A_2 {strides = array<i32>} : memref<16x128xf32, #tpu.memory_space<vmem>>, vector<16xf32>,
    %swap3A_308 = arith.constant 9 : i32
    %swap3A_309 = arith.index_cast %swap3A_308 : i32 to index
    %swap3A_310 = arith.constant 48 : index
    %swap3A_311 = tpu.vector_load %arg20[%swap3A_309, %swap3A_310] {strides = array<i32>} : memref<16x128xf32, #tpu.memory_space<vmem>>, vector<16xf32>,
    tpu.vector_store %arg20[%swap3A_309, %swap3A_310], %broadcast_in_dim3A_2 {strides = array<i32>} : memref<16x128xf32, #tpu.memory_space<vmem>>, vector<16xf32>,
    %swap3A_312 = arith.constant 9 : i32
    %swap3A_313 = arith.index_cast %swap3A_312 : i32 to index
    %swap3A_314 = arith.constant 64 : index
    %swap3A_315 = tpu.vector_load %arg20[%swap3A_313, %swap3A_314] {strides = array<i32>} : memref<16x128xf32, #tpu.memory_space<vmem>>, vector<16xf32>,
    tpu.vector_store %arg20[%swap3A_313, %swap3A_314], %broadcast_in_dim3A_2 {strides = array<i32>} : memref<16x128xf32, #tpu.memory_space<vmem>>, vector<16xf32>,
    %swap3A_316 = arith.constant 9 : i32
    %swap3A_317 = arith.index_cast %swap3A_316 : i32 to index
    %swap3A_318 = arith.constant 80 : index
    %swap3A_319 = tpu.vector_load %arg20[%swap3A_317, %swap3A_318] {strides = array<i32>} : memref<16x128xf32, #tpu.memory_space<vmem>>, vector<16xf32>,
    tpu.vector_store %arg20[%swap3A_317, %swap3A_318], %broadcast_in_dim3A_2 {strides = array<i32>} : memref<16x128xf32, #tpu.memory_space<vmem>>, vector<16xf32>,
    %swap3A_320 = arith.constant 9 : i32
    %swap3A_321 = arith.index_cast %swap3A_320 : i32 to index
    %swap3A_322 = arith.constant 96 : index
    %swap3A_323 = tpu.vector_load %arg20[%swap3A_321, %swap3A_322] {strides = array<i32>} : memref<16x128xf32, #tpu.memory_space<vmem>>, vector<16xf32>,
    tpu.vector_store %arg20[%swap3A_321, %swap3A_322], %broadcast_in_dim3A_2 {strides = array<i32>} : memref<16x128xf32, #tpu.memory_space<vmem>>, vector<16xf32>,
    %swap3A_324 = arith.constant 9 : i32
    %swap3A_325 = arith.index_cast %swap3A_324 : i32 to index
    %swap3A_326 = arith.constant 112 : index
    %swap3A_327 = tpu.vector_load %arg20[%swap3A_325, %swap3A_326] {strides = array<i32>} : memref<16x128xf32, #tpu.memory_space<vmem>>, vector<16xf32>,
    tpu.vector_store %arg20[%swap3A_325, %swap3A_326], %broadcast_in_dim3A_2 {strides = array<i32>} : memref<16x128xf32, #tpu.memory_space<vmem>>, vector<16xf32>,
    %swap3A_328 = arith.constant 10 : i32
    %swap3A_329 = arith.index_cast %swap3A_328 : i32 to index
    %swap3A_330 = arith.constant 0 : index
    %swap3A_331 = tpu.vector_load %arg20[%swap3A_329, %swap3A_330] {strides = array<i32>} : memref<16x128xf32, #tpu.memory_space<vmem>>, vector<16xf32>,
    tpu.vector_store %arg20[%swap3A_329, %swap3A_330], %broadcast_in_dim3A_2 {strides = array<i32>} : memref<16x128xf32, #tpu.memory_space<vmem>>, vector<16xf32>,
    %swap3A_332 = arith.constant 10 : i32
    %swap3A_333 = arith.index_cast %swap3A_332 : i32 to index
    %swap3A_334 = arith.constant 16 : index
    %swap3A_335 = tpu.vector_load %arg20[%swap3A_333, %swap3A_334] {strides = array<i32>} : memref<16x128xf32, #tpu.memory_space<vmem>>, vector<16xf32>,
    tpu.vector_store %arg20[%swap3A_333, %swap3A_334], %broadcast_in_dim3A_2 {strides = array<i32>} : memref<16x128xf32, #tpu.memory_space<vmem>>, vector<16xf32>,
    %swap3A_336 = arith.constant 10 : i32
    %swap3A_337 = arith.index_cast %swap3A_336 : i32 to index
    %swap3A_338 = arith.constant 32 : index
    %swap3A_339 = tpu.vector_load %arg20[%swap3A_337, %swap3A_338] {strides = array<i32>} : memref<16x128xf32, #tpu.memory_space<vmem>>, vector<16xf32>,
    tpu.vector_store %arg20[%swap3A_337, %swap3A_338], %broadcast_in_dim3A_2 {strides = array<i32>} : memref<16x128xf32, #tpu.memory_space<vmem>>, vector<16xf32>,
    %swap3A_340 = arith.constant 10 : i32
    %swap3A_341 = arith.index_cast %swap3A_340 : i32 to index
    %swap3A_342 = arith.constant 48 : index
    %swap3A_343 = tpu.vector_load %arg20[%swap3A_341, %swap3A_342] {strides = array<i32>} : memref<16x128xf32, #tpu.memory_space<vmem>>, vector<16xf32>,
    tpu.vector_store %arg20[%swap3A_341, %swap3A_342], %broadcast_in_dim3A_2 {strides = array<i32>} : memref<16x128xf32, #tpu.memory_space<vmem>>, vector<16xf32>,
    %swap3A_344 = arith.constant 10 : i32
    %swap3A_345 = arith.index_cast %swap3A_344 : i32 to index
    %swap3A_346 = arith.constant 64 : index
    %swap3A_347 = tpu.vector_load %arg20[%swap3A_345, %swap3A_346] {strides = array<i32>} : memref<16x128xf32, #tpu.memory_space<vmem>>, vector<16xf32>,
    tpu.vector_store %arg20[%swap3A_345, %swap3A_346], %broadcast_in_dim3A_2 {strides = array<i32>} : memref<16x128xf32, #tpu.memory_space<vmem>>, vector<16xf32>,
    %swap3A_348 = arith.constant 10 : i32
    %swap3A_349 = arith.index_cast %swap3A_348 : i32 to index
    %swap3A_350 = arith.constant 80 : index
    %swap3A_351 = tpu.vector_load %arg20[%swap3A_349, %swap3A_350] {strides = array<i32>} : memref<16x128xf32, #tpu.memory_space<vmem>>, vector<16xf32>,
    tpu.vector_store %arg20[%swap3A_349, %swap3A_350], %broadcast_in_dim3A_2 {strides = array<i32>} : memref<16x128xf32, #tpu.memory_space<vmem>>, vector<16xf32>,
    %swap3A_352 = arith.constant 10 : i32
    %swap3A_353 = arith.index_cast %swap3A_352 : i32 to index
    %swap3A_354 = arith.constant 96 : index
    %swap3A_355 = tpu.vector_load %arg20[%swap3A_353, %swap3A_354] {strides = array<i32>} : memref<16x128xf32, #tpu.memory_space<vmem>>, vector<16xf32>,
    tpu.vector_store %arg20[%swap3A_353, %swap3A_354], %broadcast_in_dim3A_2 {strides = array<i32>} : memref<16x128xf32, #tpu.memory_space<vmem>>, vector<16xf32>,
    %swap3A_356 = arith.constant 10 : i32
    %swap3A_357 = arith.index_cast %swap3A_356 : i32 to index
    %swap3A_358 = arith.constant 112 : index
    %swap3A_359 = tpu.vector_load %arg20[%swap3A_357, %swap3A_358] {strides = array<i32>} : memref<16x128xf32, #tpu.memory_space<vmem>>, vector<16xf32>,
    tpu.vector_store %arg20[%swap3A_357, %swap3A_358], %broadcast_in_dim3A_2 {strides = array<i32>} : memref<16x128xf32, #tpu.memory_space<vmem>>, vector<16xf32>,
    %swap3A_360 = arith.constant 11 : i32
    %swap3A_361 = arith.index_cast %swap3A_360 : i32 to index
    %swap3A_362 = arith.constant 0 : index
    %swap3A_363 = tpu.vector_load %arg20[%swap3A_361, %swap3A_362] {strides = array<i32>} : memref<16x128xf32, #tpu.memory_space<vmem>>, vector<16xf32>,
    tpu.vector_store %arg20[%swap3A_361, %swap3A_362], %broadcast_in_dim3A_2 {strides = array<i32>} : memref<16x128xf32, #tpu.memory_space<vmem>>, vector<16xf32>,
    %swap3A_364 = arith.constant 11 : i32
    %swap3A_365 = arith.index_cast %swap3A_364 : i32 to index
    %swap3A_366 = arith.constant 16 : index
    %swap3A_367 = tpu.vector_load %arg20[%swap3A_365, %swap3A_366] {strides = array<i32>} : memref<16x128xf32, #tpu.memory_space<vmem>>, vector<16xf32>,
    tpu.vector_store %arg20[%swap3A_365, %swap3A_366], %broadcast_in_dim3A_2 {strides = array<i32>} : memref<16x128xf32, #tpu.memory_space<vmem>>, vector<16xf32>,
    %swap3A_368 = arith.constant 11 : i32
    %swap3A_369 = arith.index_cast %swap3A_368 : i32 to index
    %swap3A_370 = arith.constant 32 : index
    %swap3A_371 = tpu.vector_load %arg20[%swap3A_369, %swap3A_370] {strides = array<i32>} : memref<16x128xf32, #tpu.memory_space<vmem>>, vector<16xf32>,
    tpu.vector_store %arg20[%swap3A_369, %swap3A_370], %broadcast_in_dim3A_2 {strides = array<i32>} : memref<16x128xf32, #tpu.memory_space<vmem>>, vector<16xf32>,
    %swap3A_372 = arith.constant 11 : i32
    %swap3A_373 = arith.index_cast %swap3A_372 : i32 to index
    %swap3A_374 = arith.constant 48 : index
    %swap3A_375 = tpu.vector_load %arg20[%swap3A_373, %swap3A_374] {strides = array<i32>} : memref<16x128xf32, #tpu.memory_space<vmem>>, vector<16xf32>,
    tpu.vector_store %arg20[%swap3A_373, %swap3A_374], %broadcast_in_dim3A_2 {strides = array<i32>} : memref<16x128xf32, #tpu.memory_space<vmem>>, vector<16xf32>,
    %swap3A_376 = arith.constant 11 : i32
    %swap3A_377 = arith.index_cast %swap3A_376 : i32 to index
    %swap3A_378 = arith.constant 64 : index
    %swap3A_379 = tpu.vector_load %arg20[%swap3A_377, %swap3A_378] {strides = array<i32>} : memref<16x128xf32, #tpu.memory_space<vmem>>, vector<16xf32>,
    tpu.vector_store %arg20[%swap3A_377, %swap3A_378], %broadcast_in_dim3A_2 {strides = array<i32>} : memref<16x128xf32, #tpu.memory_space<vmem>>, vector<16xf32>,
    %swap3A_380 = arith.constant 11 : i32
    %swap3A_381 = arith.index_cast %swap3A_380 : i32 to index
    %swap3A_382 = arith.constant 80 : index
    %swap3A_383 = tpu.vector_load %arg20[%swap3A_381, %swap3A_382] {strides = array<i32>} : memref<16x128xf32, #tpu.memory_space<vmem>>, vector<16xf32>,
    tpu.vector_store %arg20[%swap3A_381, %swap3A_382], %broadcast_in_dim3A_2 {strides = array<i32>} : memref<16x128xf32, #tpu.memory_space<vmem>>, vector<16xf32>,
    %swap3A_384 = arith.constant 11 : i32
    %swap3A_385 = arith.index_cast %swap3A_384 : i32 to index
    %swap3A_386 = arith.constant 96 : index
    %swap3A_387 = tpu.vector_load %arg20[%swap3A_385, %swap3A_386] {strides = array<i32>} : memref<16x128xf32, #tpu.memory_space<vmem>>, vector<16xf32>,
    tpu.vector_store %arg20[%swap3A_385, %swap3A_386], %broadcast_in_dim3A_2 {strides = array<i32>} : memref<16x128xf32, #tpu.memory_space<vmem>>, vector<16xf32>,
    %swap3A_388 = arith.constant 11 : i32
    %swap3A_389 = arith.index_cast %swap3A_388 : i32 to index
    %swap3A_390 = arith.constant 112 : index
    %swap3A_391 = tpu.vector_load %arg20[%swap3A_389, %swap3A_390] {strides = array<i32>} : memref<16x128xf32, #tpu.memory_space<vmem>>, vector<16xf32>,
    tpu.vector_store %arg20[%swap3A_389, %swap3A_390], %broadcast_in_dim3A_2 {strides = array<i32>} : memref<16x128xf32, #tpu.memory_space<vmem>>, vector<16xf32>,
    %swap3A_392 = arith.constant 12 : i32
    %swap3A_393 = arith.index_cast %swap3A_392 : i32 to index
    %swap3A_394 = arith.constant 0 : index
    %swap3A_395 = tpu.vector_load %arg20[%swap3A_393, %swap3A_394] {strides = array<i32>} : memref<16x128xf32, #tpu.memory_space<vmem>>, vector<16xf32>,
    tpu.vector_store %arg20[%swap3A_393, %swap3A_394], %broadcast_in_dim3A_2 {strides = array<i32>} : memref<16x128xf32, #tpu.memory_space<vmem>>, vector<16xf32>,
    %swap3A_396 = arith.constant 12 : i32
    %swap3A_397 = arith.index_cast %swap3A_396 : i32 to index
    %swap3A_398 = arith.constant 16 : index
    %swap3A_399 = tpu.vector_load %arg20[%swap3A_397, %swap3A_398] {strides = array<i32>} : memref<16x128xf32, #tpu.memory_space<vmem>>, vector<16xf32>,
    tpu.vector_store %arg20[%swap3A_397, %swap3A_398], %broadcast_in_dim3A_2 {strides = array<i32>} : memref<16x128xf32, #tpu.memory_space<vmem>>, vector<16xf32>,
    %swap3A_400 = arith.constant 12 : i32
    %swap3A_401 = arith.index_cast %swap3A_400 : i32 to index
    %swap3A_402 = arith.constant 32 : index
    %swap3A_403 = tpu.vector_load %arg20[%swap3A_401, %swap3A_402] {strides = array<i32>} : memref<16x128xf32, #tpu.memory_space<vmem>>, vector<16xf32>,
    tpu.vector_store %arg20[%swap3A_401, %swap3A_402], %broadcast_in_dim3A_2 {strides = array<i32>} : memref<16x128xf32, #tpu.memory_space<vmem>>, vector<16xf32>,
    %swap3A_404 = arith.constant 12 : i32
    %swap3A_405 = arith.index_cast %swap3A_404 : i32 to index
    %swap3A_406 = arith.constant 48 : index
    %swap3A_407 = tpu.vector_load %arg20[%swap3A_405, %swap3A_406] {strides = array<i32>} : memref<16x128xf32, #tpu.memory_space<vmem>>, vector<16xf32>,
    tpu.vector_store %arg20[%swap3A_405, %swap3A_406], %broadcast_in_dim3A_2 {strides = array<i32>} : memref<16x128xf32, #tpu.memory_space<vmem>>, vector<16xf32>,
    %swap3A_408 = arith.constant 12 : i32
    %swap3A_409 = arith.index_cast %swap3A_408 : i32 to index
    %swap3A_410 = arith.constant 64 : index
    %swap3A_411 = tpu.vector_load %arg20[%swap3A_409, %swap3A_410] {strides = array<i32>} : memref<16x128xf32, #tpu.memory_space<vmem>>, vector<16xf32>,
    tpu.vector_store %arg20[%swap3A_409, %swap3A_410], %broadcast_in_dim3A_2 {strides = array<i32>} : memref<16x128xf32, #tpu.memory_space<vmem>>, vector<16xf32>,
    %swap3A_412 = arith.constant 12 : i32
    %swap3A_413 = arith.index_cast %swap3A_412 : i32 to index
    %swap3A_414 = arith.constant 80 : index
    %swap3A_415 = tpu.vector_load %arg20[%swap3A_413, %swap3A_414] {strides = array<i32>} : memref<16x128xf32, #tpu.memory_space<vmem>>, vector<16xf32>,
    tpu.vector_store %arg20[%swap3A_413, %swap3A_414], %broadcast_in_dim3A_2 {strides = array<i32>} : memref<16x128xf32, #tpu.memory_space<vmem>>, vector<16xf32>,
    %swap3A_416 = arith.constant 12 : i32
    %swap3A_417 = arith.index_cast %swap3A_416 : i32 to index
    %swap3A_418 = arith.constant 96 : index
    %swap3A_419 = tpu.vector_load %arg20[%swap3A_417, %swap3A_418] {strides = array<i32>} : memref<16x128xf32, #tpu.memory_space<vmem>>, vector<16xf32>,
    tpu.vector_store %arg20[%swap3A_417, %swap3A_418], %broadcast_in_dim3A_2 {strides = array<i32>} : memref<16x128xf32, #tpu.memory_space<vmem>>, vector<16xf32>,
    %swap3A_420 = arith.constant 12 : i32
    %swap3A_421 = arith.index_cast %swap3A_420 : i32 to index
    %swap3A_422 = arith.constant 112 : index
    %swap3A_423 = tpu.vector_load %arg20[%swap3A_421, %swap3A_422] {strides = array<i32>} : memref<16x128xf32, #tpu.memory_space<vmem>>, vector<16xf32>,
    tpu.vector_store %arg20[%swap3A_421, %swap3A_422], %broadcast_in_dim3A_2 {strides = array<i32>} : memref<16x128xf32, #tpu.memory_space<vmem>>, vector<16xf32>,
    %swap3A_424 = arith.constant 13 : i32
    %swap3A_425 = arith.index_cast %swap3A_424 : i32 to index
    %swap3A_426 = arith.constant 0 : index
    %swap3A_427 = tpu.vector_load %arg20[%swap3A_425, %swap3A_426] {strides = array<i32>} : memref<16x128xf32, #tpu.memory_space<vmem>>, vector<16xf32>,
    tpu.vector_store %arg20[%swap3A_425, %swap3A_426], %broadcast_in_dim3A_2 {strides = array<i32>} : memref<16x128xf32, #tpu.memory_space<vmem>>, vector<16xf32>,
    %swap3A_428 = arith.constant 13 : i32
    %swap3A_429 = arith.index_cast %swap3A_428 : i32 to index
    %swap3A_430 = arith.constant 16 : index
    %swap3A_431 = tpu.vector_load %arg20[%swap3A_429, %swap3A_430] {strides = array<i32>} : memref<16x128xf32, #tpu.memory_space<vmem>>, vector<16xf32>,
    tpu.vector_store %arg20[%swap3A_429, %swap3A_430], %broadcast_in_dim3A_2 {strides = array<i32>} : memref<16x128xf32, #tpu.memory_space<vmem>>, vector<16xf32>,
    %swap3A_432 = arith.constant 13 : i32
    %swap3A_433 = arith.index_cast %swap3A_432 : i32 to index
    %swap3A_434 = arith.constant 32 : index
    %swap3A_435 = tpu.vector_load %arg20[%swap3A_433, %swap3A_434] {strides = array<i32>} : memref<16x128xf32, #tpu.memory_space<vmem>>, vector<16xf32>,
    tpu.vector_store %arg20[%swap3A_433, %swap3A_434], %broadcast_in_dim3A_2 {strides = array<i32>} : memref<16x128xf32, #tpu.memory_space<vmem>>, vector<16xf32>,
    %swap3A_436 = arith.constant 13 : i32
    %swap3A_437 = arith.index_cast %swap3A_436 : i32 to index
    %swap3A_438 = arith.constant 48 : index
    %swap3A_439 = tpu.vector_load %arg20[%swap3A_437, %swap3A_438] {strides = array<i32>} : memref<16x128xf32, #tpu.memory_space<vmem>>, vector<16xf32>,
    tpu.vector_store %arg20[%swap3A_437, %swap3A_438], %broadcast_in_dim3A_2 {strides = array<i32>} : memref<16x128xf32, #tpu.memory_space<vmem>>, vector<16xf32>,
    %swap3A_440 = arith.constant 13 : i32
    %swap3A_441 = arith.index_cast %swap3A_440 : i32 to index
    %swap3A_442 = arith.constant 64 : index
    %swap3A_443 = tpu.vector_load %arg20[%swap3A_441, %swap3A_442] {strides = array<i32>} : memref<16x128xf32, #tpu.memory_space<vmem>>, vector<16xf32>,
    tpu.vector_store %arg20[%swap3A_441, %swap3A_442], %broadcast_in_dim3A_2 {strides = array<i32>} : memref<16x128xf32, #tpu.memory_space<vmem>>, vector<16xf32>,
    %swap3A_444 = arith.constant 13 : i32
    %swap3A_445 = arith.index_cast %swap3A_444 : i32 to index
    %swap3A_446 = arith.constant 80 : index
    %swap3A_447 = tpu.vector_load %arg20[%swap3A_445, %swap3A_446] {strides = array<i32>} : memref<16x128xf32, #tpu.memory_space<vmem>>, vector<16xf32>,
    tpu.vector_store %arg20[%swap3A_445, %swap3A_446], %broadcast_in_dim3A_2 {strides = array<i32>} : memref<16x128xf32, #tpu.memory_space<vmem>>, vector<16xf32>,
    %swap3A_448 = arith.constant 13 : i32
    %swap3A_449 = arith.index_cast %swap3A_448 : i32 to index
    %swap3A_450 = arith.constant 96 : index
    %swap3A_451 = tpu.vector_load %arg20[%swap3A_449, %swap3A_450] {strides = array<i32>} : memref<16x128xf32, #tpu.memory_space<vmem>>, vector<16xf32>,
    tpu.vector_store %arg20[%swap3A_449, %swap3A_450], %broadcast_in_dim3A_2 {strides = array<i32>} : memref<16x128xf32, #tpu.memory_space<vmem>>, vector<16xf32>,
    %swap3A_452 = arith.constant 13 : i32
    %swap3A_453 = arith.index_cast %swap3A_452 : i32 to index
    %swap3A_454 = arith.constant 112 : index
    %swap3A_455 = tpu.vector_load %arg20[%swap3A_453, %swap3A_454] {strides = array<i32>} : memref<16x128xf32, #tpu.memory_space<vmem>>, vector<16xf32>,
    tpu.vector_store %arg20[%swap3A_453, %swap3A_454], %broadcast_in_dim3A_2 {strides = array<i32>} : memref<16x128xf32, #tpu.memory_space<vmem>>, vector<16xf32>,
    %swap3A_456 = arith.constant 14 : i32
    %swap3A_457 = arith.index_cast %swap3A_456 : i32 to index
    %swap3A_458 = arith.constant 0 : index
    %swap3A_459 = tpu.vector_load %arg20[%swap3A_457, %swap3A_458] {strides = array<i32>} : memref<16x128xf32, #tpu.memory_space<vmem>>, vector<16xf32>,
    tpu.vector_store %arg20[%swap3A_457, %swap3A_458], %broadcast_in_dim3A_2 {strides = array<i32>} : memref<16x128xf32, #tpu.memory_space<vmem>>, vector<16xf32>,
    %swap3A_460 = arith.constant 14 : i32
    %swap3A_461 = arith.index_cast %swap3A_460 : i32 to index
    %swap3A_462 = arith.constant 16 : index
    %swap3A_463 = tpu.vector_load %arg20[%swap3A_461, %swap3A_462] {strides = array<i32>} : memref<16x128xf32, #tpu.memory_space<vmem>>, vector<16xf32>,
    tpu.vector_store %arg20[%swap3A_461, %swap3A_462], %broadcast_in_dim3A_2 {strides = array<i32>} : memref<16x128xf32, #tpu.memory_space<vmem>>, vector<16xf32>,
    %swap3A_464 = arith.constant 14 : i32
    %swap3A_465 = arith.index_cast %swap3A_464 : i32 to index
    %swap3A_466 = arith.constant 32 : index
    %swap3A_467 = tpu.vector_load %arg20[%swap3A_465, %swap3A_466] {strides = array<i32>} : memref<16x128xf32, #tpu.memory_space<vmem>>, vector<16xf32>,
    tpu.vector_store %arg20[%swap3A_465, %swap3A_466], %broadcast_in_dim3A_2 {strides = array<i32>} : memref<16x128xf32, #tpu.memory_space<vmem>>, vector<16xf32>,
    %swap3A_468 = arith.constant 14 : i32
    %swap3A_469 = arith.index_cast %swap3A_468 : i32 to index
    %swap3A_470 = arith.constant 48 : index
    %swap3A_471 = tpu.vector_load %arg20[%swap3A_469, %swap3A_470] {strides = array<i32>} : memref<16x128xf32, #tpu.memory_space<vmem>>, vector<16xf32>,
    tpu.vector_store %arg20[%swap3A_469, %swap3A_470], %broadcast_in_dim3A_2 {strides = array<i32>} : memref<16x128xf32, #tpu.memory_space<vmem>>, vector<16xf32>,
    %swap3A_472 = arith.constant 14 : i32
    %swap3A_473 = arith.index_cast %swap3A_472 : i32 to index
    %swap3A_474 = arith.constant 64 : index
    %swap3A_475 = tpu.vector_load %arg20[%swap3A_473, %swap3A_474] {strides = array<i32>} : memref<16x128xf32, #tpu.memory_space<vmem>>, vector<16xf32>,
    tpu.vector_store %arg20[%swap3A_473, %swap3A_474], %broadcast_in_dim3A_2 {strides = array<i32>} : memref<16x128xf32, #tpu.memory_space<vmem>>, vector<16xf32>,
    %swap3A_476 = arith.constant 14 : i32
    %swap3A_477 = arith.index_cast %swap3A_476 : i32 to index
    %swap3A_478 = arith.constant 80 : index
    %swap3A_479 = tpu.vector_load %arg20[%swap3A_477, %swap3A_478] {strides = array<i32>} : memref<16x128xf32, #tpu.memory_space<vmem>>, vector<16xf32>,
    tpu.vector_store %arg20[%swap3A_477, %swap3A_478], %broadcast_in_dim3A_2 {strides = array<i32>} : memref<16x128xf32, #tpu.memory_space<vmem>>, vector<16xf32>,
    %swap3A_480 = arith.constant 14 : i32
    %swap3A_481 = arith.index_cast %swap3A_480 : i32 to index
    %swap3A_482 = arith.constant 96 : index
    %swap3A_483 = tpu.vector_load %arg20[%swap3A_481, %swap3A_482] {strides = array<i32>} : memref<16x128xf32, #tpu.memory_space<vmem>>, vector<16xf32>,
    tpu.vector_store %arg20[%swap3A_481, %swap3A_482], %broadcast_in_dim3A_2 {strides = array<i32>} : memref<16x128xf32, #tpu.memory_space<vmem>>, vector<16xf32>,
    %swap3A_484 = arith.constant 14 : i32
    %swap3A_485 = arith.index_cast %swap3A_484 : i32 to index
    %swap3A_486 = arith.constant 112 : index
    %swap3A_487 = tpu.vector_load %arg20[%swap3A_485, %swap3A_486] {strides = array<i32>} : memref<16x128xf32, #tpu.memory_space<vmem>>, vector<16xf32>,
    tpu.vector_store %arg20[%swap3A_485, %swap3A_486], %broadcast_in_dim3A_2 {strides = array<i32>} : memref<16x128xf32, #tpu.memory_space<vmem>>, vector<16xf32>,
    %swap3A_488 = arith.constant 15 : i32
    %swap3A_489 = arith.index_cast %swap3A_488 : i32 to index
    %swap3A_490 = arith.constant 0 : index
    %swap3A_491 = tpu.vector_load %arg20[%swap3A_489, %swap3A_490] {strides = array<i32>} : memref<16x128xf32, #tpu.memory_space<vmem>>, vector<16xf32>,
    tpu.vector_store %arg20[%swap3A_489, %swap3A_490], %broadcast_in_dim3A_2 {strides = array<i32>} : memref<16x128xf32, #tpu.memory_space<vmem>>, vector<16xf32>,
    %swap3A_492 = arith.constant 15 : i32
    %swap3A_493 = arith.index_cast %swap3A_492 : i32 to index
    %swap3A_494 = arith.constant 16 : index
    %swap3A_495 = tpu.vector_load %arg20[%swap3A_493, %swap3A_494] {strides = array<i32>} : memref<16x128xf32, #tpu.memory_space<vmem>>, vector<16xf32>,
    tpu.vector_store %arg20[%swap3A_493, %swap3A_494], %broadcast_in_dim3A_2 {strides = array<i32>} : memref<16x128xf32, #tpu.memory_space<vmem>>, vector<16xf32>,
    %swap3A_496 = arith.constant 15 : i32
    %swap3A_497 = arith.index_cast %swap3A_496 : i32 to index
    %swap3A_498 = arith.constant 32 : index
    %swap3A_499 = tpu.vector_load %arg20[%swap3A_497, %swap3A_498] {strides = array<i32>} : memref<16x128xf32, #tpu.memory_space<vmem>>, vector<16xf32>,
    tpu.vector_store %arg20[%swap3A_497, %swap3A_498], %broadcast_in_dim3A_2 {strides = array<i32>} : memref<16x128xf32, #tpu.memory_space<vmem>>, vector<16xf32>,
    %swap3A_500 = arith.constant 15 : i32
    %swap3A_501 = arith.index_cast %swap3A_500 : i32 to index
    %swap3A_502 = arith.constant 48 : index
    %swap3A_503 = tpu.vector_load %arg20[%swap3A_501, %swap3A_502] {strides = array<i32>} : memref<16x128xf32, #tpu.memory_space<vmem>>, vector<16xf32>,
    tpu.vector_store %arg20[%swap3A_501, %swap3A_502], %broadcast_in_dim3A_2 {strides = array<i32>} : memref<16x128xf32, #tpu.memory_space<vmem>>, vector<16xf32>,
    %swap3A_504 = arith.constant 15 : i32
    %swap3A_505 = arith.index_cast %swap3A_504 : i32 to index
    %swap3A_506 = arith.constant 64 : index
    %swap3A_507 = tpu.vector_load %arg20[%swap3A_505, %swap3A_506] {strides = array<i32>} : memref<16x128xf32, #tpu.memory_space<vmem>>, vector<16xf32>,
    tpu.vector_store %arg20[%swap3A_505, %swap3A_506], %broadcast_in_dim3A_2 {strides = array<i32>} : memref<16x128xf32, #tpu.memory_space<vmem>>, vector<16xf32>,
    %swap3A_508 = arith.constant 15 : i32
    %swap3A_509 = arith.index_cast %swap3A_508 : i32 to index
    %swap3A_510 = arith.constant 80 : index
    %swap3A_511 = tpu.vector_load %arg20[%swap3A_509, %swap3A_510] {strides = array<i32>} : memref<16x128xf32, #tpu.memory_space<vmem>>, vector<16xf32>,
    tpu.vector_store %arg20[%swap3A_509, %swap3A_510], %broadcast_in_dim3A_2 {strides = array<i32>} : memref<16x128xf32, #tpu.memory_space<vmem>>, vector<16xf32>,
    %swap3A_512 = arith.constant 15 : i32
    %swap3A_513 = arith.index_cast %swap3A_512 : i32 to index
    %swap3A_514 = arith.constant 96 : index
    %swap3A_515 = tpu.vector_load %arg20[%swap3A_513, %swap3A_514] {strides = array<i32>} : memref<16x128xf32, #tpu.memory_space<vmem>>, vector<16xf32>,
    tpu.vector_store %arg20[%swap3A_513, %swap3A_514], %broadcast_in_dim3A_2 {strides = array<i32>} : memref<16x128xf32, #tpu.memory_space<vmem>>, vector<16xf32>,
    %swap3A_516 = arith.constant 15 : i32
    %swap3A_517 = arith.index_cast %swap3A_516 : i32 to index
    %swap3A_518 = arith.constant 112 : index
    %swap3A_519 = tpu.vector_load %arg20[%swap3A_517, %swap3A_518] {strides = array<i32>} : memref<16x128xf32, #tpu.memory_space<vmem>>, vector<16xf32>,
    tpu.vector_store %arg20[%swap3A_517, %swap3A_518], %broadcast_in_dim3A_2 {strides = array<i32>} : memref<16x128xf32, #tpu.memory_space<vmem>>, vector<16xf32>,
    %mul3A = arith.constant 320 : i32
    %mul3A_520 = arith.muli %arg1, %mul3A : i32
    %add3A = arith.constant 0 : i32
    %add3A_521 = arith.addi %mul3A_520, %add3A : i32
    "tpu.region"() ({
      %run_scoped3A = tpu.sem_alloc : memref<!tpu.dma_semaphore, #tpu.memory_space<semaphore_mem>>
      %dma_start3A = arith.constant 0 : i32
      %dma_start3A_578 = tpu.memref_slice %arg12[%add3A_521, %dma_start3A] : memref<5120x128xf32, #tpu.memory_space<vmem_shared>> -> memref<16x128xf32, #tpu.memory_space<vmem_shared>>
      %dma_start3A_579 = arith.constant 0 : i32
      %dma_start3A_580 = tpu.memref_slice %arg12[%add3A_521, %dma_start3A_579] : memref<5120x128xf32, #tpu.memory_space<vmem_shared>> -> memref<16x128xf32, #tpu.memory_space<vmem_shared>>
      tpu.enqueue_dma source(%arg20 : memref<16x128xf32, #tpu.memory_space<vmem>>) target(%dma_start3A_580 : memref<16x128xf32, #tpu.memory_space<vmem_shared>>) target_semaphore(%run_scoped3A : memref<!tpu.dma_semaphore, #tpu.memory_space<semaphore_mem>>)
      %dma_wait3A = arith.constant 0 : i32
      %dma_wait3A_581 = tpu.memref_slice %arg12[%add3A_521, %dma_wait3A] : memref<5120x128xf32, #tpu.memory_space<vmem_shared>> -> memref<16x128xf32, #tpu.memory_space<vmem_shared>>
      %dma_wait3A_582 = arith.constant 0 : i32
      %dma_wait3A_583 = tpu.memref_slice %arg12[%add3A_521, %dma_wait3A_582] : memref<5120x128xf32, #tpu.memory_space<vmem_shared>> -> memref<16x128xf32, #tpu.memory_space<vmem_shared>>
      tpu.wait_dma2 semaphore(%run_scoped3A : memref<!tpu.dma_semaphore, #tpu.memory_space<semaphore_mem>>) src(%arg20 : memref<16x128xf32, #tpu.memory_space<vmem>>) dst(%dma_wait3A_583 : memref<16x128xf32, #tpu.memory_space<vmem_shared>>)
      tpu.yield
    }) : () -> ()
    %add3A_522 = arith.constant 16 : i32
    %add3A_523 = arith.addi %mul3A_520, %add3A_522 : i32
    "tpu.region"() ({
      %run_scoped3A = tpu.sem_alloc : memref<!tpu.dma_semaphore, #tpu.memory_space<semaphore_mem>>
      %dma_start3A = arith.constant 0 : i32
      %dma_start3A_578 = tpu.memref_slice %arg12[%add3A_523, %dma_start3A] : memref<5120x128xf32, #tpu.memory_space<vmem_shared>> -> memref<16x128xf32, #tpu.memory_space<vmem_shared>>
      %dma_start3A_579 = arith.constant 0 : i32
      %dma_start3A_580 = tpu.memref_slice %arg12[%add3A_523, %dma_start3A_579] : memref<5120x128xf32, #tpu.memory_space<vmem_shared>> -> memref<16x128xf32, #tpu.memory_space<vmem_shared>>
      tpu.enqueue_dma source(%arg20 : memref<16x128xf32, #tpu.memory_space<vmem>>) target(%dma_start3A_580 : memref<16x128xf32, #tpu.memory_space<vmem_shared>>) target_semaphore(%run_scoped3A : memref<!tpu.dma_semaphore, #tpu.memory_space<semaphore_mem>>)
      %dma_wait3A = arith.constant 0 : i32
      %dma_wait3A_581 = tpu.memref_slice %arg12[%add3A_523, %dma_wait3A] : memref<5120x128xf32, #tpu.memory_space<vmem_shared>> -> memref<16x128xf32, #tpu.memory_space<vmem_shared>>
      %dma_wait3A_582 = arith.constant 0 : i32
      %dma_wait3A_583 = tpu.memref_slice %arg12[%add3A_523, %dma_wait3A_582] : memref<5120x128xf32, #tpu.memory_space<vmem_shared>> -> memref<16x128xf32, #tpu.memory_space<vmem_shared>>
      tpu.wait_dma2 semaphore(%run_scoped3A : memref<!tpu.dma_semaphore, #tpu.memory_space<semaphore_mem>>) src(%arg20 : memref<16x128xf32, #tpu.memory_space<vmem>>) dst(%dma_wait3A_583 : memref<16x128xf32, #tpu.memory_space<vmem_shared>>)
      tpu.yield
    }) : () -> ()
    %add3A_524 = arith.constant 32 : i32
    %add3A_525 = arith.addi %mul3A_520, %add3A_524 : i32
    "tpu.region"() ({
      %run_scoped3A = tpu.sem_alloc : memref<!tpu.dma_semaphore, #tpu.memory_space<semaphore_mem>>
      %dma_start3A = arith.constant 0 : i32
      %dma_start3A_578 = tpu.memref_slice %arg12[%add3A_525, %dma_start3A] : memref<5120x128xf32, #tpu.memory_space<vmem_shared>> -> memref<16x128xf32, #tpu.memory_space<vmem_shared>>
      %dma_start3A_579 = arith.constant 0 : i32
      %dma_start3A_580 = tpu.memref_slice %arg12[%add3A_525, %dma_start3A_579] : memref<5120x128xf32, #tpu.memory_space<vmem_shared>> -> memref<16x128xf32, #tpu.memory_space<vmem_shared>>
      tpu.enqueue_dma source(%arg20 : memref<16x128xf32, #tpu.memory_space<vmem>>) target(%dma_start3A_580 : memref<16x128xf32, #tpu.memory_space<vmem_shared>>) target_semaphore(%run_scoped3A : memref<!tpu.dma_semaphore, #tpu.memory_space<semaphore_mem>>)
      %dma_wait3A = arith.constant 0 : i32
      %dma_wait3A_581 = tpu.memref_slice %arg12[%add3A_525, %dma_wait3A] : memref<5120x128xf32, #tpu.memory_space<vmem_shared>> -> memref<16x128xf32, #tpu.memory_space<vmem_shared>>
      %dma_wait3A_582 = arith.constant 0 : i32
      %dma_wait3A_583 = tpu.memref_slice %arg12[%add3A_525, %dma_wait3A_582] : memref<5120x128xf32, #tpu.memory_space<vmem_shared>> -> memref<16x128xf32, #tpu.memory_space<vmem_shared>>
      tpu.wait_dma2 semaphore(%run_scoped3A : memref<!tpu.dma_semaphore, #tpu.memory_space<semaphore_mem>>) src(%arg20 : memref<16x128xf32, #tpu.memory_space<vmem>>) dst(%dma_wait3A_583 : memref<16x128xf32, #tpu.memory_space<vmem_shared>>)
      tpu.yield
    }) : () -> ()
    %add3A_526 = arith.constant 48 : i32
    %add3A_527 = arith.addi %mul3A_520, %add3A_526 : i32
    "tpu.region"() ({
      %run_scoped3A = tpu.sem_alloc : memref<!tpu.dma_semaphore, #tpu.memory_space<semaphore_mem>>
      %dma_start3A = arith.constant 0 : i32
      %dma_start3A_578 = tpu.memref_slice %arg12[%add3A_527, %dma_start3A] : memref<5120x128xf32, #tpu.memory_space<vmem_shared>> -> memref<16x128xf32, #tpu.memory_space<vmem_shared>>
      %dma_start3A_579 = arith.constant 0 : i32
      %dma_start3A_580 = tpu.memref_slice %arg12[%add3A_527, %dma_start3A_579] : memref<5120x128xf32, #tpu.memory_space<vmem_shared>> -> memref<16x128xf32, #tpu.memory_space<vmem_shared>>
      tpu.enqueue_dma source(%arg20 : memref<16x128xf32, #tpu.memory_space<vmem>>) target(%dma_start3A_580 : memref<16x128xf32, #tpu.memory_space<vmem_shared>>) target_semaphore(%run_scoped3A : memref<!tpu.dma_semaphore, #tpu.memory_space<semaphore_mem>>)
      %dma_wait3A = arith.constant 0 : i32
      %dma_wait3A_581 = tpu.memref_slice %arg12[%add3A_527, %dma_wait3A] : memref<5120x128xf32, #tpu.memory_space<vmem_shared>> -> memref<16x128xf32, #tpu.memory_space<vmem_shared>>
      %dma_wait3A_582 = arith.constant 0 : i32
      %dma_wait3A_583 = tpu.memref_slice %arg12[%add3A_527, %dma_wait3A_582] : memref<5120x128xf32, #tpu.memory_space<vmem_shared>> -> memref<16x128xf32, #tpu.memory_space<vmem_shared>>
      tpu.wait_dma2 semaphore(%run_scoped3A : memref<!tpu.dma_semaphore, #tpu.memory_space<semaphore_mem>>) src(%arg20 : memref<16x128xf32, #tpu.memory_space<vmem>>) dst(%dma_wait3A_583 : memref<16x128xf32, #tpu.memory_space<vmem_shared>>)
      tpu.yield
    }) : () -> ()
    %add3A_528 = arith.constant 64 : i32
    %add3A_529 = arith.addi %mul3A_520, %add3A_528 : i32
    "tpu.region"() ({
      %run_scoped3A = tpu.sem_alloc : memref<!tpu.dma_semaphore, #tpu.memory_space<semaphore_mem>>
      %dma_start3A = arith.constant 0 : i32
      %dma_start3A_578 = tpu.memref_slice %arg12[%add3A_529, %dma_start3A] : memref<5120x128xf32, #tpu.memory_space<vmem_shared>> -> memref<16x128xf32, #tpu.memory_space<vmem_shared>>
      %dma_start3A_579 = arith.constant 0 : i32
      %dma_start3A_580 = tpu.memref_slice %arg12[%add3A_529, %dma_start3A_579] : memref<5120x128xf32, #tpu.memory_space<vmem_shared>> -> memref<16x128xf32, #tpu.memory_space<vmem_shared>>
      tpu.enqueue_dma source(%arg20 : memref<16x128xf32, #tpu.memory_space<vmem>>) target(%dma_start3A_580 : memref<16x128xf32, #tpu.memory_space<vmem_shared>>) target_semaphore(%run_scoped3A : memref<!tpu.dma_semaphore, #tpu.memory_space<semaphore_mem>>)
      %dma_wait3A = arith.constant 0 : i32
      %dma_wait3A_581 = tpu.memref_slice %arg12[%add3A_529, %dma_wait3A] : memref<5120x128xf32, #tpu.memory_space<vmem_shared>> -> memref<16x128xf32, #tpu.memory_space<vmem_shared>>
      %dma_wait3A_582 = arith.constant 0 : i32
      %dma_wait3A_583 = tpu.memref_slice %arg12[%add3A_529, %dma_wait3A_582] : memref<5120x128xf32, #tpu.memory_space<vmem_shared>> -> memref<16x128xf32, #tpu.memory_space<vmem_shared>>
      tpu.wait_dma2 semaphore(%run_scoped3A : memref<!tpu.dma_semaphore, #tpu.memory_space<semaphore_mem>>) src(%arg20 : memref<16x128xf32, #tpu.memory_space<vmem>>) dst(%dma_wait3A_583 : memref<16x128xf32, #tpu.memory_space<vmem_shared>>)
      tpu.yield
    }) : () -> ()
    %add3A_530 = arith.constant 80 : i32
    %add3A_531 = arith.addi %mul3A_520, %add3A_530 : i32
    "tpu.region"() ({
      %run_scoped3A = tpu.sem_alloc : memref<!tpu.dma_semaphore, #tpu.memory_space<semaphore_mem>>
      %dma_start3A = arith.constant 0 : i32
      %dma_start3A_578 = tpu.memref_slice %arg12[%add3A_531, %dma_start3A] : memref<5120x128xf32, #tpu.memory_space<vmem_shared>> -> memref<16x128xf32, #tpu.memory_space<vmem_shared>>
      %dma_start3A_579 = arith.constant 0 : i32
      %dma_start3A_580 = tpu.memref_slice %arg12[%add3A_531, %dma_start3A_579] : memref<5120x128xf32, #tpu.memory_space<vmem_shared>> -> memref<16x128xf32, #tpu.memory_space<vmem_shared>>
      tpu.enqueue_dma source(%arg20 : memref<16x128xf32, #tpu.memory_space<vmem>>) target(%dma_start3A_580 : memref<16x128xf32, #tpu.memory_space<vmem_shared>>) target_semaphore(%run_scoped3A : memref<!tpu.dma_semaphore, #tpu.memory_space<semaphore_mem>>)
      %dma_wait3A = arith.constant 0 : i32
      %dma_wait3A_581 = tpu.memref_slice %arg12[%add3A_531, %dma_wait3A] : memref<5120x128xf32, #tpu.memory_space<vmem_shared>> -> memref<16x128xf32, #tpu.memory_space<vmem_shared>>
      %dma_wait3A_582 = arith.constant 0 : i32
      %dma_wait3A_583 = tpu.memref_slice %arg12[%add3A_531, %dma_wait3A_582] : memref<5120x128xf32, #tpu.memory_space<vmem_shared>> -> memref<16x128xf32, #tpu.memory_space<vmem_shared>>
      tpu.wait_dma2 semaphore(%run_scoped3A : memref<!tpu.dma_semaphore, #tpu.memory_space<semaphore_mem>>) src(%arg20 : memref<16x128xf32, #tpu.memory_space<vmem>>) dst(%dma_wait3A_583 : memref<16x128xf32, #tpu.memory_space<vmem_shared>>)
      tpu.yield
    }) : () -> ()
    %add3A_532 = arith.constant 96 : i32
    %add3A_533 = arith.addi %mul3A_520, %add3A_532 : i32
    "tpu.region"() ({
      %run_scoped3A = tpu.sem_alloc : memref<!tpu.dma_semaphore, #tpu.memory_space<semaphore_mem>>
      %dma_start3A = arith.constant 0 : i32
      %dma_start3A_578 = tpu.memref_slice %arg12[%add3A_533, %dma_start3A] : memref<5120x128xf32, #tpu.memory_space<vmem_shared>> -> memref<16x128xf32, #tpu.memory_space<vmem_shared>>
      %dma_start3A_579 = arith.constant 0 : i32
      %dma_start3A_580 = tpu.memref_slice %arg12[%add3A_533, %dma_start3A_579] : memref<5120x128xf32, #tpu.memory_space<vmem_shared>> -> memref<16x128xf32, #tpu.memory_space<vmem_shared>>
      tpu.enqueue_dma source(%arg20 : memref<16x128xf32, #tpu.memory_space<vmem>>) target(%dma_start3A_580 : memref<16x128xf32, #tpu.memory_space<vmem_shared>>) target_semaphore(%run_scoped3A : memref<!tpu.dma_semaphore, #tpu.memory_space<semaphore_mem>>)
      %dma_wait3A = arith.constant 0 : i32
      %dma_wait3A_581 = tpu.memref_slice %arg12[%add3A_533, %dma_wait3A] : memref<5120x128xf32, #tpu.memory_space<vmem_shared>> -> memref<16x128xf32, #tpu.memory_space<vmem_shared>>
      %dma_wait3A_582 = arith.constant 0 : i32
      %dma_wait3A_583 = tpu.memref_slice %arg12[%add3A_533, %dma_wait3A_582] : memref<5120x128xf32, #tpu.memory_space<vmem_shared>> -> memref<16x128xf32, #tpu.memory_space<vmem_shared>>
      tpu.wait_dma2 semaphore(%run_scoped3A : memref<!tpu.dma_semaphore, #tpu.memory_space<semaphore_mem>>) src(%arg20 : memref<16x128xf32, #tpu.memory_space<vmem>>) dst(%dma_wait3A_583 : memref<16x128xf32, #tpu.memory_space<vmem_shared>>)
      tpu.yield
    }) : () -> ()
    %add3A_534 = arith.constant 112 : i32
    %add3A_535 = arith.addi %mul3A_520, %add3A_534 : i32
    "tpu.region"() ({
      %run_scoped3A = tpu.sem_alloc : memref<!tpu.dma_semaphore, #tpu.memory_space<semaphore_mem>>
      %dma_start3A = arith.constant 0 : i32
      %dma_start3A_578 = tpu.memref_slice %arg12[%add3A_535, %dma_start3A] : memref<5120x128xf32, #tpu.memory_space<vmem_shared>> -> memref<16x128xf32, #tpu.memory_space<vmem_shared>>
      %dma_start3A_579 = arith.constant 0 : i32
      %dma_start3A_580 = tpu.memref_slice %arg12[%add3A_535, %dma_start3A_579] : memref<5120x128xf32, #tpu.memory_space<vmem_shared>> -> memref<16x128xf32, #tpu.memory_space<vmem_shared>>
      tpu.enqueue_dma source(%arg20 : memref<16x128xf32, #tpu.memory_space<vmem>>) target(%dma_start3A_580 : memref<16x128xf32, #tpu.memory_space<vmem_shared>>) target_semaphore(%run_scoped3A : memref<!tpu.dma_semaphore, #tpu.memory_space<semaphore_mem>>)
      %dma_wait3A = arith.constant 0 : i32
      %dma_wait3A_581 = tpu.memref_slice %arg12[%add3A_535, %dma_wait3A] : memref<5120x128xf32, #tpu.memory_space<vmem_shared>> -> memref<16x128xf32, #tpu.memory_space<vmem_shared>>
      %dma_wait3A_582 = arith.constant 0 : i32
      %dma_wait3A_583 = tpu.memref_slice %arg12[%add3A_535, %dma_wait3A_582] : memref<5120x128xf32, #tpu.memory_space<vmem_shared>> -> memref<16x128xf32, #tpu.memory_space<vmem_shared>>
      tpu.wait_dma2 semaphore(%run_scoped3A : memref<!tpu.dma_semaphore, #tpu.memory_space<semaphore_mem>>) src(%arg20 : memref<16x128xf32, #tpu.memory_space<vmem>>) dst(%dma_wait3A_583 : memref<16x128xf32, #tpu.memory_space<vmem_shared>>)
      tpu.yield
    }) : () -> ()
    %add3A_536 = arith.constant 128 : i32
    %add3A_537 = arith.addi %mul3A_520, %add3A_536 : i32
    "tpu.region"() ({
      %run_scoped3A = tpu.sem_alloc : memref<!tpu.dma_semaphore, #tpu.memory_space<semaphore_mem>>
      %dma_start3A = arith.constant 0 : i32
      %dma_start3A_578 = tpu.memref_slice %arg12[%add3A_537, %dma_start3A] : memref<5120x128xf32, #tpu.memory_space<vmem_shared>> -> memref<16x128xf32, #tpu.memory_space<vmem_shared>>
      %dma_start3A_579 = arith.constant 0 : i32
      %dma_start3A_580 = tpu.memref_slice %arg12[%add3A_537, %dma_start3A_579] : memref<5120x128xf32, #tpu.memory_space<vmem_shared>> -> memref<16x128xf32, #tpu.memory_space<vmem_shared>>
      tpu.enqueue_dma source(%arg20 : memref<16x128xf32, #tpu.memory_space<vmem>>) target(%dma_start3A_580 : memref<16x128xf32, #tpu.memory_space<vmem_shared>>) target_semaphore(%run_scoped3A : memref<!tpu.dma_semaphore, #tpu.memory_space<semaphore_mem>>)
      %dma_wait3A = arith.constant 0 : i32
      %dma_wait3A_581 = tpu.memref_slice %arg12[%add3A_537, %dma_wait3A] : memref<5120x128xf32, #tpu.memory_space<vmem_shared>> -> memref<16x128xf32, #tpu.memory_space<vmem_shared>>
      %dma_wait3A_582 = arith.constant 0 : i32
      %dma_wait3A_583 = tpu.memref_slice %arg12[%add3A_537, %dma_wait3A_582] : memref<5120x128xf32, #tpu.memory_space<vmem_shared>> -> memref<16x128xf32, #tpu.memory_space<vmem_shared>>
      tpu.wait_dma2 semaphore(%run_scoped3A : memref<!tpu.dma_semaphore, #tpu.memory_space<semaphore_mem>>) src(%arg20 : memref<16x128xf32, #tpu.memory_space<vmem>>) dst(%dma_wait3A_583 : memref<16x128xf32, #tpu.memory_space<vmem_shared>>)
      tpu.yield
    }) : () -> ()
    %add3A_538 = arith.constant 144 : i32
    %add3A_539 = arith.addi %mul3A_520, %add3A_538 : i32
    "tpu.region"() ({
      %run_scoped3A = tpu.sem_alloc : memref<!tpu.dma_semaphore, #tpu.memory_space<semaphore_mem>>
      %dma_start3A = arith.constant 0 : i32
      %dma_start3A_578 = tpu.memref_slice %arg12[%add3A_539, %dma_start3A] : memref<5120x128xf32, #tpu.memory_space<vmem_shared>> -> memref<16x128xf32, #tpu.memory_space<vmem_shared>>
      %dma_start3A_579 = arith.constant 0 : i32
      %dma_start3A_580 = tpu.memref_slice %arg12[%add3A_539, %dma_start3A_579] : memref<5120x128xf32, #tpu.memory_space<vmem_shared>> -> memref<16x128xf32, #tpu.memory_space<vmem_shared>>
      tpu.enqueue_dma source(%arg20 : memref<16x128xf32, #tpu.memory_space<vmem>>) target(%dma_start3A_580 : memref<16x128xf32, #tpu.memory_space<vmem_shared>>) target_semaphore(%run_scoped3A : memref<!tpu.dma_semaphore, #tpu.memory_space<semaphore_mem>>)
      %dma_wait3A = arith.constant 0 : i32
      %dma_wait3A_581 = tpu.memref_slice %arg12[%add3A_539, %dma_wait3A] : memref<5120x128xf32, #tpu.memory_space<vmem_shared>> -> memref<16x128xf32, #tpu.memory_space<vmem_shared>>
      %dma_wait3A_582 = arith.constant 0 : i32
      %dma_wait3A_583 = tpu.memref_slice %arg12[%add3A_539, %dma_wait3A_582] : memref<5120x128xf32, #tpu.memory_space<vmem_shared>> -> memref<16x128xf32, #tpu.memory_space<vmem_shared>>
      tpu.wait_dma2 semaphore(%run_scoped3A : memref<!tpu.dma_semaphore, #tpu.memory_space<semaphore_mem>>) src(%arg20 : memref<16x128xf32, #tpu.memory_space<vmem>>) dst(%dma_wait3A_583 : memref<16x128xf32, #tpu.memory_space<vmem_shared>>)
      tpu.yield
    }) : () -> ()
    %add3A_540 = arith.constant 160 : i32
    %add3A_541 = arith.addi %mul3A_520, %add3A_540 : i32
    "tpu.region"() ({
      %run_scoped3A = tpu.sem_alloc : memref<!tpu.dma_semaphore, #tpu.memory_space<semaphore_mem>>
      %dma_start3A = arith.constant 0 : i32
      %dma_start3A_578 = tpu.memref_slice %arg12[%add3A_541, %dma_start3A] : memref<5120x128xf32, #tpu.memory_space<vmem_shared>> -> memref<16x128xf32, #tpu.memory_space<vmem_shared>>
      %dma_start3A_579 = arith.constant 0 : i32
      %dma_start3A_580 = tpu.memref_slice %arg12[%add3A_541, %dma_start3A_579] : memref<5120x128xf32, #tpu.memory_space<vmem_shared>> -> memref<16x128xf32, #tpu.memory_space<vmem_shared>>
      tpu.enqueue_dma source(%arg20 : memref<16x128xf32, #tpu.memory_space<vmem>>) target(%dma_start3A_580 : memref<16x128xf32, #tpu.memory_space<vmem_shared>>) target_semaphore(%run_scoped3A : memref<!tpu.dma_semaphore, #tpu.memory_space<semaphore_mem>>)
      %dma_wait3A = arith.constant 0 : i32
      %dma_wait3A_581 = tpu.memref_slice %arg12[%add3A_541, %dma_wait3A] : memref<5120x128xf32, #tpu.memory_space<vmem_shared>> -> memref<16x128xf32, #tpu.memory_space<vmem_shared>>
      %dma_wait3A_582 = arith.constant 0 : i32
      %dma_wait3A_583 = tpu.memref_slice %arg12[%add3A_541, %dma_wait3A_582] : memref<5120x128xf32, #tpu.memory_space<vmem_shared>> -> memref<16x128xf32, #tpu.memory_space<vmem_shared>>
      tpu.wait_dma2 semaphore(%run_scoped3A : memref<!tpu.dma_semaphore, #tpu.memory_space<semaphore_mem>>) src(%arg20 : memref<16x128xf32, #tpu.memory_space<vmem>>) dst(%dma_wait3A_583 : memref<16x128xf32, #tpu.memory_space<vmem_shared>>)
      tpu.yield
    }) : () -> ()
    %add3A_542 = arith.constant 176 : i32
    %add3A_543 = arith.addi %mul3A_520, %add3A_542 : i32
    "tpu.region"() ({
      %run_scoped3A = tpu.sem_alloc : memref<!tpu.dma_semaphore, #tpu.memory_space<semaphore_mem>>
      %dma_start3A = arith.constant 0 : i32
      %dma_start3A_578 = tpu.memref_slice %arg12[%add3A_543, %dma_start3A] : memref<5120x128xf32, #tpu.memory_space<vmem_shared>> -> memref<16x128xf32, #tpu.memory_space<vmem_shared>>
      %dma_start3A_579 = arith.constant 0 : i32
      %dma_start3A_580 = tpu.memref_slice %arg12[%add3A_543, %dma_start3A_579] : memref<5120x128xf32, #tpu.memory_space<vmem_shared>> -> memref<16x128xf32, #tpu.memory_space<vmem_shared>>
      tpu.enqueue_dma source(%arg20 : memref<16x128xf32, #tpu.memory_space<vmem>>) target(%dma_start3A_580 : memref<16x128xf32, #tpu.memory_space<vmem_shared>>) target_semaphore(%run_scoped3A : memref<!tpu.dma_semaphore, #tpu.memory_space<semaphore_mem>>)
      %dma_wait3A = arith.constant 0 : i32
      %dma_wait3A_581 = tpu.memref_slice %arg12[%add3A_543, %dma_wait3A] : memref<5120x128xf32, #tpu.memory_space<vmem_shared>> -> memref<16x128xf32, #tpu.memory_space<vmem_shared>>
      %dma_wait3A_582 = arith.constant 0 : i32
      %dma_wait3A_583 = tpu.memref_slice %arg12[%add3A_543, %dma_wait3A_582] : memref<5120x128xf32, #tpu.memory_space<vmem_shared>> -> memref<16x128xf32, #tpu.memory_space<vmem_shared>>
      tpu.wait_dma2 semaphore(%run_scoped3A : memref<!tpu.dma_semaphore, #tpu.memory_space<semaphore_mem>>) src(%arg20 : memref<16x128xf32, #tpu.memory_space<vmem>>) dst(%dma_wait3A_583 : memref<16x128xf32, #tpu.memory_space<vmem_shared>>)
      tpu.yield
    }) : () -> ()
    %add3A_544 = arith.constant 192 : i32
    %add3A_545 = arith.addi %mul3A_520, %add3A_544 : i32
    "tpu.region"() ({
      %run_scoped3A = tpu.sem_alloc : memref<!tpu.dma_semaphore, #tpu.memory_space<semaphore_mem>>
      %dma_start3A = arith.constant 0 : i32
      %dma_start3A_578 = tpu.memref_slice %arg12[%add3A_545, %dma_start3A] : memref<5120x128xf32, #tpu.memory_space<vmem_shared>> -> memref<16x128xf32, #tpu.memory_space<vmem_shared>>
      %dma_start3A_579 = arith.constant 0 : i32
      %dma_start3A_580 = tpu.memref_slice %arg12[%add3A_545, %dma_start3A_579] : memref<5120x128xf32, #tpu.memory_space<vmem_shared>> -> memref<16x128xf32, #tpu.memory_space<vmem_shared>>
      tpu.enqueue_dma source(%arg20 : memref<16x128xf32, #tpu.memory_space<vmem>>) target(%dma_start3A_580 : memref<16x128xf32, #tpu.memory_space<vmem_shared>>) target_semaphore(%run_scoped3A : memref<!tpu.dma_semaphore, #tpu.memory_space<semaphore_mem>>)
      %dma_wait3A = arith.constant 0 : i32
      %dma_wait3A_581 = tpu.memref_slice %arg12[%add3A_545, %dma_wait3A] : memref<5120x128xf32, #tpu.memory_space<vmem_shared>> -> memref<16x128xf32, #tpu.memory_space<vmem_shared>>
      %dma_wait3A_582 = arith.constant 0 : i32
      %dma_wait3A_583 = tpu.memref_slice %arg12[%add3A_545, %dma_wait3A_582] : memref<5120x128xf32, #tpu.memory_space<vmem_shared>> -> memref<16x128xf32, #tpu.memory_space<vmem_shared>>
      tpu.wait_dma2 semaphore(%run_scoped3A : memref<!tpu.dma_semaphore, #tpu.memory_space<semaphore_mem>>) src(%arg20 : memref<16x128xf32, #tpu.memory_space<vmem>>) dst(%dma_wait3A_583 : memref<16x128xf32, #tpu.memory_space<vmem_shared>>)
      tpu.yield
    }) : () -> ()
    %add3A_546 = arith.constant 208 : i32
    %add3A_547 = arith.addi %mul3A_520, %add3A_546 : i32
    "tpu.region"() ({
      %run_scoped3A = tpu.sem_alloc : memref<!tpu.dma_semaphore, #tpu.memory_space<semaphore_mem>>
      %dma_start3A = arith.constant 0 : i32
      %dma_start3A_578 = tpu.memref_slice %arg12[%add3A_547, %dma_start3A] : memref<5120x128xf32, #tpu.memory_space<vmem_shared>> -> memref<16x128xf32, #tpu.memory_space<vmem_shared>>
      %dma_start3A_579 = arith.constant 0 : i32
      %dma_start3A_580 = tpu.memref_slice %arg12[%add3A_547, %dma_start3A_579] : memref<5120x128xf32, #tpu.memory_space<vmem_shared>> -> memref<16x128xf32, #tpu.memory_space<vmem_shared>>
      tpu.enqueue_dma source(%arg20 : memref<16x128xf32, #tpu.memory_space<vmem>>) target(%dma_start3A_580 : memref<16x128xf32, #tpu.memory_space<vmem_shared>>) target_semaphore(%run_scoped3A : memref<!tpu.dma_semaphore, #tpu.memory_space<semaphore_mem>>)
      %dma_wait3A = arith.constant 0 : i32
      %dma_wait3A_581 = tpu.memref_slice %arg12[%add3A_547, %dma_wait3A] : memref<5120x128xf32, #tpu.memory_space<vmem_shared>> -> memref<16x128xf32, #tpu.memory_space<vmem_shared>>
      %dma_wait3A_582 = arith.constant 0 : i32
      %dma_wait3A_583 = tpu.memref_slice %arg12[%add3A_547, %dma_wait3A_582] : memref<5120x128xf32, #tpu.memory_space<vmem_shared>> -> memref<16x128xf32, #tpu.memory_space<vmem_shared>>
      tpu.wait_dma2 semaphore(%run_scoped3A : memref<!tpu.dma_semaphore, #tpu.memory_space<semaphore_mem>>) src(%arg20 : memref<16x128xf32, #tpu.memory_space<vmem>>) dst(%dma_wait3A_583 : memref<16x128xf32, #tpu.memory_space<vmem_shared>>)
      tpu.yield
    }) : () -> ()
    %add3A_548 = arith.constant 224 : i32
    %add3A_549 = arith.addi %mul3A_520, %add3A_548 : i32
    "tpu.region"() ({
      %run_scoped3A = tpu.sem_alloc : memref<!tpu.dma_semaphore, #tpu.memory_space<semaphore_mem>>
      %dma_start3A = arith.constant 0 : i32
      %dma_start3A_578 = tpu.memref_slice %arg12[%add3A_549, %dma_start3A] : memref<5120x128xf32, #tpu.memory_space<vmem_shared>> -> memref<16x128xf32, #tpu.memory_space<vmem_shared>>
      %dma_start3A_579 = arith.constant 0 : i32
      %dma_start3A_580 = tpu.memref_slice %arg12[%add3A_549, %dma_start3A_579] : memref<5120x128xf32, #tpu.memory_space<vmem_shared>> -> memref<16x128xf32, #tpu.memory_space<vmem_shared>>
      tpu.enqueue_dma source(%arg20 : memref<16x128xf32, #tpu.memory_space<vmem>>) target(%dma_start3A_580 : memref<16x128xf32, #tpu.memory_space<vmem_shared>>) target_semaphore(%run_scoped3A : memref<!tpu.dma_semaphore, #tpu.memory_space<semaphore_mem>>)
      %dma_wait3A = arith.constant 0 : i32
      %dma_wait3A_581 = tpu.memref_slice %arg12[%add3A_549, %dma_wait3A] : memref<5120x128xf32, #tpu.memory_space<vmem_shared>> -> memref<16x128xf32, #tpu.memory_space<vmem_shared>>
      %dma_wait3A_582 = arith.constant 0 : i32
      %dma_wait3A_583 = tpu.memref_slice %arg12[%add3A_549, %dma_wait3A_582] : memref<5120x128xf32, #tpu.memory_space<vmem_shared>> -> memref<16x128xf32, #tpu.memory_space<vmem_shared>>
      tpu.wait_dma2 semaphore(%run_scoped3A : memref<!tpu.dma_semaphore, #tpu.memory_space<semaphore_mem>>) src(%arg20 : memref<16x128xf32, #tpu.memory_space<vmem>>) dst(%dma_wait3A_583 : memref<16x128xf32, #tpu.memory_space<vmem_shared>>)
      tpu.yield
    }) : () -> ()
    %add3A_550 = arith.constant 240 : i32
    %add3A_551 = arith.addi %mul3A_520, %add3A_550 : i32
    "tpu.region"() ({
      %run_scoped3A = tpu.sem_alloc : memref<!tpu.dma_semaphore, #tpu.memory_space<semaphore_mem>>
      %dma_start3A = arith.constant 0 : i32
      %dma_start3A_578 = tpu.memref_slice %arg12[%add3A_551, %dma_start3A] : memref<5120x128xf32, #tpu.memory_space<vmem_shared>> -> memref<16x128xf32, #tpu.memory_space<vmem_shared>>
      %dma_start3A_579 = arith.constant 0 : i32
      %dma_start3A_580 = tpu.memref_slice %arg12[%add3A_551, %dma_start3A_579] : memref<5120x128xf32, #tpu.memory_space<vmem_shared>> -> memref<16x128xf32, #tpu.memory_space<vmem_shared>>
      tpu.enqueue_dma source(%arg20 : memref<16x128xf32, #tpu.memory_space<vmem>>) target(%dma_start3A_580 : memref<16x128xf32, #tpu.memory_space<vmem_shared>>) target_semaphore(%run_scoped3A : memref<!tpu.dma_semaphore, #tpu.memory_space<semaphore_mem>>)
      %dma_wait3A = arith.constant 0 : i32
      %dma_wait3A_581 = tpu.memref_slice %arg12[%add3A_551, %dma_wait3A] : memref<5120x128xf32, #tpu.memory_space<vmem_shared>> -> memref<16x128xf32, #tpu.memory_space<vmem_shared>>
      %dma_wait3A_582 = arith.constant 0 : i32
      %dma_wait3A_583 = tpu.memref_slice %arg12[%add3A_551, %dma_wait3A_582] : memref<5120x128xf32, #tpu.memory_space<vmem_shared>> -> memref<16x128xf32, #tpu.memory_space<vmem_shared>>
      tpu.wait_dma2 semaphore(%run_scoped3A : memref<!tpu.dma_semaphore, #tpu.memory_space<semaphore_mem>>) src(%arg20 : memref<16x128xf32, #tpu.memory_space<vmem>>) dst(%dma_wait3A_583 : memref<16x128xf32, #tpu.memory_space<vmem_shared>>)
      tpu.yield
    }) : () -> ()
    %add3A_552 = arith.constant 256 : i32
    %add3A_553 = arith.addi %mul3A_520, %add3A_552 : i32
    "tpu.region"() ({
      %run_scoped3A = tpu.sem_alloc : memref<!tpu.dma_semaphore, #tpu.memory_space<semaphore_mem>>
      %dma_start3A = arith.constant 0 : i32
      %dma_start3A_578 = tpu.memref_slice %arg12[%add3A_553, %dma_start3A] : memref<5120x128xf32, #tpu.memory_space<vmem_shared>> -> memref<16x128xf32, #tpu.memory_space<vmem_shared>>
      %dma_start3A_579 = arith.constant 0 : i32
      %dma_start3A_580 = tpu.memref_slice %arg12[%add3A_553, %dma_start3A_579] : memref<5120x128xf32, #tpu.memory_space<vmem_shared>> -> memref<16x128xf32, #tpu.memory_space<vmem_shared>>
      tpu.enqueue_dma source(%arg20 : memref<16x128xf32, #tpu.memory_space<vmem>>) target(%dma_start3A_580 : memref<16x128xf32, #tpu.memory_space<vmem_shared>>) target_semaphore(%run_scoped3A : memref<!tpu.dma_semaphore, #tpu.memory_space<semaphore_mem>>)
      %dma_wait3A = arith.constant 0 : i32
      %dma_wait3A_581 = tpu.memref_slice %arg12[%add3A_553, %dma_wait3A] : memref<5120x128xf32, #tpu.memory_space<vmem_shared>> -> memref<16x128xf32, #tpu.memory_space<vmem_shared>>
      %dma_wait3A_582 = arith.constant 0 : i32
      %dma_wait3A_583 = tpu.memref_slice %arg12[%add3A_553, %dma_wait3A_582] : memref<5120x128xf32, #tpu.memory_space<vmem_shared>> -> memref<16x128xf32, #tpu.memory_space<vmem_shared>>
      tpu.wait_dma2 semaphore(%run_scoped3A : memref<!tpu.dma_semaphore, #tpu.memory_space<semaphore_mem>>) src(%arg20 : memref<16x128xf32, #tpu.memory_space<vmem>>) dst(%dma_wait3A_583 : memref<16x128xf32, #tpu.memory_space<vmem_shared>>)
      tpu.yield
    }) : () -> ()
    %add3A_554 = arith.constant 272 : i32
    %add3A_555 = arith.addi %mul3A_520, %add3A_554 : i32
    "tpu.region"() ({
      %run_scoped3A = tpu.sem_alloc : memref<!tpu.dma_semaphore, #tpu.memory_space<semaphore_mem>>
      %dma_start3A = arith.constant 0 : i32
      %dma_start3A_578 = tpu.memref_slice %arg12[%add3A_555, %dma_start3A] : memref<5120x128xf32, #tpu.memory_space<vmem_shared>> -> memref<16x128xf32, #tpu.memory_space<vmem_shared>>
      %dma_start3A_579 = arith.constant 0 : i32
      %dma_start3A_580 = tpu.memref_slice %arg12[%add3A_555, %dma_start3A_579] : memref<5120x128xf32, #tpu.memory_space<vmem_shared>> -> memref<16x128xf32, #tpu.memory_space<vmem_shared>>
      tpu.enqueue_dma source(%arg20 : memref<16x128xf32, #tpu.memory_space<vmem>>) target(%dma_start3A_580 : memref<16x128xf32, #tpu.memory_space<vmem_shared>>) target_semaphore(%run_scoped3A : memref<!tpu.dma_semaphore, #tpu.memory_space<semaphore_mem>>)
      %dma_wait3A = arith.constant 0 : i32
      %dma_wait3A_581 = tpu.memref_slice %arg12[%add3A_555, %dma_wait3A] : memref<5120x128xf32, #tpu.memory_space<vmem_shared>> -> memref<16x128xf32, #tpu.memory_space<vmem_shared>>
      %dma_wait3A_582 = arith.constant 0 : i32
      %dma_wait3A_583 = tpu.memref_slice %arg12[%add3A_555, %dma_wait3A_582] : memref<5120x128xf32, #tpu.memory_space<vmem_shared>> -> memref<16x128xf32, #tpu.memory_space<vmem_shared>>
      tpu.wait_dma2 semaphore(%run_scoped3A : memref<!tpu.dma_semaphore, #tpu.memory_space<semaphore_mem>>) src(%arg20 : memref<16x128xf32, #tpu.memory_space<vmem>>) dst(%dma_wait3A_583 : memref<16x128xf32, #tpu.memory_space<vmem_shared>>)
      tpu.yield
    }) : () -> ()
    %add3A_556 = arith.constant 288 : i32
    %add3A_557 = arith.addi %mul3A_520, %add3A_556 : i32
    "tpu.region"() ({
      %run_scoped3A = tpu.sem_alloc : memref<!tpu.dma_semaphore, #tpu.memory_space<semaphore_mem>>
      %dma_start3A = arith.constant 0 : i32
      %dma_start3A_578 = tpu.memref_slice %arg12[%add3A_557, %dma_start3A] : memref<5120x128xf32, #tpu.memory_space<vmem_shared>> -> memref<16x128xf32, #tpu.memory_space<vmem_shared>>
      %dma_start3A_579 = arith.constant 0 : i32
      %dma_start3A_580 = tpu.memref_slice %arg12[%add3A_557, %dma_start3A_579] : memref<5120x128xf32, #tpu.memory_space<vmem_shared>> -> memref<16x128xf32, #tpu.memory_space<vmem_shared>>
      tpu.enqueue_dma source(%arg20 : memref<16x128xf32, #tpu.memory_space<vmem>>) target(%dma_start3A_580 : memref<16x128xf32, #tpu.memory_space<vmem_shared>>) target_semaphore(%run_scoped3A : memref<!tpu.dma_semaphore, #tpu.memory_space<semaphore_mem>>)
      %dma_wait3A = arith.constant 0 : i32
      %dma_wait3A_581 = tpu.memref_slice %arg12[%add3A_557, %dma_wait3A] : memref<5120x128xf32, #tpu.memory_space<vmem_shared>> -> memref<16x128xf32, #tpu.memory_space<vmem_shared>>
      %dma_wait3A_582 = arith.constant 0 : i32
      %dma_wait3A_583 = tpu.memref_slice %arg12[%add3A_557, %dma_wait3A_582] : memref<5120x128xf32, #tpu.memory_space<vmem_shared>> -> memref<16x128xf32, #tpu.memory_space<vmem_shared>>
      tpu.wait_dma2 semaphore(%run_scoped3A : memref<!tpu.dma_semaphore, #tpu.memory_space<semaphore_mem>>) src(%arg20 : memref<16x128xf32, #tpu.memory_space<vmem>>) dst(%dma_wait3A_583 : memref<16x128xf32, #tpu.memory_space<vmem_shared>>)
      tpu.yield
    }) : () -> ()
    %add3A_558 = arith.constant 304 : i32
    %add3A_559 = arith.addi %mul3A_520, %add3A_558 : i32
    "tpu.region"() ({
      %run_scoped3A = tpu.sem_alloc : memref<!tpu.dma_semaphore, #tpu.memory_space<semaphore_mem>>
      %dma_start3A = arith.constant 0 : i32
      %dma_start3A_578 = tpu.memref_slice %arg12[%add3A_559, %dma_start3A] : memref<5120x128xf32, #tpu.memory_space<vmem_shared>> -> memref<16x128xf32, #tpu.memory_space<vmem_shared>>
      %dma_start3A_579 = arith.constant 0 : i32
      %dma_start3A_580 = tpu.memref_slice %arg12[%add3A_559, %dma_start3A_579] : memref<5120x128xf32, #tpu.memory_space<vmem_shared>> -> memref<16x128xf32, #tpu.memory_space<vmem_shared>>
      tpu.enqueue_dma source(%arg20 : memref<16x128xf32, #tpu.memory_space<vmem>>) target(%dma_start3A_580 : memref<16x128xf32, #tpu.memory_space<vmem_shared>>) target_semaphore(%run_scoped3A : memref<!tpu.dma_semaphore, #tpu.memory_space<semaphore_mem>>)
      %dma_wait3A = arith.constant 0 : i32
      %dma_wait3A_581 = tpu.memref_slice %arg12[%add3A_559, %dma_wait3A] : memref<5120x128xf32, #tpu.memory_space<vmem_shared>> -> memref<16x128xf32, #tpu.memory_space<vmem_shared>>
      %dma_wait3A_582 = arith.constant 0 : i32
      %dma_wait3A_583 = tpu.memref_slice %arg12[%add3A_559, %dma_wait3A_582] : memref<5120x128xf32, #tpu.memory_space<vmem_shared>> -> memref<16x128xf32, #tpu.memory_space<vmem_shared>>
      tpu.wait_dma2 semaphore(%run_scoped3A : memref<!tpu.dma_semaphore, #tpu.memory_space<semaphore_mem>>) src(%arg20 : memref<16x128xf32, #tpu.memory_space<vmem>>) dst(%dma_wait3A_583 : memref<16x128xf32, #tpu.memory_space<vmem_shared>>)
      tpu.yield
    }) : () -> ()
    %barrier3A = arith.constant 0 : index
    tpu.barrier barrier_id(%barrier3A)
    %eq3A = arith.constant 0 : i32
    %eq3A_560 = arith.cmpi eq, %arg0, %eq3A : i32
    %convert_element_type3A = arith.extui %eq3A_560 : i1 to i32
    %cond3A = arith.constant 0 : i32
    %cond3A_561 = arith.cmpi ne, %convert_element_type3A, %cond3A : i32
    scf.if %cond3A_561 {
      %mul3A_578 = arith.constant 10000 : i32
      %mul3A_579 = arith.muli %arg1, %mul3A_578 : i32
      %scan3A_580 = arith.constant 0 : i32
      %scan3A_581 = arith.constant 78 : i32
      %scan3A_582 = arith.addi %scan3A_580, %scan3A_581 : i32
      %scan3A_583 = arith.constant 1 : i32
      scf.for %scan3A_592 = %scan3A_580 to %scan3A_582 step %scan3A_583  : i32 {
        %mul3A_593 = arith.constant 1 : i32
        %mul3A_594 = arith.muli %scan3A_592, %mul3A_593 : i32
        %add3A_595 = arith.constant 0 : i32
        %add3A_596 = arith.addi %add3A_595, %mul3A_594 : i32
        %mul3A_597 = arith.constant 128 : i32
        %mul3A_598 = arith.muli %add3A_596, %mul3A_597 : i32
        %add3A_599 = arith.addi %mul3A_579, %mul3A_598 : i32
        %multiple_of3A = tpu.assume_multiple %add3A_599, 8 : i32
        "tpu.region"() ({
          %run_scoped3A = tpu.sem_alloc : memref<!tpu.dma_semaphore, #tpu.memory_space<semaphore_mem>>
          %dma_start3A_622 = tpu.memref_slice %arg4[%multiple_of3A] : memref<160000xi32, #tpu.memory_space<hbm>> -> memref<128xi32, #tpu.memory_space<hbm>>
          %dma_start3A_623 = tpu.memref_slice %arg4[%multiple_of3A] : memref<160000xi32, #tpu.memory_space<hbm>> -> memref<128xi32, #tpu.memory_space<hbm>>
          tpu.enqueue_dma source(%dma_start3A_623 : memref<128xi32, #tpu.memory_space<hbm>>) target(%arg13 : memref<128xi32, #tpu.memory_space<vmem>>) target_semaphore(%run_scoped3A : memref<!tpu.dma_semaphore, #tpu.memory_space<semaphore_mem>>)
          %dma_wait3A_624 = tpu.memref_slice %arg4[%multiple_of3A] : memref<160000xi32, #tpu.memory_space<hbm>> -> memref<128xi32, #tpu.memory_space<hbm>>
          %dma_wait3A_625 = tpu.memref_slice %arg4[%multiple_of3A] : memref<160000xi32, #tpu.memory_space<hbm>> -> memref<128xi32, #tpu.memory_space<hbm>>
          tpu.wait_dma2 semaphore(%run_scoped3A : memref<!tpu.dma_semaphore, #tpu.memory_space<semaphore_mem>>) src(%dma_wait3A_625 : memref<128xi32, #tpu.memory_space<hbm>>) dst(%arg13 : memref<128xi32, #tpu.memory_space<vmem>>)
          tpu.yield
        }) : () -> ()
        "tpu.region"() ({
          %run_scoped3A = tpu.sem_alloc : memref<!tpu.dma_semaphore, #tpu.memory_space<semaphore_mem>>
          %dma_start3A_622 = tpu.memref_slice %arg5[%multiple_of3A] : memref<160000xi32, #tpu.memory_space<hbm>> -> memref<128xi32, #tpu.memory_space<hbm>>
          %dma_start3A_623 = tpu.memref_slice %arg5[%multiple_of3A] : memref<160000xi32, #tpu.memory_space<hbm>> -> memref<128xi32, #tpu.memory_space<hbm>>
          tpu.enqueue_dma source(%dma_start3A_623 : memref<128xi32, #tpu.memory_space<hbm>>) target(%arg14 : memref<128xi32, #tpu.memory_space<vmem>>) target_semaphore(%run_scoped3A : memref<!tpu.dma_semaphore, #tpu.memory_space<semaphore_mem>>)
          %dma_wait3A_624 = tpu.memref_slice %arg5[%multiple_of3A] : memref<160000xi32, #tpu.memory_space<hbm>> -> memref<128xi32, #tpu.memory_space<hbm>>
          %dma_wait3A_625 = tpu.memref_slice %arg5[%multiple_of3A] : memref<160000xi32, #tpu.memory_space<hbm>> -> memref<128xi32, #tpu.memory_space<hbm>>
          tpu.wait_dma2 semaphore(%run_scoped3A : memref<!tpu.dma_semaphore, #tpu.memory_space<semaphore_mem>>) src(%dma_wait3A_625 : memref<128xi32, #tpu.memory_space<hbm>>) dst(%arg14 : memref<128xi32, #tpu.memory_space<vmem>>)
          tpu.yield
        }) : () -> ()
        %dma_start3A_600 = arith.constant 0 : i32
        %dma_start3A_601 = arith.constant 0 : i32
        %dma_start3A_602 = tpu.memref_slice %arg2[%dma_start3A_600, %dma_start3A_601] : memref<5000x128xf32, #tpu.memory_space<hbm>> -> memref<5000x128xf32, #tpu.memory_space<hbm>>
        tpu.enqueue_indirect_dma source(%dma_start3A_602 : memref<5000x128xf32, #tpu.memory_space<hbm>>) target(%arg17 : memref<128x128xf32, #tpu.memory_space<vmem>>) offsets(%arg13 : memref<128xi32, #tpu.memory_space<vmem>>) semaphore(%arg21 : memref<!tpu.dma_semaphore, #tpu.memory_space<semaphore_mem>>)
        %dma_wait3A_603 = arith.constant 0 : i32
        %dma_wait3A_604 = arith.constant 0 : i32
        %dma_wait3A_605 = tpu.memref_slice %arg2[%dma_wait3A_603, %dma_wait3A_604] : memref<5000x128xf32, #tpu.memory_space<hbm>> -> memref<5000x128xf32, #tpu.memory_space<hbm>>
        tpu.wait_indirect_dma semaphore(%arg21 : memref<!tpu.dma_semaphore, #tpu.memory_space<semaphore_mem>>) src(%dma_wait3A_605 : memref<5000x128xf32, #tpu.memory_space<hbm>>) dst(%arg17 : memref<128x128xf32, #tpu.memory_space<vmem>>)
        "tpu.region"() ({
          %run_scoped3A = tpu.sem_alloc : memref<!tpu.dma_semaphore, #tpu.memory_space<semaphore_mem>>
          %dma_start3A_622 = arith.constant 0 : i32
          %dma_start3A_623 = arith.constant 0 : i32
          %dma_start3A_624 = tpu.memref_slice %arg12[%dma_start3A_622, %dma_start3A_623] : memref<5120x128xf32, #tpu.memory_space<vmem_shared>> -> memref<5120x128xf32, #tpu.memory_space<vmem_shared>>
          tpu.enqueue_indirect_dma source(%arg17 : memref<128x128xf32, #tpu.memory_space<vmem>>) target(%dma_start3A_624 : memref<5120x128xf32, #tpu.memory_space<vmem_shared>>) offsets(%arg14 : memref<128xi32, #tpu.memory_space<vmem>>) semaphore(%run_scoped3A : memref<!tpu.dma_semaphore, #tpu.memory_space<semaphore_mem>>) {add = true}
          %dma_wait3A_625 = arith.constant 0 : i32
          %dma_wait3A_626 = arith.constant 0 : i32
          %dma_wait3A_627 = tpu.memref_slice %arg12[%dma_wait3A_625, %dma_wait3A_626] : memref<5120x128xf32, #tpu.memory_space<vmem_shared>> -> memref<5120x128xf32, #tpu.memory_space<vmem_shared>>
          tpu.wait_indirect_dma semaphore(%run_scoped3A : memref<!tpu.dma_semaphore, #tpu.memory_space<semaphore_mem>>) src(%arg17 : memref<128x128xf32, #tpu.memory_space<vmem>>) dst(%dma_wait3A_627 : memref<5120x128xf32, #tpu.memory_space<vmem_shared>>)
          tpu.yield
        }) : () -> ()
        %get3A_606 = arith.constant 0 : index
        %get3A_607 = tpu.vector_load %arg14[%get3A_606] {strides = array<i32>} : memref<128xi32, #tpu.memory_space<vmem>>, vector<16xi32>,
        tpu.vector_store_idx %arg19[%get3A_607], %broadcast_in_dim3A_0 {add = true} : memref<5120xi32, #tpu.memory_space<vmem>>[vector<16xi32>], vector<16xi32>,
        %get3A_608 = arith.constant 16 : index
        %get3A_609 = tpu.vector_load %arg14[%get3A_608] {strides = array<i32>} : memref<128xi32, #tpu.memory_space<vmem>>, vector<16xi32>,
        tpu.vector_store_idx %arg19[%get3A_609], %broadcast_in_dim3A_0 {add = true} : memref<5120xi32, #tpu.memory_space<vmem>>[vector<16xi32>], vector<16xi32>,
        %get3A_610 = arith.constant 32 : index
        %get3A_611 = tpu.vector_load %arg14[%get3A_610] {strides = array<i32>} : memref<128xi32, #tpu.memory_space<vmem>>, vector<16xi32>,
        tpu.vector_store_idx %arg19[%get3A_611], %broadcast_in_dim3A_0 {add = true} : memref<5120xi32, #tpu.memory_space<vmem>>[vector<16xi32>], vector<16xi32>,
        %get3A_612 = arith.constant 48 : index
        %get3A_613 = tpu.vector_load %arg14[%get3A_612] {strides = array<i32>} : memref<128xi32, #tpu.memory_space<vmem>>, vector<16xi32>,
        tpu.vector_store_idx %arg19[%get3A_613], %broadcast_in_dim3A_0 {add = true} : memref<5120xi32, #tpu.memory_space<vmem>>[vector<16xi32>], vector<16xi32>,
        %get3A_614 = arith.constant 64 : index
        %get3A_615 = tpu.vector_load %arg14[%get3A_614] {strides = array<i32>} : memref<128xi32, #tpu.memory_space<vmem>>, vector<16xi32>,
        tpu.vector_store_idx %arg19[%get3A_615], %broadcast_in_dim3A_0 {add = true} : memref<5120xi32, #tpu.memory_space<vmem>>[vector<16xi32>], vector<16xi32>,
        %get3A_616 = arith.constant 80 : index
        %get3A_617 = tpu.vector_load %arg14[%get3A_616] {strides = array<i32>} : memref<128xi32, #tpu.memory_space<vmem>>, vector<16xi32>,
        tpu.vector_store_idx %arg19[%get3A_617], %broadcast_in_dim3A_0 {add = true} : memref<5120xi32, #tpu.memory_space<vmem>>[vector<16xi32>], vector<16xi32>,
        %get3A_618 = arith.constant 96 : index
        %get3A_619 = tpu.vector_load %arg14[%get3A_618] {strides = array<i32>} : memref<128xi32, #tpu.memory_space<vmem>>, vector<16xi32>,
        tpu.vector_store_idx %arg19[%get3A_619], %broadcast_in_dim3A_0 {add = true} : memref<5120xi32, #tpu.memory_space<vmem>>[vector<16xi32>], vector<16xi32>,
        %get3A_620 = arith.constant 112 : index
        %get3A_621 = tpu.vector_load %arg14[%get3A_620] {strides = array<i32>} : memref<128xi32, #tpu.memory_space<vmem>>, vector<16xi32>,
        tpu.vector_store_idx %arg19[%get3A_621], %broadcast_in_dim3A_0 {add = true} : memref<5120xi32, #tpu.memory_space<vmem>>[vector<16xi32>], vector<16xi32>,
      }
      %scan3A_584 = arith.constant 78 : i32
      %add3A_585 = arith.constant 9984 : i32
      %add3A_586 = arith.addi %mul3A_579, %add3A_585 : i32
      "tpu.region"() ({
        %run_scoped3A = tpu.sem_alloc : memref<!tpu.dma_semaphore, #tpu.memory_space<semaphore_mem>>
        %dma_start3A_592 = tpu.memref_slice %arg4[%add3A_586] : memref<160000xi32, #tpu.memory_space<hbm>> -> memref<16xi32, #tpu.memory_space<hbm>>
        %dma_start3A_593 = tpu.memref_slice %arg4[%add3A_586] : memref<160000xi32, #tpu.memory_space<hbm>> -> memref<16xi32, #tpu.memory_space<hbm>>
        tpu.enqueue_dma source(%dma_start3A_593 : memref<16xi32, #tpu.memory_space<hbm>>) target(%arg15 : memref<16xi32, #tpu.memory_space<vmem>>) target_semaphore(%run_scoped3A : memref<!tpu.dma_semaphore, #tpu.memory_space<semaphore_mem>>)
        %dma_wait3A_594 = tpu.memref_slice %arg4[%add3A_586] : memref<160000xi32, #tpu.memory_space<hbm>> -> memref<16xi32, #tpu.memory_space<hbm>>
        %dma_wait3A_595 = tpu.memref_slice %arg4[%add3A_586] : memref<160000xi32, #tpu.memory_space<hbm>> -> memref<16xi32, #tpu.memory_space<hbm>>
        tpu.wait_dma2 semaphore(%run_scoped3A : memref<!tpu.dma_semaphore, #tpu.memory_space<semaphore_mem>>) src(%dma_wait3A_595 : memref<16xi32, #tpu.memory_space<hbm>>) dst(%arg15 : memref<16xi32, #tpu.memory_space<vmem>>)
        tpu.yield
      }) : () -> ()
      "tpu.region"() ({
        %run_scoped3A = tpu.sem_alloc : memref<!tpu.dma_semaphore, #tpu.memory_space<semaphore_mem>>
        %dma_start3A_592 = tpu.memref_slice %arg5[%add3A_586] : memref<160000xi32, #tpu.memory_space<hbm>> -> memref<16xi32, #tpu.memory_space<hbm>>
        %dma_start3A_593 = tpu.memref_slice %arg5[%add3A_586] : memref<160000xi32, #tpu.memory_space<hbm>> -> memref<16xi32, #tpu.memory_space<hbm>>
        tpu.enqueue_dma source(%dma_start3A_593 : memref<16xi32, #tpu.memory_space<hbm>>) target(%arg16 : memref<16xi32, #tpu.memory_space<vmem>>) target_semaphore(%run_scoped3A : memref<!tpu.dma_semaphore, #tpu.memory_space<semaphore_mem>>)
        %dma_wait3A_594 = tpu.memref_slice %arg5[%add3A_586] : memref<160000xi32, #tpu.memory_space<hbm>> -> memref<16xi32, #tpu.memory_space<hbm>>
        %dma_wait3A_595 = tpu.memref_slice %arg5[%add3A_586] : memref<160000xi32, #tpu.memory_space<hbm>> -> memref<16xi32, #tpu.memory_space<hbm>>
        tpu.wait_dma2 semaphore(%run_scoped3A : memref<!tpu.dma_semaphore, #tpu.memory_space<semaphore_mem>>) src(%dma_wait3A_595 : memref<16xi32, #tpu.memory_space<hbm>>) dst(%arg16 : memref<16xi32, #tpu.memory_space<vmem>>)
        tpu.yield
      }) : () -> ()
      %dma_start3A = arith.constant 0 : i32
      %dma_start3A_587 = arith.constant 0 : i32
      %dma_start3A_588 = tpu.memref_slice %arg2[%dma_start3A, %dma_start3A_587] : memref<5000x128xf32, #tpu.memory_space<hbm>> -> memref<5000x128xf32, #tpu.memory_space<hbm>>
      tpu.enqueue_indirect_dma source(%dma_start3A_588 : memref<5000x128xf32, #tpu.memory_space<hbm>>) target(%arg18 : memref<16x128xf32, #tpu.memory_space<vmem>>) offsets(%arg15 : memref<16xi32, #tpu.memory_space<vmem>>) semaphore(%arg21 : memref<!tpu.dma_semaphore, #tpu.memory_space<semaphore_mem>>)
      %dma_wait3A = arith.constant 0 : i32
      %dma_wait3A_589 = arith.constant 0 : i32
      %dma_wait3A_590 = tpu.memref_slice %arg2[%dma_wait3A, %dma_wait3A_589] : memref<5000x128xf32, #tpu.memory_space<hbm>> -> memref<5000x128xf32, #tpu.memory_space<hbm>>
      tpu.wait_indirect_dma semaphore(%arg21 : memref<!tpu.dma_semaphore, #tpu.memory_space<semaphore_mem>>) src(%dma_wait3A_590 : memref<5000x128xf32, #tpu.memory_space<hbm>>) dst(%arg18 : memref<16x128xf32, #tpu.memory_space<vmem>>)
      "tpu.region"() ({
        %run_scoped3A = tpu.sem_alloc : memref<!tpu.dma_semaphore, #tpu.memory_space<semaphore_mem>>
        %dma_start3A_592 = arith.constant 0 : i32
        %dma_start3A_593 = arith.constant 0 : i32
        %dma_start3A_594 = tpu.memref_slice %arg12[%dma_start3A_592, %dma_start3A_593] : memref<5120x128xf32, #tpu.memory_space<vmem_shared>> -> memref<5120x128xf32, #tpu.memory_space<vmem_shared>>
        tpu.enqueue_indirect_dma source(%arg18 : memref<16x128xf32, #tpu.memory_space<vmem>>) target(%dma_start3A_594 : memref<5120x128xf32, #tpu.memory_space<vmem_shared>>) offsets(%arg16 : memref<16xi32, #tpu.memory_space<vmem>>) semaphore(%run_scoped3A : memref<!tpu.dma_semaphore, #tpu.memory_space<semaphore_mem>>) {add = true}
        %dma_wait3A_595 = arith.constant 0 : i32
        %dma_wait3A_596 = arith.constant 0 : i32
        %dma_wait3A_597 = tpu.memref_slice %arg12[%dma_wait3A_595, %dma_wait3A_596] : memref<5120x128xf32, #tpu.memory_space<vmem_shared>> -> memref<5120x128xf32, #tpu.memory_space<vmem_shared>>
        tpu.wait_indirect_dma semaphore(%run_scoped3A : memref<!tpu.dma_semaphore, #tpu.memory_space<semaphore_mem>>) src(%arg18 : memref<16x128xf32, #tpu.memory_space<vmem>>) dst(%dma_wait3A_597 : memref<5120x128xf32, #tpu.memory_space<vmem_shared>>)
        tpu.yield
      }) : () -> ()
      %get3A = arith.constant 0 : index
      %get3A_591 = tpu.vector_load %arg16[%get3A] {strides = array<i32>} : memref<16xi32, #tpu.memory_space<vmem>>, vector<16xi32>,
      tpu.vector_store_idx %arg19[%get3A_591], %broadcast_in_dim3A_0 {add = true} : memref<5120xi32, #tpu.memory_space<vmem>>[vector<16xi32>], vector<16xi32>,
      "tpu.region"() ({
        %run_scoped3A = tpu.sem_alloc : memref<!tpu.dma_semaphore, #tpu.memory_space<semaphore_mem>>
        %dma_start3A_592 = arith.constant 0 : i32
        %dma_start3A_593 = tpu.memref_slice %arg9[%arg1, %dma_start3A_592] : memref<16x5120xi32, #tpu.memory_space<hbm>> -> memref<1x5120xi32, #tpu.memory_space<hbm>>
        %dma_start3A_594 = tpu.memref_squeeze %dma_start3A_593 : memref<1x5120xi32, #tpu.memory_space<hbm>> -> memref<5120xi32, #tpu.memory_space<hbm>>
        %dma_start3A_595 = arith.constant 0 : i32
        %dma_start3A_596 = tpu.memref_slice %arg9[%arg1, %dma_start3A_595] : memref<16x5120xi32, #tpu.memory_space<hbm>> -> memref<1x5120xi32, #tpu.memory_space<hbm>>
        %dma_start3A_597 = tpu.memref_squeeze %dma_start3A_596 : memref<1x5120xi32, #tpu.memory_space<hbm>> -> memref<5120xi32, #tpu.memory_space<hbm>>
        tpu.enqueue_dma source(%arg19 : memref<5120xi32, #tpu.memory_space<vmem>>) target(%dma_start3A_597 : memref<5120xi32, #tpu.memory_space<hbm>>) target_semaphore(%run_scoped3A : memref<!tpu.dma_semaphore, #tpu.memory_space<semaphore_mem>>)
        %dma_wait3A_598 = arith.constant 0 : i32
        %dma_wait3A_599 = tpu.memref_slice %arg9[%arg1, %dma_wait3A_598] : memref<16x5120xi32, #tpu.memory_space<hbm>> -> memref<1x5120xi32, #tpu.memory_space<hbm>>
        %dma_wait3A_600 = tpu.memref_squeeze %dma_wait3A_599 : memref<1x5120xi32, #tpu.memory_space<hbm>> -> memref<5120xi32, #tpu.memory_space<hbm>>
        %dma_wait3A_601 = arith.constant 0 : i32
        %dma_wait3A_602 = tpu.memref_slice %arg9[%arg1, %dma_wait3A_601] : memref<16x5120xi32, #tpu.memory_space<hbm>> -> memref<1x5120xi32, #tpu.memory_space<hbm>>
        %dma_wait3A_603 = tpu.memref_squeeze %dma_wait3A_602 : memref<1x5120xi32, #tpu.memory_space<hbm>> -> memref<5120xi32, #tpu.memory_space<hbm>>
        tpu.wait_dma2 semaphore(%run_scoped3A : memref<!tpu.dma_semaphore, #tpu.memory_space<semaphore_mem>>) src(%arg19 : memref<5120xi32, #tpu.memory_space<vmem>>) dst(%dma_wait3A_603 : memref<5120xi32, #tpu.memory_space<hbm>>)
        tpu.yield
      }) : () -> ()
    } else {
    }
    %eq3A_562 = arith.constant 1 : i32
    %eq3A_563 = arith.cmpi eq, %arg0, %eq3A_562 : i32
    %convert_element_type3A_564 = arith.extui %eq3A_563 : i1 to i32
    %cond3A_565 = arith.constant 0 : i32
    %cond3A_566 = arith.cmpi ne, %convert_element_type3A_564, %cond3A_565 : i32
    scf.if %cond3A_566 {
      %mul3A_578 = arith.constant 10000 : i32
      %mul3A_579 = arith.muli %arg1, %mul3A_578 : i32
      %scan3A_580 = arith.constant 0 : i32
      %scan3A_581 = arith.constant 78 : i32
      %scan3A_582 = arith.addi %scan3A_580, %scan3A_581 : i32
      %scan3A_583 = arith.constant 1 : i32
      scf.for %scan3A_592 = %scan3A_580 to %scan3A_582 step %scan3A_583  : i32 {
        %mul3A_593 = arith.constant 1 : i32
        %mul3A_594 = arith.muli %scan3A_592, %mul3A_593 : i32
        %add3A_595 = arith.constant 0 : i32
        %add3A_596 = arith.addi %add3A_595, %mul3A_594 : i32
        %mul3A_597 = arith.constant 128 : i32
        %mul3A_598 = arith.muli %add3A_596, %mul3A_597 : i32
        %add3A_599 = arith.addi %mul3A_579, %mul3A_598 : i32
        %multiple_of3A = tpu.assume_multiple %add3A_599, 8 : i32
        "tpu.region"() ({
          %run_scoped3A = tpu.sem_alloc : memref<!tpu.dma_semaphore, #tpu.memory_space<semaphore_mem>>
          %dma_start3A_622 = tpu.memref_slice %arg6[%multiple_of3A] : memref<160000xi32, #tpu.memory_space<hbm>> -> memref<128xi32, #tpu.memory_space<hbm>>
          %dma_start3A_623 = tpu.memref_slice %arg6[%multiple_of3A] : memref<160000xi32, #tpu.memory_space<hbm>> -> memref<128xi32, #tpu.memory_space<hbm>>
          tpu.enqueue_dma source(%dma_start3A_623 : memref<128xi32, #tpu.memory_space<hbm>>) target(%arg13 : memref<128xi32, #tpu.memory_space<vmem>>) target_semaphore(%run_scoped3A : memref<!tpu.dma_semaphore, #tpu.memory_space<semaphore_mem>>)
          %dma_wait3A_624 = tpu.memref_slice %arg6[%multiple_of3A] : memref<160000xi32, #tpu.memory_space<hbm>> -> memref<128xi32, #tpu.memory_space<hbm>>
          %dma_wait3A_625 = tpu.memref_slice %arg6[%multiple_of3A] : memref<160000xi32, #tpu.memory_space<hbm>> -> memref<128xi32, #tpu.memory_space<hbm>>
          tpu.wait_dma2 semaphore(%run_scoped3A : memref<!tpu.dma_semaphore, #tpu.memory_space<semaphore_mem>>) src(%dma_wait3A_625 : memref<128xi32, #tpu.memory_space<hbm>>) dst(%arg13 : memref<128xi32, #tpu.memory_space<vmem>>)
          tpu.yield
        }) : () -> ()
        "tpu.region"() ({
          %run_scoped3A = tpu.sem_alloc : memref<!tpu.dma_semaphore, #tpu.memory_space<semaphore_mem>>
          %dma_start3A_622 = tpu.memref_slice %arg7[%multiple_of3A] : memref<160000xi32, #tpu.memory_space<hbm>> -> memref<128xi32, #tpu.memory_space<hbm>>
          %dma_start3A_623 = tpu.memref_slice %arg7[%multiple_of3A] : memref<160000xi32, #tpu.memory_space<hbm>> -> memref<128xi32, #tpu.memory_space<hbm>>
          tpu.enqueue_dma source(%dma_start3A_623 : memref<128xi32, #tpu.memory_space<hbm>>) target(%arg14 : memref<128xi32, #tpu.memory_space<vmem>>) target_semaphore(%run_scoped3A : memref<!tpu.dma_semaphore, #tpu.memory_space<semaphore_mem>>)
          %dma_wait3A_624 = tpu.memref_slice %arg7[%multiple_of3A] : memref<160000xi32, #tpu.memory_space<hbm>> -> memref<128xi32, #tpu.memory_space<hbm>>
          %dma_wait3A_625 = tpu.memref_slice %arg7[%multiple_of3A] : memref<160000xi32, #tpu.memory_space<hbm>> -> memref<128xi32, #tpu.memory_space<hbm>>
          tpu.wait_dma2 semaphore(%run_scoped3A : memref<!tpu.dma_semaphore, #tpu.memory_space<semaphore_mem>>) src(%dma_wait3A_625 : memref<128xi32, #tpu.memory_space<hbm>>) dst(%arg14 : memref<128xi32, #tpu.memory_space<vmem>>)
          tpu.yield
        }) : () -> ()
        %dma_start3A_600 = arith.constant 0 : i32
        %dma_start3A_601 = arith.constant 0 : i32
        %dma_start3A_602 = tpu.memref_slice %arg3[%dma_start3A_600, %dma_start3A_601] : memref<5000x128xf32, #tpu.memory_space<hbm>> -> memref<5000x128xf32, #tpu.memory_space<hbm>>
        tpu.enqueue_indirect_dma source(%dma_start3A_602 : memref<5000x128xf32, #tpu.memory_space<hbm>>) target(%arg17 : memref<128x128xf32, #tpu.memory_space<vmem>>) offsets(%arg13 : memref<128xi32, #tpu.memory_space<vmem>>) semaphore(%arg21 : memref<!tpu.dma_semaphore, #tpu.memory_space<semaphore_mem>>)
        %dma_wait3A_603 = arith.constant 0 : i32
        %dma_wait3A_604 = arith.constant 0 : i32
        %dma_wait3A_605 = tpu.memref_slice %arg3[%dma_wait3A_603, %dma_wait3A_604] : memref<5000x128xf32, #tpu.memory_space<hbm>> -> memref<5000x128xf32, #tpu.memory_space<hbm>>
        tpu.wait_indirect_dma semaphore(%arg21 : memref<!tpu.dma_semaphore, #tpu.memory_space<semaphore_mem>>) src(%dma_wait3A_605 : memref<5000x128xf32, #tpu.memory_space<hbm>>) dst(%arg17 : memref<128x128xf32, #tpu.memory_space<vmem>>)
        "tpu.region"() ({
          %run_scoped3A = tpu.sem_alloc : memref<!tpu.dma_semaphore, #tpu.memory_space<semaphore_mem>>
          %dma_start3A_622 = arith.constant 0 : i32
          %dma_start3A_623 = arith.constant 0 : i32
          %dma_start3A_624 = tpu.memref_slice %arg12[%dma_start3A_622, %dma_start3A_623] : memref<5120x128xf32, #tpu.memory_space<vmem_shared>> -> memref<5120x128xf32, #tpu.memory_space<vmem_shared>>
          tpu.enqueue_indirect_dma source(%arg17 : memref<128x128xf32, #tpu.memory_space<vmem>>) target(%dma_start3A_624 : memref<5120x128xf32, #tpu.memory_space<vmem_shared>>) offsets(%arg14 : memref<128xi32, #tpu.memory_space<vmem>>) semaphore(%run_scoped3A : memref<!tpu.dma_semaphore, #tpu.memory_space<semaphore_mem>>) {add = true}
          %dma_wait3A_625 = arith.constant 0 : i32
          %dma_wait3A_626 = arith.constant 0 : i32
          %dma_wait3A_627 = tpu.memref_slice %arg12[%dma_wait3A_625, %dma_wait3A_626] : memref<5120x128xf32, #tpu.memory_space<vmem_shared>> -> memref<5120x128xf32, #tpu.memory_space<vmem_shared>>
          tpu.wait_indirect_dma semaphore(%run_scoped3A : memref<!tpu.dma_semaphore, #tpu.memory_space<semaphore_mem>>) src(%arg17 : memref<128x128xf32, #tpu.memory_space<vmem>>) dst(%dma_wait3A_627 : memref<5120x128xf32, #tpu.memory_space<vmem_shared>>)
          tpu.yield
        }) : () -> ()
        %get3A_606 = arith.constant 0 : index
        %get3A_607 = tpu.vector_load %arg14[%get3A_606] {strides = array<i32>} : memref<128xi32, #tpu.memory_space<vmem>>, vector<16xi32>,
        tpu.vector_store_idx %arg19[%get3A_607], %broadcast_in_dim3A_0 {add = true} : memref<5120xi32, #tpu.memory_space<vmem>>[vector<16xi32>], vector<16xi32>,
        %get3A_608 = arith.constant 16 : index
        %get3A_609 = tpu.vector_load %arg14[%get3A_608] {strides = array<i32>} : memref<128xi32, #tpu.memory_space<vmem>>, vector<16xi32>,
        tpu.vector_store_idx %arg19[%get3A_609], %broadcast_in_dim3A_0 {add = true} : memref<5120xi32, #tpu.memory_space<vmem>>[vector<16xi32>], vector<16xi32>,
        %get3A_610 = arith.constant 32 : index
        %get3A_611 = tpu.vector_load %arg14[%get3A_610] {strides = array<i32>} : memref<128xi32, #tpu.memory_space<vmem>>, vector<16xi32>,
        tpu.vector_store_idx %arg19[%get3A_611], %broadcast_in_dim3A_0 {add = true} : memref<5120xi32, #tpu.memory_space<vmem>>[vector<16xi32>], vector<16xi32>,
        %get3A_612 = arith.constant 48 : index
        %get3A_613 = tpu.vector_load %arg14[%get3A_612] {strides = array<i32>} : memref<128xi32, #tpu.memory_space<vmem>>, vector<16xi32>,
        tpu.vector_store_idx %arg19[%get3A_613], %broadcast_in_dim3A_0 {add = true} : memref<5120xi32, #tpu.memory_space<vmem>>[vector<16xi32>], vector<16xi32>,
        %get3A_614 = arith.constant 64 : index
        %get3A_615 = tpu.vector_load %arg14[%get3A_614] {strides = array<i32>} : memref<128xi32, #tpu.memory_space<vmem>>, vector<16xi32>,
        tpu.vector_store_idx %arg19[%get3A_615], %broadcast_in_dim3A_0 {add = true} : memref<5120xi32, #tpu.memory_space<vmem>>[vector<16xi32>], vector<16xi32>,
        %get3A_616 = arith.constant 80 : index
        %get3A_617 = tpu.vector_load %arg14[%get3A_616] {strides = array<i32>} : memref<128xi32, #tpu.memory_space<vmem>>, vector<16xi32>,
        tpu.vector_store_idx %arg19[%get3A_617], %broadcast_in_dim3A_0 {add = true} : memref<5120xi32, #tpu.memory_space<vmem>>[vector<16xi32>], vector<16xi32>,
        %get3A_618 = arith.constant 96 : index
        %get3A_619 = tpu.vector_load %arg14[%get3A_618] {strides = array<i32>} : memref<128xi32, #tpu.memory_space<vmem>>, vector<16xi32>,
        tpu.vector_store_idx %arg19[%get3A_619], %broadcast_in_dim3A_0 {add = true} : memref<5120xi32, #tpu.memory_space<vmem>>[vector<16xi32>], vector<16xi32>,
        %get3A_620 = arith.constant 112 : index
        %get3A_621 = tpu.vector_load %arg14[%get3A_620] {strides = array<i32>} : memref<128xi32, #tpu.memory_space<vmem>>, vector<16xi32>,
        tpu.vector_store_idx %arg19[%get3A_621], %broadcast_in_dim3A_0 {add = true} : memref<5120xi32, #tpu.memory_space<vmem>>[vector<16xi32>], vector<16xi32>,
      }
      %scan3A_584 = arith.constant 78 : i32
      %add3A_585 = arith.constant 9984 : i32
      %add3A_586 = arith.addi %mul3A_579, %add3A_585 : i32
      "tpu.region"() ({
        %run_scoped3A = tpu.sem_alloc : memref<!tpu.dma_semaphore, #tpu.memory_space<semaphore_mem>>
        %dma_start3A_592 = tpu.memref_slice %arg6[%add3A_586] : memref<160000xi32, #tpu.memory_space<hbm>> -> memref<16xi32, #tpu.memory_space<hbm>>
        %dma_start3A_593 = tpu.memref_slice %arg6[%add3A_586] : memref<160000xi32, #tpu.memory_space<hbm>> -> memref<16xi32, #tpu.memory_space<hbm>>
        tpu.enqueue_dma source(%dma_start3A_593 : memref<16xi32, #tpu.memory_space<hbm>>) target(%arg15 : memref<16xi32, #tpu.memory_space<vmem>>) target_semaphore(%run_scoped3A : memref<!tpu.dma_semaphore, #tpu.memory_space<semaphore_mem>>)
        %dma_wait3A_594 = tpu.memref_slice %arg6[%add3A_586] : memref<160000xi32, #tpu.memory_space<hbm>> -> memref<16xi32, #tpu.memory_space<hbm>>
        %dma_wait3A_595 = tpu.memref_slice %arg6[%add3A_586] : memref<160000xi32, #tpu.memory_space<hbm>> -> memref<16xi32, #tpu.memory_space<hbm>>
        tpu.wait_dma2 semaphore(%run_scoped3A : memref<!tpu.dma_semaphore, #tpu.memory_space<semaphore_mem>>) src(%dma_wait3A_595 : memref<16xi32, #tpu.memory_space<hbm>>) dst(%arg15 : memref<16xi32, #tpu.memory_space<vmem>>)
        tpu.yield
      }) : () -> ()
      "tpu.region"() ({
        %run_scoped3A = tpu.sem_alloc : memref<!tpu.dma_semaphore, #tpu.memory_space<semaphore_mem>>
        %dma_start3A_592 = tpu.memref_slice %arg7[%add3A_586] : memref<160000xi32, #tpu.memory_space<hbm>> -> memref<16xi32, #tpu.memory_space<hbm>>
        %dma_start3A_593 = tpu.memref_slice %arg7[%add3A_586] : memref<160000xi32, #tpu.memory_space<hbm>> -> memref<16xi32, #tpu.memory_space<hbm>>
        tpu.enqueue_dma source(%dma_start3A_593 : memref<16xi32, #tpu.memory_space<hbm>>) target(%arg16 : memref<16xi32, #tpu.memory_space<vmem>>) target_semaphore(%run_scoped3A : memref<!tpu.dma_semaphore, #tpu.memory_space<semaphore_mem>>)
        %dma_wait3A_594 = tpu.memref_slice %arg7[%add3A_586] : memref<160000xi32, #tpu.memory_space<hbm>> -> memref<16xi32, #tpu.memory_space<hbm>>
        %dma_wait3A_595 = tpu.memref_slice %arg7[%add3A_586] : memref<160000xi32, #tpu.memory_space<hbm>> -> memref<16xi32, #tpu.memory_space<hbm>>
        tpu.wait_dma2 semaphore(%run_scoped3A : memref<!tpu.dma_semaphore, #tpu.memory_space<semaphore_mem>>) src(%dma_wait3A_595 : memref<16xi32, #tpu.memory_space<hbm>>) dst(%arg16 : memref<16xi32, #tpu.memory_space<vmem>>)
        tpu.yield
      }) : () -> ()
      %dma_start3A = arith.constant 0 : i32
      %dma_start3A_587 = arith.constant 0 : i32
      %dma_start3A_588 = tpu.memref_slice %arg3[%dma_start3A, %dma_start3A_587] : memref<5000x128xf32, #tpu.memory_space<hbm>> -> memref<5000x128xf32, #tpu.memory_space<hbm>>
      tpu.enqueue_indirect_dma source(%dma_start3A_588 : memref<5000x128xf32, #tpu.memory_space<hbm>>) target(%arg18 : memref<16x128xf32, #tpu.memory_space<vmem>>) offsets(%arg15 : memref<16xi32, #tpu.memory_space<vmem>>) semaphore(%arg21 : memref<!tpu.dma_semaphore, #tpu.memory_space<semaphore_mem>>)
      %dma_wait3A = arith.constant 0 : i32
      %dma_wait3A_589 = arith.constant 0 : i32
      %dma_wait3A_590 = tpu.memref_slice %arg3[%dma_wait3A, %dma_wait3A_589] : memref<5000x128xf32, #tpu.memory_space<hbm>> -> memref<5000x128xf32, #tpu.memory_space<hbm>>
      tpu.wait_indirect_dma semaphore(%arg21 : memref<!tpu.dma_semaphore, #tpu.memory_space<semaphore_mem>>) src(%dma_wait3A_590 : memref<5000x128xf32, #tpu.memory_space<hbm>>) dst(%arg18 : memref<16x128xf32, #tpu.memory_space<vmem>>)
      "tpu.region"() ({
        %run_scoped3A = tpu.sem_alloc : memref<!tpu.dma_semaphore, #tpu.memory_space<semaphore_mem>>
        %dma_start3A_592 = arith.constant 0 : i32
        %dma_start3A_593 = arith.constant 0 : i32
        %dma_start3A_594 = tpu.memref_slice %arg12[%dma_start3A_592, %dma_start3A_593] : memref<5120x128xf32, #tpu.memory_space<vmem_shared>> -> memref<5120x128xf32, #tpu.memory_space<vmem_shared>>
        tpu.enqueue_indirect_dma source(%arg18 : memref<16x128xf32, #tpu.memory_space<vmem>>) target(%dma_start3A_594 : memref<5120x128xf32, #tpu.memory_space<vmem_shared>>) offsets(%arg16 : memref<16xi32, #tpu.memory_space<vmem>>) semaphore(%run_scoped3A : memref<!tpu.dma_semaphore, #tpu.memory_space<semaphore_mem>>) {add = true}
        %dma_wait3A_595 = arith.constant 0 : i32
        %dma_wait3A_596 = arith.constant 0 : i32
        %dma_wait3A_597 = tpu.memref_slice %arg12[%dma_wait3A_595, %dma_wait3A_596] : memref<5120x128xf32, #tpu.memory_space<vmem_shared>> -> memref<5120x128xf32, #tpu.memory_space<vmem_shared>>
        tpu.wait_indirect_dma semaphore(%run_scoped3A : memref<!tpu.dma_semaphore, #tpu.memory_space<semaphore_mem>>) src(%arg18 : memref<16x128xf32, #tpu.memory_space<vmem>>) dst(%dma_wait3A_597 : memref<5120x128xf32, #tpu.memory_space<vmem_shared>>)
        tpu.yield
      }) : () -> ()
      %get3A = arith.constant 0 : index
      %get3A_591 = tpu.vector_load %arg16[%get3A] {strides = array<i32>} : memref<16xi32, #tpu.memory_space<vmem>>, vector<16xi32>,
      tpu.vector_store_idx %arg19[%get3A_591], %broadcast_in_dim3A_0 {add = true} : memref<5120xi32, #tpu.memory_space<vmem>>[vector<16xi32>], vector<16xi32>,
      "tpu.region"() ({
        %run_scoped3A = tpu.sem_alloc : memref<!tpu.dma_semaphore, #tpu.memory_space<semaphore_mem>>
        %dma_start3A_592 = arith.constant 0 : i32
        %dma_start3A_593 = tpu.memref_slice %arg11[%arg1, %dma_start3A_592] : memref<16x5120xi32, #tpu.memory_space<hbm>> -> memref<1x5120xi32, #tpu.memory_space<hbm>>
        %dma_start3A_594 = tpu.memref_squeeze %dma_start3A_593 : memref<1x5120xi32, #tpu.memory_space<hbm>> -> memref<5120xi32, #tpu.memory_space<hbm>>
        %dma_start3A_595 = arith.constant 0 : i32
        %dma_start3A_596 = tpu.memref_slice %arg11[%arg1, %dma_start3A_595] : memref<16x5120xi32, #tpu.memory_space<hbm>> -> memref<1x5120xi32, #tpu.memory_space<hbm>>
        %dma_start3A_597 = tpu.memref_squeeze %dma_start3A_596 : memref<1x5120xi32, #tpu.memory_space<hbm>> -> memref<5120xi32, #tpu.memory_space<hbm>>
        tpu.enqueue_dma source(%arg19 : memref<5120xi32, #tpu.memory_space<vmem>>) target(%dma_start3A_597 : memref<5120xi32, #tpu.memory_space<hbm>>) target_semaphore(%run_scoped3A : memref<!tpu.dma_semaphore, #tpu.memory_space<semaphore_mem>>)
        %dma_wait3A_598 = arith.constant 0 : i32
        %dma_wait3A_599 = tpu.memref_slice %arg11[%arg1, %dma_wait3A_598] : memref<16x5120xi32, #tpu.memory_space<hbm>> -> memref<1x5120xi32, #tpu.memory_space<hbm>>
        %dma_wait3A_600 = tpu.memref_squeeze %dma_wait3A_599 : memref<1x5120xi32, #tpu.memory_space<hbm>> -> memref<5120xi32, #tpu.memory_space<hbm>>
        %dma_wait3A_601 = arith.constant 0 : i32
        %dma_wait3A_602 = tpu.memref_slice %arg11[%arg1, %dma_wait3A_601] : memref<16x5120xi32, #tpu.memory_space<hbm>> -> memref<1x5120xi32, #tpu.memory_space<hbm>>
        %dma_wait3A_603 = tpu.memref_squeeze %dma_wait3A_602 : memref<1x5120xi32, #tpu.memory_space<hbm>> -> memref<5120xi32, #tpu.memory_space<hbm>>
        tpu.wait_dma2 semaphore(%run_scoped3A : memref<!tpu.dma_semaphore, #tpu.memory_space<semaphore_mem>>) src(%arg19 : memref<5120xi32, #tpu.memory_space<vmem>>) dst(%dma_wait3A_603 : memref<5120xi32, #tpu.memory_space<hbm>>)
        tpu.yield
      }) : () -> ()
    } else {
    }
    %barrier3A_567 = arith.constant 0 : index
    tpu.barrier barrier_id(%barrier3A_567)
    %eq3A_568 = arith.constant 0 : i32
    %eq3A_569 = arith.cmpi eq, %arg0, %eq3A_568 : i32
    %convert_element_type3A_570 = arith.extui %eq3A_569 : i1 to i32
    %cond3A_571 = arith.constant 0 : i32
    %cond3A_572 = arith.cmpi ne, %convert_element_type3A_570, %cond3A_571 : i32
    scf.if %cond3A_572 {
      "tpu.region"() ({
        %run_scoped3A = tpu.sem_alloc : memref<!tpu.dma_semaphore, #tpu.memory_space<semaphore_mem>>
        %dma_start3A = arith.constant 0 : i32
        %dma_start3A_578 = tpu.memref_slice %arg8[%mul3A_520, %dma_start3A] : memref<5120x128xf32, #tpu.memory_space<hbm>> -> memref<320x128xf32, #tpu.memory_space<hbm>>
        %dma_start3A_579 = arith.constant 0 : i32
        %dma_start3A_580 = tpu.memref_slice %arg12[%mul3A_520, %dma_start3A_579] : memref<5120x128xf32, #tpu.memory_space<vmem_shared>> -> memref<320x128xf32, #tpu.memory_space<vmem_shared>>
        tpu.enqueue_dma source(%dma_start3A_580 : memref<320x128xf32, #tpu.memory_space<vmem_shared>>) target(%dma_start3A_578 : memref<320x128xf32, #tpu.memory_space<hbm>>) target_semaphore(%run_scoped3A : memref<!tpu.dma_semaphore, #tpu.memory_space<semaphore_mem>>)
        %dma_wait3A = arith.constant 0 : i32
        %dma_wait3A_581 = tpu.memref_slice %arg8[%mul3A_520, %dma_wait3A] : memref<5120x128xf32, #tpu.memory_space<hbm>> -> memref<320x128xf32, #tpu.memory_space<hbm>>
        %dma_wait3A_582 = arith.constant 0 : i32
        %dma_wait3A_583 = tpu.memref_slice %arg12[%mul3A_520, %dma_wait3A_582] : memref<5120x128xf32, #tpu.memory_space<vmem_shared>> -> memref<320x128xf32, #tpu.memory_space<vmem_shared>>
        tpu.wait_dma2 semaphore(%run_scoped3A : memref<!tpu.dma_semaphore, #tpu.memory_space<semaphore_mem>>) src(%dma_wait3A_583 : memref<320x128xf32, #tpu.memory_space<vmem_shared>>) dst(%dma_wait3A_581 : memref<320x128xf32, #tpu.memory_space<hbm>>)
        tpu.yield
      }) : () -> ()
    } else {
    }
    %eq3A_573 = arith.constant 1 : i32
    %eq3A_574 = arith.cmpi eq, %arg0, %eq3A_573 : i32
    %convert_element_type3A_575 = arith.extui %eq3A_574 : i1 to i32
    %cond3A_576 = arith.constant 0 : i32
    %cond3A_577 = arith.cmpi ne, %convert_element_type3A_575, %cond3A_576 : i32
    scf.if %cond3A_577 {
      "tpu.region"() ({
        %run_scoped3A = tpu.sem_alloc : memref<!tpu.dma_semaphore, #tpu.memory_space<semaphore_mem>>
        %dma_start3A = arith.constant 0 : i32
        %dma_start3A_578 = tpu.memref_slice %arg10[%mul3A_520, %dma_start3A] : memref<5120x128xf32, #tpu.memory_space<hbm>> -> memref<320x128xf32, #tpu.memory_space<hbm>>
        %dma_start3A_579 = arith.constant 0 : i32
        %dma_start3A_580 = tpu.memref_slice %arg12[%mul3A_520, %dma_start3A_579] : memref<5120x128xf32, #tpu.memory_space<vmem_shared>> -> memref<320x128xf32, #tpu.memory_space<vmem_shared>>
        tpu.enqueue_dma source(%dma_start3A_580 : memref<320x128xf32, #tpu.memory_space<vmem_shared>>) target(%dma_start3A_578 : memref<320x128xf32, #tpu.memory_space<hbm>>) target_semaphore(%run_scoped3A : memref<!tpu.dma_semaphore, #tpu.memory_space<semaphore_mem>>)
        %dma_wait3A = arith.constant 0 : i32
        %dma_wait3A_581 = tpu.memref_slice %arg10[%mul3A_520, %dma_wait3A] : memref<5120x128xf32, #tpu.memory_space<hbm>> -> memref<320x128xf32, #tpu.memory_space<hbm>>
        %dma_wait3A_582 = arith.constant 0 : i32
        %dma_wait3A_583 = tpu.memref_slice %arg12[%mul3A_520, %dma_wait3A_582] : memref<5120x128xf32, #tpu.memory_space<vmem_shared>> -> memref<320x128xf32, #tpu.memory_space<vmem_shared>>
        tpu.wait_dma2 semaphore(%run_scoped3A : memref<!tpu.dma_semaphore, #tpu.memory_space<semaphore_mem>>) src(%dma_wait3A_583 : memref<320x128xf32, #tpu.memory_space<vmem_shared>>) dst(%dma_wait3A_581 : memref<320x128xf32, #tpu.memory_space<hbm>>)
        tpu.yield
      }) : () -> ()
    } else {
    }
    return
  }
}

module attributes {stable_mosaic.version = 14 : i64} {
  func.func @_tc_combine_body(%arg0: memref<5120x128xf32, #tpu.memory_space<vmem>>, %arg1: memref<16x5120xi32, #tpu.memory_space<vmem>>, %arg2: memref<5120x128xf32, #tpu.memory_space<vmem>>, %arg3: memref<16x5120xi32, #tpu.memory_space<vmem>>, %arg4: memref<5000x128xf32, #tpu.memory_space<vmem>>, %arg5: memref<5000x128xf32, #tpu.memory_space<vmem>>, %arg6: memref<128x128xf32, #tpu.memory_space<vmem>>, %arg7: memref<128x128xf32, #tpu.memory_space<vmem>>, %arg8: memref<1x128xf32, #tpu.memory_space<vmem>>, %arg9: memref<128x128xf32, #tpu.memory_space<vmem>>, %arg10: memref<128x128xf32, #tpu.memory_space<vmem>>, %arg11: memref<1x128xf32, #tpu.memory_space<vmem>>, %arg12: memref<128x128xf32, #tpu.memory_space<vmem>>, %arg13: memref<5000x128xf32, #tpu.memory_space<vmem>>, %arg14: memref<5000x128xf32, #tpu.memory_space<vmem>>) attributes {dimension_semantics = [], scalar_prefetch = 0 : i64, scratch_operands = 0 : i64, tpu.core_type = #tpu.core_type<tc>} {
    %broadcast_in_dim3A = arith.constant 1.000000e+00 : f32
    %broadcast_in_dim3A_0 = vector.broadcast %broadcast_in_dim3A : f32 to vector<16x128xf32>
    %get3A = arith.constant 0 : index
    %get3A_1 = arith.constant 0 : index
    %get3A_2 = vector.load %arg0[%get3A, %get3A_1] : memref<5120x128xf32, #tpu.memory_space<vmem>>, vector<5120x128xf32>
    %get3A_3 = arith.constant 0 : index
    %get3A_4 = arith.constant 0 : index
    %get3A_5 = vector.load %arg1[%get3A_3, %get3A_4] : memref<16x5120xi32, #tpu.memory_space<vmem>>, vector<16x5120xi32>
    %get3A_6 = arith.constant 0 : index
    %get3A_7 = arith.constant 0 : index
    %get3A_8 = vector.load %arg5[%get3A_6, %get3A_7] : memref<5000x128xf32, #tpu.memory_space<vmem>>, vector<5000x128xf32>
    %get3A_9 = arith.constant 0 : index
    %get3A_10 = arith.constant 0 : index
    %get3A_11 = vector.load %arg6[%get3A_9, %get3A_10] : memref<128x128xf32, #tpu.memory_space<vmem>>, vector<128x128xf32>
    %get3A_12 = arith.constant 0 : index
    %get3A_13 = arith.constant 0 : index
    %get3A_14 = vector.load %arg7[%get3A_12, %get3A_13] : memref<128x128xf32, #tpu.memory_space<vmem>>, vector<128x128xf32>
    %get3A_15 = arith.constant 0 : index
    %get3A_16 = arith.constant 0 : index
    %get3A_17 = vector.load %arg8[%get3A_15, %get3A_16] : memref<1x128xf32, #tpu.memory_space<vmem>>, vector<1x128xf32>
    %convert_element_type3A = arith.sitofp %get3A_5 : vector<16x5120xi32> to vector<16x5120xf32>
    %dot_general3A = arith.constant dense<0.000000e+00> : vector<5120x128xf32>
    %dot_general3A_18 = tpu.matmul %convert_element_type3A, %broadcast_in_dim3A_0, %dot_general3A {dimension_numbers = #tpu.dot_dimension_numbers<[0], [0], [1], [1], [0, 1, 1, 1], [], []>, transpose_lhs_hint = false} : vector<16x5120xf32>, vector<16x128xf32>, vector<5120x128xf32> -> vector<5120x128xf32>
    %slice3A = vector.extract_strided_slice %get3A_2 {offsets = [0, 0], sizes = [5000, 128], strides = [1, 1]} : vector<5120x128xf32> to vector<5000x128xf32>
    %slice3A_19 = vector.extract_strided_slice %dot_general3A_18 {offsets = [0, 0], sizes = [5000, 128], strides = [1, 1]} : vector<5120x128xf32> to vector<5000x128xf32>
    %max3A = arith.constant 1.000000e+00 : f32
    %max3A_20 = vector.broadcast %max3A : f32 to vector<5000x128xf32>
    %max3A_21 = arith.maximumf %slice3A_19, %max3A_20 : vector<5000x128xf32>
    %div3A = arith.divf %slice3A, %max3A_21 : vector<5000x128xf32>
    %dot_general3A_22 = arith.constant dense<0.000000e+00> : vector<5000x128xf32>
    %dot_general3A_23 = tpu.matmul %div3A, %get3A_11, %dot_general3A_22 {dimension_numbers = #tpu.dot_dimension_numbers<[1], [0], [0], [1], [0, 0, 1, 1], [], []>, transpose_lhs_hint = false} : vector<5000x128xf32>, vector<128x128xf32>, vector<5000x128xf32> -> vector<5000x128xf32>
    %add3A = vector.broadcast %get3A_17 : vector<1x128xf32> to vector<5000x128xf32>
    %add3A_24 = arith.addf %dot_general3A_23, %add3A : vector<5000x128xf32>
    %dot_general3A_25 = arith.constant dense<0.000000e+00> : vector<5000x128xf32>
    %dot_general3A_26 = tpu.matmul %get3A_8, %get3A_14, %dot_general3A_25 {dimension_numbers = #tpu.dot_dimension_numbers<[1], [0], [0], [1], [0, 0, 1, 1], [], []>, transpose_lhs_hint = false} : vector<5000x128xf32>, vector<128x128xf32>, vector<5000x128xf32> -> vector<5000x128xf32>
    %add3A_27 = arith.addf %add3A_24, %dot_general3A_26 : vector<5000x128xf32>
    %max3A_28 = arith.constant 0.000000e+00 : f32
    %max3A_29 = vector.broadcast %max3A_28 : f32 to vector<5000x128xf32>
    %max3A_30 = arith.maximumf %add3A_27, %max3A_29 : vector<5000x128xf32>
    %get3A_31 = arith.constant 0 : index
    %get3A_32 = arith.constant 0 : index
    %get3A_33 = vector.load %arg2[%get3A_31, %get3A_32] : memref<5120x128xf32, #tpu.memory_space<vmem>>, vector<5120x128xf32>
    %get3A_34 = arith.constant 0 : index
    %get3A_35 = arith.constant 0 : index
    %get3A_36 = vector.load %arg3[%get3A_34, %get3A_35] : memref<16x5120xi32, #tpu.memory_space<vmem>>, vector<16x5120xi32>
    %get3A_37 = arith.constant 0 : index
    %get3A_38 = arith.constant 0 : index
    %get3A_39 = vector.load %arg4[%get3A_37, %get3A_38] : memref<5000x128xf32, #tpu.memory_space<vmem>>, vector<5000x128xf32>
    %get3A_40 = arith.constant 0 : index
    %get3A_41 = arith.constant 0 : index
    %get3A_42 = vector.load %arg9[%get3A_40, %get3A_41] : memref<128x128xf32, #tpu.memory_space<vmem>>, vector<128x128xf32>
    %get3A_43 = arith.constant 0 : index
    %get3A_44 = arith.constant 0 : index
    %get3A_45 = vector.load %arg10[%get3A_43, %get3A_44] : memref<128x128xf32, #tpu.memory_space<vmem>>, vector<128x128xf32>
    %get3A_46 = arith.constant 0 : index
    %get3A_47 = arith.constant 0 : index
    %get3A_48 = vector.load %arg11[%get3A_46, %get3A_47] : memref<1x128xf32, #tpu.memory_space<vmem>>, vector<1x128xf32>
    %convert_element_type3A_49 = arith.sitofp %get3A_36 : vector<16x5120xi32> to vector<16x5120xf32>
    %dot_general3A_50 = arith.constant dense<0.000000e+00> : vector<5120x128xf32>
    %dot_general3A_51 = tpu.matmul %convert_element_type3A_49, %broadcast_in_dim3A_0, %dot_general3A_50 {dimension_numbers = #tpu.dot_dimension_numbers<[0], [0], [1], [1], [0, 1, 1, 1], [], []>, transpose_lhs_hint = false} : vector<16x5120xf32>, vector<16x128xf32>, vector<5120x128xf32> -> vector<5120x128xf32>
    %slice3A_52 = vector.extract_strided_slice %get3A_33 {offsets = [0, 0], sizes = [5000, 128], strides = [1, 1]} : vector<5120x128xf32> to vector<5000x128xf32>
    %slice3A_53 = vector.extract_strided_slice %dot_general3A_51 {offsets = [0, 0], sizes = [5000, 128], strides = [1, 1]} : vector<5120x128xf32> to vector<5000x128xf32>
    %max3A_54 = arith.constant 1.000000e+00 : f32
    %max3A_55 = vector.broadcast %max3A_54 : f32 to vector<5000x128xf32>
    %max3A_56 = arith.maximumf %slice3A_53, %max3A_55 : vector<5000x128xf32>
    %div3A_57 = arith.divf %slice3A_52, %max3A_56 : vector<5000x128xf32>
    %dot_general3A_58 = arith.constant dense<0.000000e+00> : vector<5000x128xf32>
    %dot_general3A_59 = tpu.matmul %div3A_57, %get3A_42, %dot_general3A_58 {dimension_numbers = #tpu.dot_dimension_numbers<[1], [0], [0], [1], [0, 0, 1, 1], [], []>, transpose_lhs_hint = false} : vector<5000x128xf32>, vector<128x128xf32>, vector<5000x128xf32> -> vector<5000x128xf32>
    %add3A_60 = vector.broadcast %get3A_48 : vector<1x128xf32> to vector<5000x128xf32>
    %add3A_61 = arith.addf %dot_general3A_59, %add3A_60 : vector<5000x128xf32>
    %dot_general3A_62 = arith.constant dense<0.000000e+00> : vector<5000x128xf32>
    %dot_general3A_63 = tpu.matmul %get3A_39, %get3A_45, %dot_general3A_62 {dimension_numbers = #tpu.dot_dimension_numbers<[1], [0], [0], [1], [0, 0, 1, 1], [], []>, transpose_lhs_hint = false} : vector<5000x128xf32>, vector<128x128xf32>, vector<5000x128xf32> -> vector<5000x128xf32>
    %add3A_64 = arith.addf %add3A_61, %dot_general3A_63 : vector<5000x128xf32>
    %max3A_65 = arith.constant 0.000000e+00 : f32
    %max3A_66 = vector.broadcast %max3A_65 : f32 to vector<5000x128xf32>
    %max3A_67 = arith.maximumf %add3A_64, %max3A_66 : vector<5000x128xf32>
    %get3A_68 = arith.constant 0 : index
    %get3A_69 = arith.constant 0 : index
    %get3A_70 = vector.load %arg12[%get3A_68, %get3A_69] : memref<128x128xf32, #tpu.memory_space<vmem>>, vector<128x128xf32>
    %dot_general3A_71 = arith.constant dense<0.000000e+00> : vector<5000x128xf32>
    %dot_general3A_72 = tpu.matmul %max3A_67, %get3A_70, %dot_general3A_71 {dimension_numbers = #tpu.dot_dimension_numbers<[1], [0], [0], [1], [0, 0, 1, 1], [], []>, transpose_lhs_hint = false} : vector<5000x128xf32>, vector<128x128xf32>, vector<5000x128xf32> -> vector<5000x128xf32>
    %swap3A = arith.constant 0 : index
    %swap3A_73 = arith.constant 0 : index
    %swap3A_74 = vector.load %arg13[%swap3A, %swap3A_73] : memref<5000x128xf32, #tpu.memory_space<vmem>>, vector<5000x128xf32>
    tpu.vector_store %arg13[%swap3A, %swap3A_73], %dot_general3A_72 {strides = array<i32>} : memref<5000x128xf32, #tpu.memory_space<vmem>>, vector<5000x128xf32>,
    %dot_general3A_75 = arith.constant dense<0.000000e+00> : vector<5000x128xf32>
    %dot_general3A_76 = tpu.matmul %max3A_30, %get3A_70, %dot_general3A_75 {dimension_numbers = #tpu.dot_dimension_numbers<[1], [0], [0], [1], [0, 0, 1, 1], [], []>, transpose_lhs_hint = false} : vector<5000x128xf32>, vector<128x128xf32>, vector<5000x128xf32> -> vector<5000x128xf32>
    %swap3A_77 = arith.constant 0 : index
    %swap3A_78 = arith.constant 0 : index
    %swap3A_79 = vector.load %arg14[%swap3A_77, %swap3A_78] : memref<5000x128xf32, #tpu.memory_space<vmem>>, vector<5000x128xf32>
    tpu.vector_store %arg14[%swap3A_77, %swap3A_78], %dot_general3A_76 {strides = array<i32>} : memref<5000x128xf32, #tpu.memory_space<vmem>>, vector<5000x128xf32>,
    return
  }
}

module attributes {stable_mosaic.version = 14 : i64} {
  func.func @_tc_decode_body(%arg0: i32, %arg1: memref<1568x128xf32, #tpu.memory_space<vmem>>, %arg2: memref<1568x128xf32, #tpu.memory_space<vmem>>, %arg3: memref<1x128xf32, #tpu.memory_space<vmem>>, %arg4: memref<128x1xf32, #tpu.memory_space<vmem>>, %arg5: memref<1x1xf32, #tpu.memory_space<vmem>>, %arg6: memref<1568x1xf32, #tpu.memory_space<vmem>>) attributes {dimension_semantics = [#tpu.dimension_semantics<arbitrary>], iteration_bounds = array<i64: 32>, scalar_prefetch = 0 : i64, scratch_operands = 0 : i64, tpu.core_type = #tpu.core_type<tc>, window_params = [{transform_indices = @transform_0, window_bounds = array<i64: 1568, 128>}, {transform_indices = @transform_1, window_bounds = array<i64: 1568, 128>}, {pipeline_mode = #tpu.pipeline_mode<synchronous>, transform_indices = @transform_2, window_bounds = array<i64: 1, 128>}, {pipeline_mode = #tpu.pipeline_mode<synchronous>, transform_indices = @transform_3, window_bounds = array<i64: 128, 1>}, {pipeline_mode = #tpu.pipeline_mode<synchronous>, transform_indices = @transform_4, window_bounds = array<i64: 1, 1>}, {transform_indices = @transform_5, window_bounds = array<i64: 1568, 1>}]} {
    %get3A = arith.constant 0 : index
    %get3A_0 = arith.constant 0 : index
    %get3A_1 = vector.load %arg1[%get3A, %get3A_0] : memref<1568x128xf32, #tpu.memory_space<vmem>>, vector<1568x128xf32>
    %get3A_2 = arith.constant 0 : index
    %get3A_3 = arith.constant 0 : index
    %get3A_4 = vector.load %arg2[%get3A_2, %get3A_3] : memref<1568x128xf32, #tpu.memory_space<vmem>>, vector<1568x128xf32>
    %sub3A = arith.subf %get3A_1, %get3A_4 : vector<1568x128xf32>
    %get3A_5 = arith.constant 0 : index
    %get3A_6 = arith.constant 0 : index
    %get3A_7 = vector.load %arg3[%get3A_5, %get3A_6] : memref<1x128xf32, #tpu.memory_space<vmem>>, vector<1x128xf32>
    %add3A = vector.broadcast %get3A_7 : vector<1x128xf32> to vector<1568x128xf32>
    %add3A_8 = arith.addf %sub3A, %add3A : vector<1568x128xf32>
    %max3A = arith.constant 0.000000e+00 : f32
    %max3A_9 = vector.broadcast %max3A : f32 to vector<1568x128xf32>
    %max3A_10 = arith.maximumf %add3A_8, %max3A_9 : vector<1568x128xf32>
    %get3A_11 = arith.constant 0 : index
    %get3A_12 = arith.constant 0 : index
    %get3A_13 = vector.load %arg4[%get3A_11, %get3A_12] : memref<128x1xf32, #tpu.memory_space<vmem>>, vector<128x1xf32>
    %dot_general3A = arith.constant dense<0.000000e+00> : vector<1568x1xf32>
    %dot_general3A_14 = tpu.matmul %max3A_10, %get3A_13, %dot_general3A {dimension_numbers = #tpu.dot_dimension_numbers<[1], [0], [0], [1], [0, 0, 1, 1], [], []>, transpose_lhs_hint = false} : vector<1568x128xf32>, vector<128x1xf32>, vector<1568x1xf32> -> vector<1568x1xf32>
    %get3A_15 = arith.constant 0 : index
    %get3A_16 = arith.constant 0 : index
    %get3A_17 = vector.load %arg5[%get3A_15, %get3A_16] : memref<1x1xf32, #tpu.memory_space<vmem>>, vector<1x1xf32>
    %add3A_18 = vector.broadcast %get3A_17 : vector<1x1xf32> to vector<1568x1xf32>
    %add3A_19 = arith.addf %dot_general3A_14, %add3A_18 : vector<1568x1xf32>
    %swap3A = arith.constant 0 : index
    %swap3A_20 = arith.constant 0 : index
    %swap3A_21 = vector.load %arg6[%swap3A, %swap3A_20] : memref<1568x1xf32, #tpu.memory_space<vmem>>, vector<1568x1xf32>
    tpu.vector_store %arg6[%swap3A, %swap3A_20], %add3A_19 {strides = array<i32>} : memref<1568x1xf32, #tpu.memory_space<vmem>>, vector<1568x1xf32>,
    return
  }
  func.func @transform_0(%arg0: i32) -> (i32, i32) {
    %c0_i32 = arith.constant 0 : i32
    %c0_i32_0 = arith.constant 0 : i32
    return %arg0, %c0_i32 : i32, i32
  }
  func.func @transform_1(%arg0: i32) -> (i32, i32) {
    %c0_i32 = arith.constant 0 : i32
    %c0_i32_0 = arith.constant 0 : i32
    return %arg0, %c0_i32 : i32, i32
  }
  func.func @transform_2(%arg0: i32) -> (i32, i32) {
    %c0_i32 = arith.constant 0 : i32
    %c0_i32_0 = arith.constant 0 : i32
    %c0_i32_1 = arith.constant 0 : i32
    return %c0_i32, %c0_i32_0 : i32, i32
  }
  func.func @transform_3(%arg0: i32) -> (i32, i32) {
    %c0_i32 = arith.constant 0 : i32
    %c0_i32_0 = arith.constant 0 : i32
    %c0_i32_1 = arith.constant 0 : i32
    return %c0_i32, %c0_i32_0 : i32, i32
  }
  func.func @transform_4(%arg0: i32) -> (i32, i32) {
    %c0_i32 = arith.constant 0 : i32
    %c0_i32_0 = arith.constant 0 : i32
    %c0_i32_1 = arith.constant 0 : i32
    return %c0_i32, %c0_i32_0 : i32, i32
  }
  func.func @transform_5(%arg0: i32) -> (i32, i32) {
    %c0_i32 = arith.constant 0 : i32
    %c0_i32_0 = arith.constant 0 : i32
    return %arg0, %c0_i32 : i32, i32
  }
}

</mosaic_0001>

<sc_bundles>
// kernel: kernel.6.cloned.1.call-start
scs
__scs_entry_jumppad:
0x0: {  	(pc) =	sbr.rel $0x88, $3  }
0x1: {  	(tag) =	ssettag $0x0;
	lr =	simm.s32 $0x1  }
0x2: {  	[smem:$0x3F92] =	sst lr;
	_ =	strace $0xD0000000  }
0x3: {  	_ = 	snop  }
0x4: {  	_ = 	snop  }
0x5: {  	_ = 	snop  }
0x6: {  	_ = 	snop  }
0x7: {  	_ = 	snop  }
__scs_overlays_trampoline_lowered:
0x8: {  	[smem:$0x3FA1] =	sst s0  }
0x9: {  	[smem:$0x3FA2] =	sst s1  }
0xa: {  	[smem:$0x3FA3] =	sst s2  }
0xb: {  	[smem:$0x3FA4] =	sst s3  }
0xc: {  	[smem:$0x3FA5] =	sst s4  }
0xd: {  	[smem:$0x3FA6] =	sst s5  }
0xe: {  	[smem:$0x3FA7] =	sst s6  }
0xf: {  	[smem:$0x3FA8] =	sst s7  }
0x10: {  	[smem:$0x3FA9] =	sst s8  }
0x11: {  	[smem:$0x3FAA] =	sst s9;
	s0 =	simm.s32 @!p0 $0x0  }
0x12: {  	s1 =	sld [smem:$0x3F90];
	s0 =	simm.s32 @p0 $0x1  }
0x13: {  	[smem:$0x3FAB] =	sst s0;
	s0 =	simm.s32 @!p1 $0x0  }
0x14: {  	s2 =	sld [smem:$0x3F8F];
	s0 =	simm.s32 @p1 $0x1  }
0x15: {  	[smem:$0x3FAC] =	sst s0;
	s0 =	simm.s32 @!p2 $0x0  }
0x16: {  	s3 =	sld [smem:$0x3FDB];
	s0 =	simm.s32 @p2 $0x1  }
0x17: {  	s4 =	simm.s32 $0x1BF5;
	[smem:$0x3FAE] =	sst s0  }
0x18: {  	s0 =	sld [smem:$0x3F91];
	_ =	swait.ge [sflag:s4], $0x0  }
0x19: {  	s7 =	sld [smem:$0x3F92]  }
0x1a: {  	s8 =	sadd.s32 $0xFFFFE003, lr  }
0x1b: {  	s9 =	sadd.s32 $0xFFFFFEF7, lr;
	s5 =	simm.s32 $0xFFFFFFFF;
	p2 =	slt.u32 s8, $0xFFFFF086  }
0x1c: {  	p1 =	slt.u32 s9, $0xF7A;
	s5 =	simm.s32 @!p2 $0x0  }
0x1d: {  	s5 =	simm.s32 @p1 $0x1;
	p0 =	seq.s32 s7, s2  }
0x1e: {  	s7 =	smul.u32 @!p0 $0xF7A, s2;
	p2 =	seq.s32 @!p0 s5, $0x0  }
0x1f: {  	s9 =	smul.u32 $0xF7A, s1;
	s8 =	simm.s32 @!p0 $0x1BF5;
	p2 =	por !p2, p0  }
0x20: {  	[sflag:s8] =	ssyncset.s32 @!p0 $0xFFFFF086;
	s6 =	sadd.s32 @!p0 s3, s7;
	s7 =	simm.s32 @!p0 $0x108  }
0x21: {  	s3 =	sadd.s32 s3, s9;
	s6 =	sadd.s32 @!p0 $0x88, s6;
	s7 =	simm.s32 @p2 $0x1082  }
0x22: {  	[simem:s7], [sflag:s8] =	dma.local @!p0 [hbm:s6], $0xF7A  }
0x23: {  	s9 =	sor.u32 $0xD0000000, s2;
	s6 =	simm.s32 $0x108;
	_ =	swait.ge @!p0 [sflag:s8], $0x0  }
0x24: {  	s3 =	sadd.s32 $0x88, s3;
	s6 =	simm.s32 @!p1 $0x1082;
	[sflag:s4] =	ssyncset.s32 $0xFFFFF086  }
0x25: {  	[simem:s6], [sflag:s4] =	dma.local [hbm:s3], $0xF7A  }
0x26: {  	[smem:$0x3F92] =	sst s1;
	(tag) =	ssettag s2;
	_ =	strace s9  }
0x27: {  	s1 =	sld [smem:$0x3FA2]  }
0x28: {  	s2 =	sld [smem:$0x3FA3]  }
0x29: {  	s4 =	sld [smem:$0x3FA5]  }
0x2a: {  	p0 =	seq.s32 s5, $0x0;
	s5 =	sld [smem:$0x3FA6]  }
0x2b: {  	s6 =	sld [smem:$0x3FA7]  }
0x2c: {  	s7 =	sld [smem:$0x3FA8]  }
0x2d: {  	s3 =	simm.s32 $0x108;
	s8 =	sld [smem:$0x3FA9]  }
0x2e: {  	s3 =	simm.s32 @!p0 $0x1082;
	s9 =	sld [smem:$0x3FAA]  }
0x2f: {  	lr =	sadd.s32 s0, s3;
	s0 =	sld [smem:$0x3FA1]  }
0x30: {  	s3 =	sld [smem:$0x3FA4]  }
0x31: {  	[smem:$0x3FAD] =	sst s10  }
0x32: {  	s10 =	sld [smem:$0x3FAB];
	_ =	sdelay $0x3  }
0x33: {  	p0 =	seq.s32 s10, $0x1;
	s10 =	sld [smem:$0x3FAD];
	_ =	sdelay $0x3  }
0x34: {  	[smem:$0x3FAD] =	sst s10  }
0x35: {  	s10 =	sld [smem:$0x3FAC];
	_ =	sdelay $0x3  }
0x36: {  	p1 =	seq.s32 s10, $0x1;
	s10 =	sld [smem:$0x3FAD];
	_ =	sdelay $0x3  }
0x37: {  	[smem:$0x3FAD] =	sst s10  }
0x38: {  	s10 =	sld [smem:$0x3FAE]  }
0x39: {  	_ = 	snop;
	(pc) =	sbr.ind lr, $3  }
0x3a: {  	_ = 	snop  }
0x3b: {  	_ = 	snop  }
0x3c: {  	p2 =	seq.s32 s10, $0x1;
	s10 =	sld [smem:$0x3FAD]  }
0x3d: {  	_ =	shalt  }
0x3e: {  	_ =	shalt  }
0x3f: {  	_ =	shalt  }
0x40: {  	_ =	shalt  }
0x41: {  	_ =	shalt  }
0x42: {  	_ =	shalt  }
0x43: {  	_ =	shalt  }
0x44: {  	_ =	shalt  }
0x45: {  	_ =	shalt  }
0x46: {  	_ =	shalt  }
0x47: {  	_ =	shalt  }
0x48: {  	_ =	shalt  }
0x49: {  	_ =	shalt  }
0x4a: {  	_ =	shalt  }
0x4b: {  	_ =	shalt  }
0x4c: {  	_ =	shalt  }
0x4d: {  	_ =	shalt  }
0x4e: {  	_ =	shalt  }
0x4f: {  	_ =	shalt  }
0x50: {  	_ =	shalt  }
0x51: {  	_ =	shalt  }
0x52: {  	_ =	shalt  }
0x53: {  	_ =	shalt  }
0x54: {  	_ =	shalt  }
0x55: {  	_ =	shalt  }
0x56: {  	_ =	shalt  }
0x57: {  	_ =	shalt  }
0x58: {  	_ =	shalt  }
0x59: {  	_ =	shalt  }
0x5a: {  	_ =	shalt  }
0x5b: {  	_ =	shalt  }
0x5c: {  	_ =	shalt  }
0x5d: {  	_ =	shalt  }
0x5e: {  	_ =	shalt  }
0x5f: {  	_ =	shalt  }
0x60: {  	_ =	shalt  }
0x61: {  	_ =	shalt  }
0x62: {  	_ =	shalt  }
0x63: {  	_ =	shalt  }
0x64: {  	_ =	shalt  }
0x65: {  	_ =	shalt  }
0x66: {  	_ =	shalt  }
0x67: {  	_ =	shalt  }
0x68: {  	_ =	shalt  }
0x69: {  	_ =	shalt  }
0x6a: {  	_ =	shalt  }
0x6b: {  	_ =	shalt  }
0x6c: {  	_ =	shalt  }
0x6d: {  	_ =	shalt  }
0x6e: {  	_ =	shalt  }
0x6f: {  	_ =	shalt  }
0x70: {  	_ =	shalt  }
0x71: {  	_ =	shalt  }
0x72: {  	_ =	shalt  }
0x73: {  	_ =	shalt  }
0x74: {  	_ =	shalt  }
0x75: {  	_ =	shalt  }
0x76: {  	_ =	shalt  }
0x77: {  	_ =	shalt  }
0x78: {  	_ =	shalt  }
0x79: {  	_ =	shalt  }
0x7a: {  	_ =	shalt  }
0x7b: {  	_ =	shalt  }
0x7c: {  	_ =	shalt  }
0x7d: {  	_ =	shalt  }
0x7e: {  	_ =	shalt  }
0x7f: {  	_ =	shalt  }
0x80: {  	_ =	shalt  }
0x81: {  	_ =	shalt  }
0x82: {  	_ =	shalt  }
0x83: {  	_ =	shalt  }
0x84: {  	_ =	shalt  }
0x85: {  	_ =	shalt  }
0x86: {  	_ =	shalt  }
0x87: {  	_ =	shalt  }
.Lfunc_end0:
.L_simem_size_0:
called_computation_lowered:
.L_overlay_start_0:
0x88: {  	s2 =	sld [smem:$0x3FD9]  }
0x89: {  	s3 =	sld [smem:$0x3FFE];
	_ =	sdelay $0x1  }
0x8a: {  	s1 =	srdreg.scid  }
0x8b: {  	s0 =	sand.u32 $0x1, s1  }
0x8c: {  	s17 =	sshll.u32 s0, $0xA;
	s2 =	sadd.s32 s3, s2  }
0x8d: {  	s2 =	sadd.s32 s2, s17  }
0x8e: {  	[smem:$0x3FB9] =	sst s2  }
0x8f: {  	_ = 	snop  }
0x90: {  	s2 =	sld [smem:$0x3FC9]  }
0x91: {  	s18 =	sld [smem:$0x3FC8];
	(tm) =	ssettm $0x1  }
0x92: {  	s4 =	sld [smem:$0x3FFB];
	_ =	sdelay $0x3  }
0x93: {  	_ =	strace s4  }
0x94: {  	s4 =	sld [smem:$0x3FFC];
	_ =	sdelay $0x3  }
0x95: {  	_ =	strace s4  }
0x96: {  	s4 =	sld [smem:$0x3FFD];
	_ =	sdelay $0x3  }
0x97: {  	_ =	strace s4  }
0x98: {  	_ =	strace $0x8FFFFFFF  }
0x99: {  	s19 =	sld [smem:$0x3FDB];
	_ =	sdelay $0x1  }
0x9a: {  	s5 =	simm.s32 $_scs_section_size  }
0x9b: {  	s6 =	simm.s32 $_size__tile_overlayer_lowered;
	s7 =	simm.s32 $_tile_overlayer_lowered  }
0x9c: {  	s22 =	simm.s32 $0x1BFF;
	s21 =	sshll.u32 s7, $0x1;
	s4 =	sadd.s32 s5, s19  }
0x9d: {  	s8 =	simm.s32 $0x0;
	s20 =	sshll.u32 s6, $0x1;
	s6 =	sadd.s32 s21, s4  }
0x9e: {  	[timem:s8], [sflag:s22] =	dma.local [hbm:s6], s20  }
0x9f: {  	_ =	swait.ge [sflag:s22], s20  }
0xa0: {  	s5 =	ssub.s32 $0x0, s20;
	[sflag:s22] =	ssyncset.done $0x0  }
0xa1: {  	[sflag:s22] =	ssyncadd.s32 s5;
	_ =	sdelay $0x1  }
0xa2: {  	s23 =	simm.s32 $0x1B8B  }
0xa3: {  	_ =	swait.ge [sflag:s23], $0x1  }
0xa4: {  	[sflag:s23] =	ssyncset.done $0x0  }
0xa5: {  	s25 =	simm.s32 $0x1B8E;
	s24 =	sld [smem:$0x3FFE];
	[sflag:s23] =	ssyncadd.s32 $0xFFFFFFFF  }
0xa6: {  	s26 =	simm.s32 $execute0_lowered;
	[smem:$0x3FD2] =	sst s25  }
0xa7: {  	s6 =	sshll.u32 s26, $0x1;
	_ =	strace $0x80000046;
	[dreg:$0x1] =	wrdreg $0xFFFFFFFF  }
0xa8: {  	s28 =	simm.s32 $_size_execute0_lowered;
	s4 =	sadd.s32 s4, s6;
	[dreg:$0x0] =	wrdreg $0x0  }
0xa9: {  	s6 =	sshll.u32 s28, $0x1;
	[dreg:$0x2] =	wrdreg s4  }
0xaa: {  	[dreg:$0x3] =	wrdreg s6  }
0xab: {  	[dreg:$0x4] =	wrdreg $0xC0  }
0xac: {  	_ =	task [dreg:s8], $0x5FFFF  }
0xad: {  	[dreg:$0x1] =	wrdreg $0xFFFFFFFF  }
0xae: {  	[dreg:$0x0] =	wrdreg $0x60  }
0xaf: {  	[dreg:$0x2] =	wrdreg s2  }
0xb0: {  	[dreg:$0x3] =	wrdreg s18  }
0xb1: {  	[dreg:$0x4] =	wrdreg s24  }
0xb2: {  	[dreg:$0x5] =	wrdreg $0x0  }
0xb3: {  	[dreg:$0x6] =	wrdreg $0x9  }
0xb4: {  	_ =	task.clear_ibuf [dreg:s8], $0x7FFFF;
	_ =	strace $0x90000046  }
0xb5: {  	s29 =	simm.s32 $0x9;
	_ =	strace $0x80000048  }
0xb6: {  	_ =	swait.ge [sflag:s29], $0x1  }
0xb7: {  	[sflag:s29] =	ssyncadd.s32 $0xFFFFFFFF  }
0xb8: {  	_ =	strace $0x90000048  }
0xb9: {  	_ =	sfence  }
0xba: {  	s30 =	sld [smem:$0x0];
	_ =	sdelay $0x2  }
0xbb: {  	s31 =	sshll.u32 s1, $0xD;
	s1 =	sshrl.u32 s1, $0x2  }
0xbc: {  	s3 =	sand.u32 $0x4000, s31;
	s1 =	sadd.s32 s1, s30  }
0xbd: {  	s0 =	sor.u32 s3, s0;
	s1 =	sshll.u32 s1, $0x11  }
0xbe: {  	s0 =	sor.u32 s1, s0  }
0xbf: {  	s0 =	sadd.s32 $0x8F2B, s0  }
0xc0: {  	[sflag:s0] =	ssyncadd.remote.s32 $0x1  }
0xc1: {  	_ =	sfence.sel $0xFFFF  }
0xc2: {  	[dreg:$0x0] =	wrdreg $0xFFFFFFFF;
	(pc) =	sbr.abs _section_cstart, $3  }
0xc3: {  	[dreg:$0x1] =	wrdreg $0xFFFFFFFF  }
0xc4: {  	_ =	task.clear_ibuf [dreg:s8], $0x2FFFF;
	_ =	strace $0x9FFFFFFF  }
0xc5: {  	(tm) =	ssettm $0x7FFFFFFF  }
tec
execute0_lowered:
.L_overlay_start_1:
0x0: {  	(tag) =	ssettag $0x1  }
0x1: {  	s5 =	rddreg [dreg:$0x0]  }
0x2: {  	s2 =	rddreg [dreg:$0x1]  }
0x3: {  	s0 =	rddreg [dreg:$0x2]  }
0x4: {  	s3 =	rddreg [dreg:$0x3];
	s4 =	simm.s32 $0x0  }
0x5: {  	s1 =	srdreg.scid;
	s10 =	stileid.u32;
	s28 =	simm.s32 $0x1  }
0x6: {  	s29 =	simm.s32 $0xEA00;
	s30 =	simm.s32 $0xA100;
	[smem:$0x7FF] =	sst s4  }
0x7: {  	s9 =	sadd.s32 $0xB200, s0;
	s11 =	sadd.s32 $0x10200, s0;
	s6 =	sadd.s32 $0x15200, s0  }
0x8: {  	s8 =	sadd.s32 $0x3D200, s0;
	_ =	strace $0x80000047;
	[dreg:$0x9] =	wrdreg s6  }
0x9: {  	s12 =	sadd.s32 $0x6200, s0;
	s22 =	sadd.s32 $0x29200, s0;
	[dreg:$0xa] =	wrdreg s8  }
0xa: {  	s13 =	sadd.s32 $0x1200, s0;
	s0 =	sadd.s32 $0x3FA00, s0;
	[dreg:$0xb] =	wrdreg s22  }
0xb: {  	s31 =	simm.s32 $0xA180;
	s7 =	smul.u32 $0x28000, s10;
	[dreg:$0xc] =	wrdreg s0  }
0xc: {  	s1 =	sand.u32 $0x1, s1;
	s16 =	smul.u32 $0x2710, s10;
	[dreg:$0x8] =	wrdreg s13  }
0xd: {  	s17 =	sshrl.u32 s10, $0x3;
	[dreg:$0x7] =	wrdreg s12;
	s15 =	sshrl.u32 s7, $0x2  }
0xe: {  	s19 =	sshll.u32 s10, $0x7;
	[dreg:$0x6] =	wrdreg s11;
	s14 =	sadd.s32 s15, s3  }
0xf: {  	s21 =	ssub.s32 $0x2, s1;
	[dreg:$0x5] =	wrdreg s9;
	s18 =	sadd.s32 $0x800, s14  }
0x10: {  	s23 =	sshrl.u32 s21, $0x1;
	s15 =	sadd.s32 $0x1000, s14;
	[dreg:$0xd] =	wrdreg s18  }
0x11: {  	s7 =	smul.u32 $0xA000, s17;
	s20 =	sadd.s32 $0x1800, s14;
	[dreg:$0xe] =	wrdreg s15  }
0x12: {  	s24 =	ssub.s32 s21, s23;
	s25 =	sadd.s32 $0x2000, s14;
	[dreg:$0xf] =	wrdreg s20  }
0x13: {  	s8 =	sand.u32 $0x380, s19;
	s0 =	smax.u32 s24, $0x1;
	[dreg:$0x10] =	wrdreg s25  }
0x14: {  	s7 =	sor.u32 s8, s7;
	s8 =	sadd.s32 $0x3000, s14;
	[dreg:$0x12] =	wrdreg s0  }
0x15: {  	s6 =	sshrl.u32 s16, $0x3;
	s16 =	sadd.s32 $0x6000, s14;
	[dreg:$0x14] =	wrdreg s8  }
0x16: {  	p0 =	sne.s32 s1, $0x0;
	s17 =	sadd.s32 $0x6800, s14;
	[dreg:$0x1a] =	wrdreg s16  }
0x17: {  	s21 =	smul.u32 $0x4E2, s10;
	s26 =	sshrl.u32 s7, $0x3;
	[dreg:$0x1b] =	wrdreg s17  }
0x18: {  	s19 =	sadd.s32 $0x4E0, s6;
	s7 =	sadd.s32 $0x2800, s14;
	[dreg:$0x11] =	wrdreg s26  }
0x19: {  	s25 =	sadd.s32 s21, s9;
	s9 =	sadd.s32 $0x3800, s14;
	[dreg:$0x13] =	wrdreg s7  }
0x1a: {  	s24 =	sadd.s32 s21, s11;
	s11 =	sadd.s32 $0x4000, s14;
	[dreg:$0x15] =	wrdreg s9  }
0x1b: {  	s23 =	sadd.s32 s21, s12;
	s12 =	sadd.s32 $0x4800, s14;
	[dreg:$0x16] =	wrdreg s11  }
0x1c: {  	s22 =	sadd.s32 s21, s13;
	s13 =	sadd.s32 $0x5000, s14;
	[dreg:$0x17] =	wrdreg s12  }
0x1d: {  	s6 =	sadd.s32 $0x9800, s14;
	s15 =	sadd.s32 $0x5800, s14;
	[dreg:$0x18] =	wrdreg s13  }
0x1e: {  	s18 =	sadd.s32 $0x7000, s14;
	s20 =	sadd.s32 $0x7800, s14;
	[dreg:$0x19] =	wrdreg s15  }
0x1f: {  	s21 =	sadd.s32 $0x8000, s14;
	s16 =	simm.s32 $0xFE00;
	[dreg:$0x1c] =	wrdreg s18  }
.Ltmp0:
0x20: {  	s17 =	simm.s32 $0x2;
	[dreg:$0x1d] =	wrdreg s20;
	(pc) =	sbr.rel .LBB2_1-.Ltmp0, $4  }
0x21: {  	s0 =	simm.s32 $0x10;
	[dreg:$0x1e] =	wrdreg s21;
	s26 =	sadd.s32 $0x8800, s14  }
0x22: {  	s9 =	sadd.s32 $0x9000, s14;
	s15 =	smul.u32 $0x1400, s10;
	s18 =	simm.s32 $0xA000  }
0x23: {  	s20 =	simm.s32 $0xA080;
	s21 =	simm.s32 $0x80;
	s10 =	simm.s32 $0xE200  }
0x24: {  	v0 =	vimm.s32 $0x0;
	v1 =	vimm.f32 $0.0e+00;
	v2 =	vimm.s32 $0x1;
	s11 =	simm.s32 $0x0;
	[dreg:$0x1f] =	wrdreg s26;
	s26 =	simm.s32 $0xA200  }
.LBB2_8:
0x25: {  	s8 =	sadd.s32 s8, s19  }
0x26: {  	[tilespmem:s30], [sflag:$0x2] =	stream.linear.gather [hbm4b:s8+s4], $0x10, $0x38;
	[tilespmem:$0x10600] =	vst v63  }
0x27: {  	_ =	swait.ge [sflag:s17], $0x10  }
0x28: {  	[sflag:s17] =	ssyncset.done $0x0  }
0x29: {  	s7 =	sadd.s32 s7, s19;
	[sflag:s17] =	ssyncadd.s32 $0xFFFFFFF0  }
0x2a: {  	[tilespmem:s31], [sflag:$0x2] =	stream.linear.gather [hbm4b:s7+s4], $0x10, $0x38;
	[tilespmem:$0x10600] =	vst v63  }
0x2b: {  	_ =	swait.ge [sflag:s17], $0x10  }
0x2c: {  	[sflag:s17] =	ssyncset.done $0x0  }
0x2d: {  	[sflag:s17] =	ssyncadd.s32 $0xFFFFFFF0  }
0x2e: {  	[tilespmem:s10], [sflag:$0x1] =	stream.indirect.gather [hbm4b:s1+s0], $0x80, s30, s0, $0xb8;
	[tilespmem:$0x10600] =	vst v63  }
0x2f: {  	_ =	swait.ge [sflag:s28], $0x800  }
0x30: {  	[sflag:s28] =	ssyncset.done $0x0  }
0x31: {  	[sflag:s28] =	ssyncadd.s32 $0xFFFFF800  }
0x32: {  	[spmem:s3] =	stream.indirect.scatter.add.f32 [tilespmem:s10], [sflag:$0x2], $0x80, s31, s0, $0xb8;
	[tilespmem:$0x10600] =	vst v63  }
0x33: {  	_ =	swait.ge [sflag:s17], $0x800  }
0x34: {  	[sflag:s17] =	ssyncset.done $0x0  }
0x35: {  	[sflag:s17] =	ssyncadd.s32 $0xFFFFF800  }
0x36: {  	v3 =	vld [tilespmem:$0xA180];
	_ =	sdelay $0x6  }
0x37: {  	s7 =	rddreg [dreg:$0x11]  }
0x38: {  	s8 =	simm.s32 $0x400;
	s1 =	sadd.s32 s13, s7;
	[tilespmem:v3+s29+$0x0] =	vst.idx.add.s32.msk $0xffff, v2  }
0x39: {  	[hbm4b:s1+s21] =	stream.strided.scatter [tilespmem:s29], [sflag:$0x2], $0x1400, s8, s21, $0x38;
	[tilespmem:$0x10600] =	vst v63  }
0x3a: {  	_ =	swait.ge [sflag:s17], $0x1400  }
0x3b: {  	s8 =	stileid.u32;
	[sflag:s17] =	ssyncset.done $0x0  }
0x3c: {  	s13 =	sadd.s32 s12, s15;
	s7 =	sshll.u32 s8, $0x6;
	[sflag:s17] =	ssyncadd.s32 $0xFFFFEC00  }
0x3d: {  	s12 =	sshrl.u32 s14, $0x3;
	s7 =	sor.u32 $0x1C02, s7;
	[bflag:$0x0] =	sbarrier.arrive $0xFFFF  }
0x3e: {  	[hbm:s13], [sflag:s7] =	dma.local [spmem:s12], $0x1400  }
0x3f: {  	_ =	swait.ge [sflag:s17], $0x1400  }
0x40: {  	s11 =	sadd.s32 $0x1, s11;
	s13 =	rddreg [dreg:$0x12]  }
0x41: {  	p1 =	sne.s32 s11, s13  }
.Ltmp1:
0x42: {  	_ = 	snop;
	(pc) =	sbr.rel @!p1 .LBB2_9-.Ltmp1, $3  }
0x43: {  	_ =	sdelay $0x1  }
0x44: {  	[sflag:s17] =	ssyncset.done $0x0  }
0x45: {  	[sflag:s17] =	ssyncadd.s32 $0xFFFFEC00  }
.LBB2_1:
0x46: {  	s1 =	simm.s32 $0x40;
	s7 =	simm.s32 $0x0  }
.LBB2_2:
0x47: {  	p1 =	sne.s32 s1, $0x4FC0;
	[tilespmem:s7+$0xEA00] =	vst v0;
	s7 =	smov.u32 s1;
	s1 =	sadd.s32 $0x40, s1  }
.Ltmp2:
0x48: {  	(pc) =	sbr.rel @p1 .LBB2_2-.Ltmp2, $2  }
0x49: {  	_ =	sdelay $0x2  }
0x4a: {  	s7 =	sshra.s32 s7, $0x2  }
0x4b: {  	[tilespmem:s7+$0xEA00] =	vst v0  }
0x4c: {  	[tilespmem:$0xFE00] =	vst v1  }
0x4d: {  	[tilespmem:$0xFE10] =	vst v1  }
0x4e: {  	[tilespmem:$0xFE20] =	vst v1  }
0x4f: {  	[tilespmem:$0xFE30] =	vst v1  }
0x50: {  	[tilespmem:$0xFE40] =	vst v1  }
0x51: {  	[tilespmem:$0xFE50] =	vst v1  }
0x52: {  	[tilespmem:$0xFE60] =	vst v1  }
0x53: {  	[tilespmem:$0xFE70] =	vst v1  }
0x54: {  	[tilespmem:$0xFE80] =	vst v1  }
0x55: {  	[tilespmem:$0xFE90] =	vst v1  }
0x56: {  	[tilespmem:$0xFEA0] =	vst v1  }
0x57: {  	[tilespmem:$0xFEB0] =	vst v1  }
0x58: {  	[tilespmem:$0xFEC0] =	vst v1  }
0x59: {  	[tilespmem:$0xFED0] =	vst v1  }
0x5a: {  	[tilespmem:$0xFEE0] =	vst v1  }
0x5b: {  	[tilespmem:$0xFEF0] =	vst v1  }
0x5c: {  	[tilespmem:$0xFF00] =	vst v1  }
0x5d: {  	[tilespmem:$0xFF10] =	vst v1  }
0x5e: {  	[tilespmem:$0xFF20] =	vst v1  }
0x5f: {  	[tilespmem:$0xFF30] =	vst v1  }
0x60: {  	[tilespmem:$0xFF40] =	vst v1  }
0x61: {  	[tilespmem:$0xFF50] =	vst v1  }
0x62: {  	[tilespmem:$0xFF60] =	vst v1  }
0x63: {  	[tilespmem:$0xFF70] =	vst v1  }
0x64: {  	[tilespmem:$0xFF80] =	vst v1  }
0x65: {  	[tilespmem:$0xFF90] =	vst v1  }
0x66: {  	[tilespmem:$0xFFA0] =	vst v1  }
0x67: {  	[tilespmem:$0xFFB0] =	vst v1  }
0x68: {  	[tilespmem:$0xFFC0] =	vst v1  }
0x69: {  	[tilespmem:$0xFFD0] =	vst v1  }
0x6a: {  	[tilespmem:$0xFFE0] =	vst v1  }
0x6b: {  	[tilespmem:$0xFFF0] =	vst v1  }
0x6c: {  	[tilespmem:$0x10000] =	vst v1  }
0x6d: {  	[tilespmem:$0x10010] =	vst v1  }
0x6e: {  	[tilespmem:$0x10020] =	vst v1  }
0x6f: {  	[tilespmem:$0x10030] =	vst v1  }
0x70: {  	[tilespmem:$0x10040] =	vst v1  }
0x71: {  	[tilespmem:$0x10050] =	vst v1  }
0x72: {  	[tilespmem:$0x10060] =	vst v1  }
0x73: {  	[tilespmem:$0x10070] =	vst v1  }
0x74: {  	[tilespmem:$0x10080] =	vst v1  }
0x75: {  	[tilespmem:$0x10090] =	vst v1  }
0x76: {  	[tilespmem:$0x100A0] =	vst v1  }
0x77: {  	[tilespmem:$0x100B0] =	vst v1  }
0x78: {  	[tilespmem:$0x100C0] =	vst v1  }
0x79: {  	[tilespmem:$0x100D0] =	vst v1  }
0x7a: {  	[tilespmem:$0x100E0] =	vst v1  }
0x7b: {  	[tilespmem:$0x100F0] =	vst v1  }
0x7c: {  	[tilespmem:$0x10100] =	vst v1  }
0x7d: {  	[tilespmem:$0x10110] =	vst v1  }
0x7e: {  	[tilespmem:$0x10120] =	vst v1  }
0x7f: {  	[tilespmem:$0x10130] =	vst v1  }
0x80: {  	[tilespmem:$0x10140] =	vst v1  }
0x81: {  	[tilespmem:$0x10150] =	vst v1  }
0x82: {  	[tilespmem:$0x10160] =	vst v1  }
0x83: {  	[tilespmem:$0x10170] =	vst v1  }
0x84: {  	[tilespmem:$0x10180] =	vst v1  }
0x85: {  	[tilespmem:$0x10190] =	vst v1  }
0x86: {  	[tilespmem:$0x101A0] =	vst v1  }
0x87: {  	[tilespmem:$0x101B0] =	vst v1  }
0x88: {  	[tilespmem:$0x101C0] =	vst v1  }
0x89: {  	[tilespmem:$0x101D0] =	vst v1  }
0x8a: {  	[tilespmem:$0x101E0] =	vst v1  }
0x8b: {  	[tilespmem:$0x101F0] =	vst v1  }
0x8c: {  	[tilespmem:$0x10200] =	vst v1  }
0x8d: {  	[tilespmem:$0x10210] =	vst v1  }
0x8e: {  	[tilespmem:$0x10220] =	vst v1  }
0x8f: {  	[tilespmem:$0x10230] =	vst v1  }
0x90: {  	[tilespmem:$0x10240] =	vst v1  }
0x91: {  	[tilespmem:$0x10250] =	vst v1  }
0x92: {  	[tilespmem:$0x10260] =	vst v1  }
0x93: {  	[tilespmem:$0x10270] =	vst v1  }
0x94: {  	[tilespmem:$0x10280] =	vst v1  }
0x95: {  	[tilespmem:$0x10290] =	vst v1  }
0x96: {  	[tilespmem:$0x102A0] =	vst v1  }
0x97: {  	[tilespmem:$0x102B0] =	vst v1  }
0x98: {  	[tilespmem:$0x102C0] =	vst v1  }
0x99: {  	[tilespmem:$0x102D0] =	vst v1  }
0x9a: {  	[tilespmem:$0x102E0] =	vst v1  }
0x9b: {  	[tilespmem:$0x102F0] =	vst v1  }
0x9c: {  	[tilespmem:$0x10300] =	vst v1  }
0x9d: {  	[tilespmem:$0x10310] =	vst v1  }
0x9e: {  	[tilespmem:$0x10320] =	vst v1  }
0x9f: {  	[tilespmem:$0x10330] =	vst v1  }
0xa0: {  	[tilespmem:$0x10340] =	vst v1  }
0xa1: {  	[tilespmem:$0x10350] =	vst v1  }
0xa2: {  	[tilespmem:$0x10360] =	vst v1  }
0xa3: {  	[tilespmem:$0x10370] =	vst v1  }
0xa4: {  	[tilespmem:$0x10380] =	vst v1  }
0xa5: {  	[tilespmem:$0x10390] =	vst v1  }
0xa6: {  	[tilespmem:$0x103A0] =	vst v1  }
0xa7: {  	[tilespmem:$0x103B0] =	vst v1  }
0xa8: {  	[tilespmem:$0x103C0] =	vst v1  }
0xa9: {  	[tilespmem:$0x103D0] =	vst v1  }
0xaa: {  	[tilespmem:$0x103E0] =	vst v1  }
0xab: {  	[tilespmem:$0x103F0] =	vst v1  }
0xac: {  	[tilespmem:$0x10400] =	vst v1  }
0xad: {  	[tilespmem:$0x10410] =	vst v1  }
0xae: {  	[tilespmem:$0x10420] =	vst v1  }
0xaf: {  	[tilespmem:$0x10430] =	vst v1  }
0xb0: {  	[tilespmem:$0x10440] =	vst v1  }
0xb1: {  	[tilespmem:$0x10450] =	vst v1  }
0xb2: {  	[tilespmem:$0x10460] =	vst v1  }
0xb3: {  	[tilespmem:$0x10470] =	vst v1  }
0xb4: {  	[tilespmem:$0x10480] =	vst v1  }
0xb5: {  	[tilespmem:$0x10490] =	vst v1  }
0xb6: {  	[tilespmem:$0x104A0] =	vst v1  }
0xb7: {  	[tilespmem:$0x104B0] =	vst v1  }
0xb8: {  	[tilespmem:$0x104C0] =	vst v1  }
0xb9: {  	[tilespmem:$0x104D0] =	vst v1  }
0xba: {  	[tilespmem:$0x104E0] =	vst v1  }
0xbb: {  	[tilespmem:$0x104F0] =	vst v1  }
0xbc: {  	[tilespmem:$0x10500] =	vst v1  }
0xbd: {  	[tilespmem:$0x10510] =	vst v1  }
0xbe: {  	[tilespmem:$0x10520] =	vst v1  }
0xbf: {  	[tilespmem:$0x10530] =	vst v1  }
0xc0: {  	[tilespmem:$0x10540] =	vst v1  }
0xc1: {  	[tilespmem:$0x10550] =	vst v1  }
0xc2: {  	[tilespmem:$0x10560] =	vst v1  }
0xc3: {  	[tilespmem:$0x10570] =	vst v1  }
0xc4: {  	[tilespmem:$0x10580] =	vst v1  }
0xc5: {  	[tilespmem:$0x10590] =	vst v1  }
0xc6: {  	[tilespmem:$0x105A0] =	vst v1  }
0xc7: {  	[tilespmem:$0x105B0] =	vst v1  }
0xc8: {  	[tilespmem:$0x105C0] =	vst v1  }
0xc9: {  	[tilespmem:$0x105D0] =	vst v1  }
0xca: {  	[tilespmem:$0x105E0] =	vst v1  }
0xcb: {  	[tilespmem:$0x105F0] =	vst v1  }
0xcc: {  	[spmem:s14] =	stream.linear.scatter [tilespmem:s16], [sflag:$0x2], $0x800, $0x38;
	[tilespmem:$0x10600] =	vst v63  }
0xcd: {  	_ =	swait.ge [sflag:s17], $0x800  }
0xce: {  	[sflag:s17] =	ssyncset.done $0x0  }
0xcf: {  	s1 =	rddreg [dreg:$0xd];
	[sflag:s17] =	ssyncadd.s32 $0xFFFFF800  }
0xd0: {  	[spmem:s1] =	stream.linear.scatter [tilespmem:s16], [sflag:$0x2], $0x800, $0x38;
	[tilespmem:$0x10600] =	vst v63  }
0xd1: {  	_ =	swait.ge [sflag:s17], $0x800  }
0xd2: {  	[sflag:s17] =	ssyncset.done $0x0  }
0xd3: {  	s7 =	rddreg [dreg:$0xe];
	[sflag:s17] =	ssyncadd.s32 $0xFFFFF800  }
0xd4: {  	[spmem:s7] =	stream.linear.scatter [tilespmem:s16], [sflag:$0x2], $0x800, $0x38;
	[tilespmem:$0x10600] =	vst v63  }
0xd5: {  	_ =	swait.ge [sflag:s17], $0x800  }
0xd6: {  	[sflag:s17] =	ssyncset.done $0x0  }
0xd7: {  	s8 =	rddreg [dreg:$0xf];
	[sflag:s17] =	ssyncadd.s32 $0xFFFFF800  }
0xd8: {  	[spmem:s8] =	stream.linear.scatter [tilespmem:s16], [sflag:$0x2], $0x800, $0x38;
	[tilespmem:$0x10600] =	vst v63  }
0xd9: {  	_ =	swait.ge [sflag:s17], $0x800  }
0xda: {  	[sflag:s17] =	ssyncset.done $0x0  }
0xdb: {  	s12 =	rddreg [dreg:$0x10];
	[sflag:s17] =	ssyncadd.s32 $0xFFFFF800  }
0xdc: {  	[spmem:s12] =	stream.linear.scatter [tilespmem:s16], [sflag:$0x2], $0x800, $0x38;
	[tilespmem:$0x10600] =	vst v63  }
0xdd: {  	_ =	swait.ge [sflag:s17], $0x800  }
0xde: {  	[sflag:s17] =	ssyncset.done $0x0  }
0xdf: {  	s13 =	rddreg [dreg:$0x13];
	[sflag:s17] =	ssyncadd.s32 $0xFFFFF800  }
0xe0: {  	[spmem:s13] =	stream.linear.scatter [tilespmem:s16], [sflag:$0x2], $0x800, $0x38;
	[tilespmem:$0x10600] =	vst v63  }
0xe1: {  	_ =	swait.ge [sflag:s17], $0x800  }
0xe2: {  	[sflag:s17] =	ssyncset.done $0x0  }
0xe3: {  	s7 =	rddreg [dreg:$0x14];
	[sflag:s17] =	ssyncadd.s32 $0xFFFFF800  }
0xe4: {  	[spmem:s7] =	stream.linear.scatter [tilespmem:s16], [sflag:$0x2], $0x800, $0x38;
	[tilespmem:$0x10600] =	vst v63  }
0xe5: {  	_ =	swait.ge [sflag:s17], $0x800  }
0xe6: {  	[sflag:s17] =	ssyncset.done $0x0  }
0xe7: {  	s8 =	rddreg [dreg:$0x15];
	[sflag:s17] =	ssyncadd.s32 $0xFFFFF800  }
0xe8: {  	[spmem:s8] =	stream.linear.scatter [tilespmem:s16], [sflag:$0x2], $0x800, $0x38;
	[tilespmem:$0x10600] =	vst v63  }
0xe9: {  	_ =	swait.ge [sflag:s17], $0x800  }
0xea: {  	[sflag:s17] =	ssyncset.done $0x0  }
0xeb: {  	s12 =	rddreg [dreg:$0x16];
	[sflag:s17] =	ssyncadd.s32 $0xFFFFF800  }
0xec: {  	[spmem:s12] =	stream.linear.scatter [tilespmem:s16], [sflag:$0x2], $0x800, $0x38;
	[tilespmem:$0x10600] =	vst v63  }
0xed: {  	_ =	swait.ge [sflag:s17], $0x800  }
0xee: {  	[sflag:s17] =	ssyncset.done $0x0  }
0xef: {  	s13 =	rddreg [dreg:$0x17];
	[sflag:s17] =	ssyncadd.s32 $0xFFFFF800  }
0xf0: {  	[spmem:s13] =	stream.linear.scatter [tilespmem:s16], [sflag:$0x2], $0x800, $0x38;
	[tilespmem:$0x10600] =	vst v63  }
0xf1: {  	_ =	swait.ge [sflag:s17], $0x800  }
0xf2: {  	[sflag:s17] =	ssyncset.done $0x0  }
0xf3: {  	s7 =	rddreg [dreg:$0x18];
	[sflag:s17] =	ssyncadd.s32 $0xFFFFF800  }
0xf4: {  	[spmem:s7] =	stream.linear.scatter [tilespmem:s16], [sflag:$0x2], $0x800, $0x38;
	[tilespmem:$0x10600] =	vst v63  }
0xf5: {  	_ =	swait.ge [sflag:s17], $0x800  }
0xf6: {  	[sflag:s17] =	ssyncset.done $0x0  }
0xf7: {  	s8 =	rddreg [dreg:$0x19];
	[sflag:s17] =	ssyncadd.s32 $0xFFFFF800  }
0xf8: {  	[spmem:s8] =	stream.linear.scatter [tilespmem:s16], [sflag:$0x2], $0x800, $0x38;
	[tilespmem:$0x10600] =	vst v63  }
0xf9: {  	_ =	swait.ge [sflag:s17], $0x800  }
0xfa: {  	[sflag:s17] =	ssyncset.done $0x0  }
0xfb: {  	s12 =	rddreg [dreg:$0x1a];
	[sflag:s17] =	ssyncadd.s32 $0xFFFFF800  }
0xfc: {  	[spmem:s12] =	stream.linear.scatter [tilespmem:s16], [sflag:$0x2], $0x800, $0x38;
	[tilespmem:$0x10600] =	vst v63  }
0xfd: {  	_ =	swait.ge [sflag:s17], $0x800  }
0xfe: {  	[sflag:s17] =	ssyncset.done $0x0  }
0xff: {  	s13 =	rddreg [dreg:$0x1b];
	[sflag:s17] =	ssyncadd.s32 $0xFFFFF800  }
0x100: {  	[spmem:s13] =	stream.linear.scatter [tilespmem:s16], [sflag:$0x2], $0x800, $0x38;
	[tilespmem:$0x10600] =	vst v63  }
0x101: {  	_ =	swait.ge [sflag:s17], $0x800  }
0x102: {  	[sflag:s17] =	ssyncset.done $0x0  }
0x103: {  	s7 =	rddreg [dreg:$0x1c];
	[sflag:s17] =	ssyncadd.s32 $0xFFFFF800  }
0x104: {  	[spmem:s7] =	stream.linear.scatter [tilespmem:s16], [sflag:$0x2], $0x800, $0x38;
	[tilespmem:$0x10600] =	vst v63  }
0x105: {  	_ =	swait.ge [sflag:s17], $0x800  }
0x106: {  	[sflag:s17] =	ssyncset.done $0x0  }
0x107: {  	s8 =	rddreg [dreg:$0x1d];
	[sflag:s17] =	ssyncadd.s32 $0xFFFFF800  }
0x108: {  	[spmem:s8] =	stream.linear.scatter [tilespmem:s16], [sflag:$0x2], $0x800, $0x38;
	[tilespmem:$0x10600] =	vst v63  }
0x109: {  	_ =	swait.ge [sflag:s17], $0x800  }
0x10a: {  	[sflag:s17] =	ssyncset.done $0x0  }
0x10b: {  	s12 =	rddreg [dreg:$0x1e];
	[sflag:s17] =	ssyncadd.s32 $0xFFFFF800  }
0x10c: {  	[spmem:s12] =	stream.linear.scatter [tilespmem:s16], [sflag:$0x2], $0x800, $0x38;
	[tilespmem:$0x10600] =	vst v63  }
0x10d: {  	_ =	swait.ge [sflag:s17], $0x800  }
0x10e: {  	[sflag:s17] =	ssyncset.done $0x0  }
0x10f: {  	s13 =	rddreg [dreg:$0x1f];
	[sflag:s17] =	ssyncadd.s32 $0xFFFFF800  }
0x110: {  	[spmem:s13] =	stream.linear.scatter [tilespmem:s16], [sflag:$0x2], $0x800, $0x38;
	[tilespmem:$0x10600] =	vst v63  }
0x111: {  	_ =	swait.ge [sflag:s17], $0x800  }
0x112: {  	[sflag:s17] =	ssyncset.done $0x0  }
0x113: {  	[sflag:s17] =	ssyncadd.s32 $0xFFFFF800  }
0x114: {  	[spmem:s9] =	stream.linear.scatter [tilespmem:s16], [sflag:$0x2], $0x800, $0x38;
	[tilespmem:$0x10600] =	vst v63  }
0x115: {  	_ =	swait.ge [sflag:s17], $0x800  }
0x116: {  	[sflag:s17] =	ssyncset.done $0x0  }
0x117: {  	[sflag:s17] =	ssyncadd.s32 $0xFFFFF800  }
0x118: {  	[spmem:s6] =	stream.linear.scatter [tilespmem:s16], [sflag:$0x2], $0x800, $0x38;
	[tilespmem:$0x10600] =	vst v63  }
.Ltmp3:
0x119: {  	_ =	swait.ge [sflag:s17], $0x800;
	(pc) =	sbr.rel @p0 .LBB2_6-.Ltmp3, $4  }
0x11a: {  	[sflag:s17] =	ssyncset.done $0x0  }
0x11b: {  	[sflag:s17] =	ssyncadd.s32 $0xFFFFF800  }
0x11c: {  	[bflag:$0x0] =	sbarrier.arrive $0xFFFF  }
0x11d: {  	s12 =	simm.s32 $0x0  }
.LBB2_4:
0x11e: {  	s1 =	sadd.s32 s12, s25  }
0x11f: {  	[tilespmem:s18], [sflag:$0x2] =	stream.linear.gather [hbm4b:s1+s4], $0x80, $0x38;
	[tilespmem:$0x10600] =	vst v63  }
0x120: {  	_ =	swait.ge [sflag:s17], $0x80  }
0x121: {  	[sflag:s17] =	ssyncset.done $0x0  }
0x122: {  	s13 =	sadd.s32 s12, s24;
	[sflag:s17] =	ssyncadd.s32 $0xFFFFFF80  }
0x123: {  	[tilespmem:s20], [sflag:$0x2] =	stream.linear.gather [hbm4b:s13+s4], $0x80, $0x38;
	[tilespmem:$0x10600] =	vst v63  }
0x124: {  	_ =	swait.ge [sflag:s17], $0x80  }
0x125: {  	[sflag:s17] =	ssyncset.done $0x0  }
0x126: {  	[sflag:s17] =	ssyncadd.s32 $0xFFFFFF80  }
0x127: {  	[tilespmem:s26], [sflag:$0x1] =	stream.indirect.gather [hbm4b:s5+s21], $0x80, s18, s21, $0xb8;
	[tilespmem:$0x10600] =	vst v63  }
0x128: {  	_ =	swait.ge [sflag:s28], $0x4000  }
0x129: {  	[sflag:s28] =	ssyncset.done $0x0  }
0x12a: {  	[sflag:s28] =	ssyncadd.s32 $0xFFFFC000  }
0x12b: {  	[spmem:s3] =	stream.indirect.scatter.add.f32 [tilespmem:s26], [sflag:$0x2], $0x80, s20, s21, $0xb8;
	[tilespmem:$0x10600] =	vst v63  }
0x12c: {  	_ =	swait.ge [sflag:s17], $0x4000  }
0x12d: {  	[sflag:s17] =	ssyncset.done $0x0  }
0x12e: {  	[sflag:s17] =	ssyncadd.s32 $0xFFFFC000  }
0x12f: {  	v3 =	vld [tilespmem:$0xA080];
	_ =	sdelay $0x7  }
0x130: {  	[tilespmem:v3+s29+$0x0] =	vst.idx.add.s32.msk $0xffff, v2  }
0x131: {  	v3 =	vld [tilespmem:$0xA090];
	_ =	sdelay $0x7  }
0x132: {  	[tilespmem:v3+s29+$0x0] =	vst.idx.add.s32.msk $0xffff, v2  }
0x133: {  	v3 =	vld [tilespmem:$0xA0A0];
	_ =	sdelay $0x7  }
0x134: {  	[tilespmem:v3+s29+$0x0] =	vst.idx.add.s32.msk $0xffff, v2  }
0x135: {  	v3 =	vld [tilespmem:$0xA0B0];
	_ =	sdelay $0x7  }
0x136: {  	[tilespmem:v3+s29+$0x0] =	vst.idx.add.s32.msk $0xffff, v2  }
0x137: {  	v3 =	vld [tilespmem:$0xA0C0];
	_ =	sdelay $0x7  }
0x138: {  	[tilespmem:v3+s29+$0x0] =	vst.idx.add.s32.msk $0xffff, v2  }
0x139: {  	v3 =	vld [tilespmem:$0xA0D0];
	_ =	sdelay $0x7  }
0x13a: {  	[tilespmem:v3+s29+$0x0] =	vst.idx.add.s32.msk $0xffff, v2  }
0x13b: {  	v3 =	vld [tilespmem:$0xA0E0];
	_ =	sdelay $0x7  }
0x13c: {  	[tilespmem:v3+s29+$0x0] =	vst.idx.add.s32.msk $0xffff, v2  }
0x13d: {  	v3 =	vld [tilespmem:$0xA0F0];
	_ =	sdelay $0x2  }
0x13e: {  	p1 =	seq.s32 s12, $0x4D0  }
.Ltmp4:
0x13f: {  	_ = 	snop;
	(pc) =	sbr.rel @!p1 .LBB2_4-.Ltmp4, $2  }
0x140: {  	_ =	sdelay $0x2  }
0x141: {  	s12 =	sadd.s32 $0x10, s12;
	[tilespmem:v3+s29+$0x0] =	vst.idx.add.s32.msk $0xffff, v2  }
.Ltmp5:
0x142: {  	(pc) =	sbr.rel .LBB2_8-.Ltmp5, $4  }
0x143: {  	s8 =	rddreg [dreg:$0x5]  }
0x144: {  	s7 =	rddreg [dreg:$0x6]  }
0x145: {  	s13 =	rddreg [dreg:$0xa]  }
0x146: {  	s1 =	smov.u32 s5;
	s12 =	rddreg [dreg:$0x9]  }
.LBB2_6:
0x147: {  	s1 =	sadd.s32 s12, s23  }
0x148: {  	[tilespmem:s18], [sflag:$0x2] =	stream.linear.gather [hbm4b:s1+s4], $0x80, $0x38;
	[tilespmem:$0x10600] =	vst v63  }
0x149: {  	_ =	swait.ge [sflag:s17], $0x80  }
0x14a: {  	[sflag:s17] =	ssyncset.done $0x0  }
0x14b: {  	s13 =	sadd.s32 s12, s22;
	[sflag:s17] =	ssyncadd.s32 $0xFFFFFF80  }
0x14c: {  	[tilespmem:s20], [sflag:$0x2] =	stream.linear.gather [hbm4b:s13+s4], $0x80, $0x38;
	[tilespmem:$0x10600] =	vst v63  }
0x14d: {  	_ =	swait.ge [sflag:s17], $0x80  }
0x14e: {  	[sflag:s17] =	ssyncset.done $0x0  }
0x14f: {  	[sflag:s17] =	ssyncadd.s32 $0xFFFFFF80  }
0x150: {  	[tilespmem:s26], [sflag:$0x1] =	stream.indirect.gather [hbm4b:s2+s21], $0x80, s18, s21, $0xb8;
	[tilespmem:$0x10600] =	vst v63  }
0x151: {  	_ =	swait.ge [sflag:s28], $0x4000  }
0x152: {  	[sflag:s28] =	ssyncset.done $0x0  }
0x153: {  	[sflag:s28] =	ssyncadd.s32 $0xFFFFC000  }
0x154: {  	[spmem:s3] =	stream.indirect.scatter.add.f32 [tilespmem:s26], [sflag:$0x2], $0x80, s20, s21, $0xb8;
	[tilespmem:$0x10600] =	vst v63  }
0x155: {  	_ =	swait.ge [sflag:s17], $0x4000  }
0x156: {  	[sflag:s17] =	ssyncset.done $0x0  }
0x157: {  	[sflag:s17] =	ssyncadd.s32 $0xFFFFC000  }
0x158: {  	v3 =	vld [tilespmem:$0xA080];
	_ =	sdelay $0x7  }
0x159: {  	[tilespmem:v3+s29+$0x0] =	vst.idx.add.s32.msk $0xffff, v2  }
0x15a: {  	v3 =	vld [tilespmem:$0xA090];
	_ =	sdelay $0x7  }
0x15b: {  	[tilespmem:v3+s29+$0x0] =	vst.idx.add.s32.msk $0xffff, v2  }
0x15c: {  	v3 =	vld [tilespmem:$0xA0A0];
	_ =	sdelay $0x7  }
0x15d: {  	[tilespmem:v3+s29+$0x0] =	vst.idx.add.s32.msk $0xffff, v2  }
0x15e: {  	v3 =	vld [tilespmem:$0xA0B0];
	_ =	sdelay $0x7  }
0x15f: {  	[tilespmem:v3+s29+$0x0] =	vst.idx.add.s32.msk $0xffff, v2  }
0x160: {  	v3 =	vld [tilespmem:$0xA0C0];
	_ =	sdelay $0x7  }
0x161: {  	[tilespmem:v3+s29+$0x0] =	vst.idx.add.s32.msk $0xffff, v2  }
0x162: {  	v3 =	vld [tilespmem:$0xA0D0];
	_ =	sdelay $0x7  }
0x163: {  	[tilespmem:v3+s29+$0x0] =	vst.idx.add.s32.msk $0xffff, v2  }
0x164: {  	v3 =	vld [tilespmem:$0xA0E0];
	_ =	sdelay $0x7  }
0x165: {  	[tilespmem:v3+s29+$0x0] =	vst.idx.add.s32.msk $0xffff, v2  }
0x166: {  	v3 =	vld [tilespmem:$0xA0F0];
	_ =	sdelay $0x2  }
0x167: {  	p1 =	sne.s32 s12, $0x4D0  }
.Ltmp6:
0x168: {  	_ = 	snop;
	(pc) =	sbr.rel @p1 .LBB2_6-.Ltmp6, $2  }
0x169: {  	_ =	sdelay $0x2  }
0x16a: {  	s12 =	sadd.s32 $0x10, s12;
	[tilespmem:v3+s29+$0x0] =	vst.idx.add.s32.msk $0xffff, v2  }
.Ltmp7:
0x16b: {  	(pc) =	sbr.rel .LBB2_8-.Ltmp7, $4  }
0x16c: {  	s8 =	rddreg [dreg:$0x7]  }
0x16d: {  	s7 =	rddreg [dreg:$0x8]  }
0x16e: {  	s13 =	rddreg [dreg:$0xc]  }
0x16f: {  	s1 =	smov.u32 s2;
	s12 =	rddreg [dreg:$0xb]  }
.LBB2_9:
0x170: {  	_ =	sfence.sel $0x180000  }
0x171: {  	[bflag:$0x0] =	sbarrier.arrive $0xFFFF  }
0x172: {  	_ =	strace $0x90000047  }
0x173: {  	s0 =	stileid.u32;
	[bflag:$0x2] =	sbarrier.arrive $0xFFFF  }
0x174: {  	p0 =	sne.s32 s0, $0x0;
	s0 =	rddreg [dreg:$0x4]  }
0x175: {  	s0 =	sadd.s32 @!p0 $0x100000, s0  }
0x176: {  	[sflag:s0] =	ssyncadd.tile.s32 @!p0 $0x1;
	_ =	shalt  }
.Lfunc_end2:
_tile_overlayer_lowered:
.L_overlay_start_2:
0x177: {  	(tag) =	ssettag $0x2  }
0x178: {  	s0 =	rddreg [dreg:$0x0];
	s2 =	stileid.u32  }
0x179: {  	s1 =	rddreg [dreg:$0x1];
	p0 =	sne.s32 s2, $0x0  }
0x17a: {  	s3 =	rddreg [dreg:$0x2];
	[bflag:$0x3] =	sbarrier.arrive $0xFFFF;
	s2 =	simm.s32 @!p0 $0x1C02  }
0x17b: {  	[timem:s3], [sflag:s2] =	dma.local @!p0 [hbm:s0], s1  }
0x17c: {  	s0 =	simm.s32 @!p0 $0x2  }
0x17d: {  	_ =	swait.ge @!p0 [sflag:s0], s1  }
0x17e: {  	s1 =	ssub.s32 @!p0 $0x0, s1;
	[sflag:s0] =	ssyncset.done @!p0 $0x0  }
0x17f: {  	[sflag:s0] =	ssyncadd.s32 @!p0 s1  }
0x180: {  	[bflag:$0x3] =	sbarrier.arrive $0xFFFF  }
0x181: {  	_ =	shalt  }

// kernel: kernel.9.cloned.1.call-start
scs
__scs_entry_jumppad:
0x0: {  	(pc) =	sbr.rel $0x88, $3  }
0x1: {  	(tag) =	ssettag $0x0;
	lr =	simm.s32 $0x1  }
0x2: {  	[smem:$0x3F92] =	sst lr;
	_ =	strace $0xD0000000  }
0x3: {  	_ = 	snop  }
0x4: {  	_ = 	snop  }
0x5: {  	_ = 	snop  }
0x6: {  	_ = 	snop  }
0x7: {  	_ = 	snop  }
__scs_overlays_trampoline_lowered:
0x8: {  	[smem:$0x3FA1] =	sst s0  }
0x9: {  	[smem:$0x3FA2] =	sst s1  }
0xa: {  	[smem:$0x3FA3] =	sst s2  }
0xb: {  	[smem:$0x3FA4] =	sst s3  }
0xc: {  	[smem:$0x3FA5] =	sst s4  }
0xd: {  	[smem:$0x3FA6] =	sst s5  }
0xe: {  	[smem:$0x3FA7] =	sst s6  }
0xf: {  	[smem:$0x3FA8] =	sst s7  }
0x10: {  	[smem:$0x3FA9] =	sst s8  }
0x11: {  	[smem:$0x3FAA] =	sst s9;
	s0 =	simm.s32 @!p0 $0x0  }
0x12: {  	s1 =	sld [smem:$0x3F90];
	s0 =	simm.s32 @p0 $0x1  }
0x13: {  	[smem:$0x3FAB] =	sst s0;
	s0 =	simm.s32 @!p1 $0x0  }
0x14: {  	s2 =	sld [smem:$0x3F8F];
	s0 =	simm.s32 @p1 $0x1  }
0x15: {  	[smem:$0x3FAC] =	sst s0;
	s0 =	simm.s32 @!p2 $0x0  }
0x16: {  	s3 =	sld [smem:$0x3FDB];
	s0 =	simm.s32 @p2 $0x1  }
0x17: {  	s4 =	simm.s32 $0x1BF5;
	[smem:$0x3FAE] =	sst s0  }
0x18: {  	s0 =	sld [smem:$0x3F91];
	_ =	swait.ge [sflag:s4], $0x0  }
0x19: {  	s7 =	sld [smem:$0x3F92]  }
0x1a: {  	s8 =	sadd.s32 $0xFFFFE003, lr  }
0x1b: {  	s9 =	sadd.s32 $0xFFFFFEF7, lr;
	s5 =	simm.s32 $0xFFFFFFFF;
	p2 =	slt.u32 s8, $0xFFFFF086  }
0x1c: {  	p1 =	slt.u32 s9, $0xF7A;
	s5 =	simm.s32 @!p2 $0x0  }
0x1d: {  	s5 =	simm.s32 @p1 $0x1;
	p0 =	seq.s32 s7, s2  }
0x1e: {  	s7 =	smul.u32 @!p0 $0xF7A, s2;
	p2 =	seq.s32 @!p0 s5, $0x0  }
0x1f: {  	s9 =	smul.u32 $0xF7A, s1;
	s8 =	simm.s32 @!p0 $0x1BF5;
	p2 =	por !p2, p0  }
0x20: {  	[sflag:s8] =	ssyncset.s32 @!p0 $0xFFFFF086;
	s6 =	sadd.s32 @!p0 s3, s7;
	s7 =	simm.s32 @!p0 $0x108  }
0x21: {  	s3 =	sadd.s32 s3, s9;
	s6 =	sadd.s32 @!p0 $0x88, s6;
	s7 =	simm.s32 @p2 $0x1082  }
0x22: {  	[simem:s7], [sflag:s8] =	dma.local @!p0 [hbm:s6], $0xF7A  }
0x23: {  	s9 =	sor.u32 $0xD0000000, s2;
	s6 =	simm.s32 $0x108;
	_ =	swait.ge @!p0 [sflag:s8], $0x0  }
0x24: {  	s3 =	sadd.s32 $0x88, s3;
	s6 =	simm.s32 @!p1 $0x1082;
	[sflag:s4] =	ssyncset.s32 $0xFFFFF086  }
0x25: {  	[simem:s6], [sflag:s4] =	dma.local [hbm:s3], $0xF7A  }
0x26: {  	[smem:$0x3F92] =	sst s1;
	(tag) =	ssettag s2;
	_ =	strace s9  }
0x27: {  	s1 =	sld [smem:$0x3FA2]  }
0x28: {  	s2 =	sld [smem:$0x3FA3]  }
0x29: {  	s4 =	sld [smem:$0x3FA5]  }
0x2a: {  	p0 =	seq.s32 s5, $0x0;
	s5 =	sld [smem:$0x3FA6]  }
0x2b: {  	s6 =	sld [smem:$0x3FA7]  }
0x2c: {  	s7 =	sld [smem:$0x3FA8]  }
0x2d: {  	s3 =	simm.s32 $0x108;
	s8 =	sld [smem:$0x3FA9]  }
0x2e: {  	s3 =	simm.s32 @!p0 $0x1082;
	s9 =	sld [smem:$0x3FAA]  }
0x2f: {  	lr =	sadd.s32 s0, s3;
	s0 =	sld [smem:$0x3FA1]  }
0x30: {  	s3 =	sld [smem:$0x3FA4]  }
0x31: {  	[smem:$0x3FAD] =	sst s10  }
0x32: {  	s10 =	sld [smem:$0x3FAB];
	_ =	sdelay $0x3  }
0x33: {  	p0 =	seq.s32 s10, $0x1;
	s10 =	sld [smem:$0x3FAD];
	_ =	sdelay $0x3  }
0x34: {  	[smem:$0x3FAD] =	sst s10  }
0x35: {  	s10 =	sld [smem:$0x3FAC];
	_ =	sdelay $0x3  }
0x36: {  	p1 =	seq.s32 s10, $0x1;
	s10 =	sld [smem:$0x3FAD];
	_ =	sdelay $0x3  }
0x37: {  	[smem:$0x3FAD] =	sst s10  }
0x38: {  	s10 =	sld [smem:$0x3FAE]  }
0x39: {  	_ = 	snop;
	(pc) =	sbr.ind lr, $3  }
0x3a: {  	_ = 	snop  }
0x3b: {  	_ = 	snop  }
0x3c: {  	p2 =	seq.s32 s10, $0x1;
	s10 =	sld [smem:$0x3FAD]  }
0x3d: {  	_ =	shalt  }
0x3e: {  	_ =	shalt  }
0x3f: {  	_ =	shalt  }
0x40: {  	_ =	shalt  }
0x41: {  	_ =	shalt  }
0x42: {  	_ =	shalt  }
0x43: {  	_ =	shalt  }
0x44: {  	_ =	shalt  }
0x45: {  	_ =	shalt  }
0x46: {  	_ =	shalt  }
0x47: {  	_ =	shalt  }
0x48: {  	_ =	shalt  }
0x49: {  	_ =	shalt  }
0x4a: {  	_ =	shalt  }
0x4b: {  	_ =	shalt  }
0x4c: {  	_ =	shalt  }
0x4d: {  	_ =	shalt  }
0x4e: {  	_ =	shalt  }
0x4f: {  	_ =	shalt  }
0x50: {  	_ =	shalt  }
0x51: {  	_ =	shalt  }
0x52: {  	_ =	shalt  }
0x53: {  	_ =	shalt  }
0x54: {  	_ =	shalt  }
0x55: {  	_ =	shalt  }
0x56: {  	_ =	shalt  }
0x57: {  	_ =	shalt  }
0x58: {  	_ =	shalt  }
0x59: {  	_ =	shalt  }
0x5a: {  	_ =	shalt  }
0x5b: {  	_ =	shalt  }
0x5c: {  	_ =	shalt  }
0x5d: {  	_ =	shalt  }
0x5e: {  	_ =	shalt  }
0x5f: {  	_ =	shalt  }
0x60: {  	_ =	shalt  }
0x61: {  	_ =	shalt  }
0x62: {  	_ =	shalt  }
0x63: {  	_ =	shalt  }
0x64: {  	_ =	shalt  }
0x65: {  	_ =	shalt  }
0x66: {  	_ =	shalt  }
0x67: {  	_ =	shalt  }
0x68: {  	_ =	shalt  }
0x69: {  	_ =	shalt  }
0x6a: {  	_ =	shalt  }
0x6b: {  	_ =	shalt  }
0x6c: {  	_ =	shalt  }
0x6d: {  	_ =	shalt  }
0x6e: {  	_ =	shalt  }
0x6f: {  	_ =	shalt  }
0x70: {  	_ =	shalt  }
0x71: {  	_ =	shalt  }
0x72: {  	_ =	shalt  }
0x73: {  	_ =	shalt  }
0x74: {  	_ =	shalt  }
0x75: {  	_ =	shalt  }
0x76: {  	_ =	shalt  }
0x77: {  	_ =	shalt  }
0x78: {  	_ =	shalt  }
0x79: {  	_ =	shalt  }
0x7a: {  	_ =	shalt  }
0x7b: {  	_ =	shalt  }
0x7c: {  	_ =	shalt  }
0x7d: {  	_ =	shalt  }
0x7e: {  	_ =	shalt  }
0x7f: {  	_ =	shalt  }
0x80: {  	_ =	shalt  }
0x81: {  	_ =	shalt  }
0x82: {  	_ =	shalt  }
0x83: {  	_ =	shalt  }
0x84: {  	_ =	shalt  }
0x85: {  	_ =	shalt  }
0x86: {  	_ =	shalt  }
0x87: {  	_ =	shalt  }
.Lfunc_end0:
.L_simem_size_0:
called_computation.1_lowered:
.L_overlay_start_0:
0x88: {  	s2 =	sld [smem:$0x3FD9]  }
0x89: {  	s3 =	sld [smem:$0x3FFE];
	_ =	sdelay $0x1  }
0x8a: {  	s1 =	srdreg.scid  }
0x8b: {  	s0 =	sand.u32 $0x1, s1  }
0x8c: {  	s17 =	sshll.u32 s0, $0xA;
	s2 =	sadd.s32 s3, s2  }
0x8d: {  	s2 =	sadd.s32 s2, s17  }
0x8e: {  	[smem:$0x3FB9] =	sst s2  }
0x8f: {  	_ = 	snop  }
0x90: {  	s2 =	sld [smem:$0x3FD0];
	(tm) =	ssettm $0x1  }
0x91: {  	s18 =	sld [smem:$0x3FFB];
	_ =	sdelay $0x3  }
0x92: {  	_ =	strace s18  }
0x93: {  	s3 =	sld [smem:$0x3FFC];
	_ =	sdelay $0x3  }
0x94: {  	_ =	strace s3  }
0x95: {  	s3 =	sld [smem:$0x3FFD];
	_ =	sdelay $0x3  }
0x96: {  	_ =	strace s3  }
0x97: {  	_ =	strace $0x8FFFFFFF  }
0x98: {  	s19 =	sld [smem:$0x3FDB];
	_ =	sdelay $0x1  }
0x99: {  	s4 =	simm.s32 $_scs_section_size  }
0x9a: {  	s5 =	simm.s32 $_size__tile_overlayer_lowered;
	s6 =	simm.s32 $_tile_overlayer_lowered  }
0x9b: {  	s22 =	simm.s32 $0x1BFF;
	s21 =	sshll.u32 s6, $0x1;
	s3 =	sadd.s32 s4, s19  }
0x9c: {  	s7 =	simm.s32 $0x0;
	s20 =	sshll.u32 s5, $0x1;
	s5 =	sadd.s32 s21, s3  }
0x9d: {  	[timem:s7], [sflag:s22] =	dma.local [hbm:s5], s20  }
0x9e: {  	_ =	swait.ge [sflag:s22], s20  }
0x9f: {  	s4 =	ssub.s32 $0x0, s20;
	[sflag:s22] =	ssyncset.done $0x0  }
0xa0: {  	[sflag:s22] =	ssyncadd.s32 s4;
	_ =	sdelay $0x1  }
0xa1: {  	s23 =	simm.s32 $0x1B8B  }
0xa2: {  	_ =	swait.ge [sflag:s23], $0x1  }
0xa3: {  	[sflag:s23] =	ssyncset.done $0x0  }
0xa4: {  	s25 =	simm.s32 $0x1B8E;
	s24 =	sld [smem:$0x3FFE];
	[sflag:s23] =	ssyncadd.s32 $0xFFFFFFFF  }
0xa5: {  	s26 =	simm.s32 $execute0_lowered;
	[smem:$0x3FD2] =	sst s25  }
0xa6: {  	s5 =	sshll.u32 s26, $0x1;
	_ =	strace $0x80000049;
	[dreg:$0x1] =	wrdreg $0xFFFFFFFF  }
0xa7: {  	s28 =	simm.s32 $_size_execute0_lowered;
	s3 =	sadd.s32 s3, s5;
	[dreg:$0x0] =	wrdreg $0x0  }
0xa8: {  	s5 =	sshll.u32 s28, $0x1;
	[dreg:$0x2] =	wrdreg s3  }
0xa9: {  	[dreg:$0x3] =	wrdreg s5  }
0xaa: {  	[dreg:$0x4] =	wrdreg $0xC0  }
0xab: {  	_ =	task [dreg:s7], $0x5FFFF  }
0xac: {  	[dreg:$0x1] =	wrdreg $0xFFFFFFFF  }
0xad: {  	[dreg:$0x0] =	wrdreg $0x60  }
0xae: {  	[dreg:$0x2] =	wrdreg s24  }
0xaf: {  	[dreg:$0x3] =	wrdreg s2  }
0xb0: {  	[dreg:$0x4] =	wrdreg $0x9  }
0xb1: {  	_ =	task.clear_ibuf [dreg:s7], $0x5FFFF;
	_ =	strace $0x90000049  }
0xb2: {  	s29 =	simm.s32 $0x9;
	_ =	strace $0x8000004B  }
0xb3: {  	_ =	swait.ge [sflag:s29], $0x1  }
0xb4: {  	[sflag:s29] =	ssyncadd.s32 $0xFFFFFFFF  }
0xb5: {  	_ =	strace $0x9000004B  }
0xb6: {  	_ =	sfence  }
0xb7: {  	s30 =	sld [smem:$0x0];
	_ =	sdelay $0x2  }
0xb8: {  	s31 =	sshll.u32 s1, $0xD;
	s1 =	sshrl.u32 s1, $0x2  }
0xb9: {  	s3 =	sand.u32 $0x4000, s31;
	s1 =	sadd.s32 s1, s30  }
0xba: {  	s0 =	sor.u32 s3, s0;
	s1 =	sshll.u32 s1, $0x11  }
0xbb: {  	s0 =	sor.u32 s1, s0  }
0xbc: {  	s0 =	sadd.s32 $0x8F2B, s0  }
0xbd: {  	[sflag:s0] =	ssyncadd.remote.s32 $0x1  }
0xbe: {  	_ =	sfence.sel $0xFFFF  }
0xbf: {  	[dreg:$0x0] =	wrdreg $0xFFFFFFFF;
	(pc) =	sbr.abs _section_cstart, $3  }
0xc0: {  	[dreg:$0x1] =	wrdreg $0xFFFFFFFF  }
0xc1: {  	_ =	task.clear_ibuf [dreg:s7], $0x2FFFF;
	_ =	strace $0x9FFFFFFF  }
0xc2: {  	(tm) =	ssettm $0x7FFFFFFF  }
0xc3: {  	_ =	shalt  }
tec
execute0_lowered:
.L_overlay_start_1:
0x0: {  	(tag) =	ssettag $0x1  }
0x1: {  	s5 =	rddreg [dreg:$0x0]  }
0x2: {  	s13 =	rddreg [dreg:$0x1];
	s3 =	srdreg.scid  }
0x3: {  	s0 =	stileid.u32;
	s2 =	simm.s32 $0x0;
	s19 =	simm.s32 $0x2  }
0x4: {  	s20 =	simm.s32 $0x100;
	s21 =	simm.s32 $0x180;
	s22 =	simm.s32 $0x20  }
0x5: {  	s23 =	simm.s32 $0x8200;
	s24 =	simm.s32 $0x9200;
	s9 =	sand.u32 $0x1, s3  }
0x6: {  	s25 =	sshll.u32 s0, $0x1;
	[smem:$0x7FF] =	sst s2;
	s3 =	sadd.s32 $0x1200, s5  }
0x7: {  	s12 =	sadd.s32 $0x42200, s5;
	s10 =	sadd.s32 $0x43C00, s5;
	s14 =	smul.u32 $0xC400, s0  }
0x8: {  	s11 =	sadd.s32 $0x107C00, s5;
	s16 =	smul.u32 $0xC40, s0;
	s4 =	sor.u32 s9, s25  }
0x9: {  	_ =	strace $0x8000004A;
	s26 =	ssub.s32 $0x2, s9;
	s17 =	smul.u32 $0x620, s9  }
0xa: {  	s18 =	smul.u32 $0x6200, s9;
	s25 =	simm.s32 $0x0;
	s28 =	sshrl.u32 s26, $0x1  }
0xb: {  	s6 =	smul.u32 $0x620, s4;
	s4 =	sadd.s32 $0x14C00, s5;
	s15 =	ssub.s32 s26, s28  }
0xc: {  	s30 =	sadd.s32 s17, s16;
	s16 =	simm.s32 $0x200;
	s17 =	simm.s32 $0x4200  }
0xd: {  	s7 =	sadd.s32 $0x600, s6;
	s9 =	smax.u32 s15, $0x1;
	s31 =	sshrl.u32 s30, $0x3  }
0xe: {  	s15 =	simm.s32 $0x80;
	s8 =	sshrl.u32 s7, $0x3;
	s29 =	sshll.u32 s7, $0x4  }
0xf: {  	s5 =	sadd.s32 s13, s8;
	s6 =	sadd.s32 s12, s8;
	s7 =	sadd.s32 s10, s29  }
0x10: {  	s8 =	sadd.s32 s11, s29;
	s10 =	sadd.s32 s14, s10;
	s11 =	sadd.s32 s14, s11  }
0x11: {  	s12 =	sadd.s32 s31, s12;
	s13 =	sadd.s32 s31, s13;
	s14 =	simm.s32 $0x3  }
0x12: {  	s10 =	sadd.s32 s18, s10;
	s11 =	sadd.s32 s18, s11;
	s18 =	simm.s32 $0x1  }
.LBB2_1:
0x13: {  	s26 =	sadd.s32 $0x0, s13  }
0x14: {  	[tilespmem:s2], [sflag:$0x3] =	stream.linear.gather [hbm4b:s26+s2], $0x80, $0x38;
	[tilespmem:$0xA200] =	vst v63  }
0x15: {  	_ =	swait.ge [sflag:s14], $0x80  }
0x16: {  	[sflag:s14] =	ssyncset.done $0x0  }
0x17: {  	s31 =	sadd.s32 $0x0, s12;
	[sflag:s14] =	ssyncadd.s32 $0xFFFFFF80  }
0x18: {  	[tilespmem:s15], [sflag:$0x3] =	stream.linear.gather [hbm4b:s31+s2], $0x80, $0x38;
	[tilespmem:$0xA200] =	vst v63  }
0x19: {  	_ =	swait.ge [sflag:s14], $0x80  }
0x1a: {  	[sflag:s14] =	ssyncset.done $0x0  }
0x1b: {  	[sflag:s14] =	ssyncadd.s32 $0xFFFFFF80  }
0x1c: {  	[tilespmem:s16], [sflag:$0x1] =	stream.indirect.gather [hbm4b:s3+s15], $0x80, s2, s15, $0xb8;
	[tilespmem:$0xA200] =	vst v63  }
0x1d: {  	_ = 	snop  }
0x1e: {  	[tilespmem:s17], [sflag:$0x2] =	stream.indirect.gather [hbm4b:s4+s15], $0x80, s15, s15, $0xb8;
	[tilespmem:$0xA200] =	vst v63  }
0x1f: {  	_ =	swait.ge [sflag:s18], $0x4000  }
0x20: {  	[sflag:s18] =	ssyncset.done $0x0  }
0x21: {  	[sflag:s18] =	ssyncadd.s32 $0xFFFFC000  }
0x22: {  	_ =	swait.ge [sflag:s19], $0x4000  }
0x23: {  	[sflag:s19] =	ssyncset.done $0x0  }
0x24: {  	[sflag:s19] =	ssyncadd.s32 $0xFFFFC000  }
0x25: {  	[hbm4b:s10+s2] =	stream.linear.scatter [tilespmem:s16], [sflag:$0x3], $0x4000, $0x38;
	[tilespmem:$0xA200] =	vst v63  }
0x26: {  	_ =	swait.ge [sflag:s14], $0x4000  }
0x27: {  	[sflag:s14] =	ssyncset.done $0x0  }
0x28: {  	[sflag:s14] =	ssyncadd.s32 $0xFFFFC000  }
0x29: {  	[hbm4b:s11+s2] =	stream.linear.scatter [tilespmem:s17], [sflag:$0x3], $0x4000, $0x38;
	[tilespmem:$0xA200] =	vst v63  }
0x2a: {  	s29 =	simm.s32 $0x10;
	s30 =	simm.s32 $0x20;
	_ =	swait.ge [sflag:s14], $0x4000  }
0x2b: {  	s28 =	sadd.s32 $0x800, s10;
	s26 =	sadd.s32 $0x800, s11;
	[sflag:s14] =	ssyncset.done $0x0  }
.LBB2_2:
0x2c: {  	s31 =	sadd.s32 s29, s13  }
0x2d: {  	[sflag:s14] =	ssyncadd.s32 $0xFFFFC000;
	s0 =	smov.u32 s30;
	s1 =	sadd.s32 $0x10, s30  }
0x2e: {  	[tilespmem:s2], [sflag:$0x3] =	stream.linear.gather [hbm4b:s31+s2], $0x80, $0x38;
	[tilespmem:$0xA200] =	vst v63  }
0x2f: {  	p0 =	sne.s32 s30, $0xB0;
	_ =	swait.ge [sflag:s14], $0x80  }
0x30: {  	[sflag:s14] =	ssyncset.done $0x0  }
0x31: {  	s30 =	sadd.s32 s29, s12;
	s29 =	smov.u32 s0;
	[sflag:s14] =	ssyncadd.s32 $0xFFFFFF80  }
0x32: {  	[tilespmem:s15], [sflag:$0x3] =	stream.linear.gather [hbm4b:s30+s2], $0x80, $0x38;
	[tilespmem:$0xA200] =	vst v63  }
0x33: {  	_ =	swait.ge [sflag:s14], $0x80  }
0x34: {  	[sflag:s14] =	ssyncset.done $0x0  }
0x35: {  	[sflag:s14] =	ssyncadd.s32 $0xFFFFFF80  }
0x36: {  	[tilespmem:s16], [sflag:$0x1] =	stream.indirect.gather [hbm4b:s3+s15], $0x80, s2, s15, $0xb8;
	[tilespmem:$0xA200] =	vst v63  }
0x37: {  	_ = 	snop  }
0x38: {  	[tilespmem:s17], [sflag:$0x2] =	stream.indirect.gather [hbm4b:s4+s15], $0x80, s15, s15, $0xb8;
	[tilespmem:$0xA200] =	vst v63  }
0x39: {  	_ =	swait.ge [sflag:s18], $0x4000  }
0x3a: {  	[sflag:s18] =	ssyncset.done $0x0  }
0x3b: {  	[sflag:s18] =	ssyncadd.s32 $0xFFFFC000  }
0x3c: {  	_ =	swait.ge [sflag:s19], $0x4000  }
0x3d: {  	[sflag:s19] =	ssyncset.done $0x0  }
0x3e: {  	[sflag:s19] =	ssyncadd.s32 $0xFFFFC000  }
0x3f: {  	[hbm4b:s28+s2] =	stream.linear.scatter [tilespmem:s16], [sflag:$0x3], $0x4000, $0x38;
	[tilespmem:$0xA200] =	vst v63  }
0x40: {  	_ =	swait.ge [sflag:s14], $0x4000  }
.Ltmp0:
0x41: {  	[sflag:s14] =	ssyncset.done $0x0;
	(pc) =	sbr.rel @p0 .LBB2_2-.Ltmp0, $4  }
0x42: {  	[sflag:s14] =	ssyncadd.s32 $0xFFFFC000  }
0x43: {  	[hbm4b:s26+s2] =	stream.linear.scatter [tilespmem:s17], [sflag:$0x3], $0x4000, $0x38;
	[tilespmem:$0xA200] =	vst v63  }
0x44: {  	s30 =	smov.u32 s1;
	_ =	swait.ge [sflag:s14], $0x4000  }
0x45: {  	s28 =	sadd.s32 $0x800, s28;
	s26 =	sadd.s32 $0x800, s26;
	[sflag:s14] =	ssyncset.done $0x0  }
0x46: {  	s0 =	sadd.s32 s29, s13;
	[sflag:s14] =	ssyncadd.s32 $0xFFFFC000  }
0x47: {  	[tilespmem:s2], [sflag:$0x3] =	stream.linear.gather [hbm4b:s0+s2], $0x80, $0x38;
	[tilespmem:$0xA200] =	vst v63  }
0x48: {  	_ =	swait.ge [sflag:s14], $0x80  }
0x49: {  	[sflag:s14] =	ssyncset.done $0x0  }
0x4a: {  	s31 =	sadd.s32 s29, s12;
	[sflag:s14] =	ssyncadd.s32 $0xFFFFFF80  }
0x4b: {  	[tilespmem:s15], [sflag:$0x3] =	stream.linear.gather [hbm4b:s31+s2], $0x80, $0x38;
	[tilespmem:$0xA200] =	vst v63  }
0x4c: {  	_ =	swait.ge [sflag:s14], $0x80  }
0x4d: {  	[sflag:s14] =	ssyncset.done $0x0  }
0x4e: {  	[sflag:s14] =	ssyncadd.s32 $0xFFFFFF80  }
0x4f: {  	[tilespmem:s16], [sflag:$0x1] =	stream.indirect.gather [hbm4b:s3+s15], $0x80, s2, s15, $0xb8;
	[tilespmem:$0xA200] =	vst v63  }
0x50: {  	_ = 	snop  }
0x51: {  	[tilespmem:s17], [sflag:$0x2] =	stream.indirect.gather [hbm4b:s4+s15], $0x80, s15, s15, $0xb8;
	[tilespmem:$0xA200] =	vst v63  }
0x52: {  	_ =	swait.ge [sflag:s18], $0x4000  }
0x53: {  	[sflag:s18] =	ssyncset.done $0x0  }
0x54: {  	[sflag:s18] =	ssyncadd.s32 $0xFFFFC000  }
0x55: {  	_ =	swait.ge [sflag:s19], $0x4000  }
0x56: {  	[sflag:s19] =	ssyncset.done $0x0  }
0x57: {  	[sflag:s19] =	ssyncadd.s32 $0xFFFFC000  }
0x58: {  	[hbm4b:s28+s2] =	stream.linear.scatter [tilespmem:s16], [sflag:$0x3], $0x4000, $0x38;
	[tilespmem:$0xA200] =	vst v63  }
0x59: {  	_ =	swait.ge [sflag:s14], $0x4000  }
0x5a: {  	[sflag:s14] =	ssyncset.done $0x0  }
0x5b: {  	[sflag:s14] =	ssyncadd.s32 $0xFFFFC000  }
0x5c: {  	[hbm4b:s26+s2] =	stream.linear.scatter [tilespmem:s17], [sflag:$0x3], $0x4000, $0x38;
	[tilespmem:$0xA200] =	vst v63  }
0x5d: {  	_ =	swait.ge [sflag:s14], $0x4000  }
0x5e: {  	[sflag:s14] =	ssyncset.done $0x0  }
0x5f: {  	[sflag:s14] =	ssyncadd.s32 $0xFFFFC000  }
0x60: {  	[tilespmem:s20], [sflag:$0x3] =	stream.linear.gather [hbm4b:s5+s2], $0x20, $0x38;
	[tilespmem:$0xA200] =	vst v63  }
0x61: {  	_ =	swait.ge [sflag:s14], $0x20  }
0x62: {  	[sflag:s14] =	ssyncset.done $0x0  }
0x63: {  	[sflag:s14] =	ssyncadd.s32 $0xFFFFFFE0  }
0x64: {  	[tilespmem:s21], [sflag:$0x3] =	stream.linear.gather [hbm4b:s6+s2], $0x20, $0x38;
	[tilespmem:$0xA200] =	vst v63  }
0x65: {  	_ =	swait.ge [sflag:s14], $0x20  }
0x66: {  	[sflag:s14] =	ssyncset.done $0x0  }
0x67: {  	[sflag:s14] =	ssyncadd.s32 $0xFFFFFFE0  }
0x68: {  	[tilespmem:s23], [sflag:$0x1] =	stream.indirect.gather [hbm4b:s3+s22], $0x80, s20, s22, $0xb8;
	[tilespmem:$0xA200] =	vst v63  }
0x69: {  	_ = 	snop  }
0x6a: {  	[tilespmem:s24], [sflag:$0x2] =	stream.indirect.gather [hbm4b:s4+s22], $0x80, s21, s22, $0xb8;
	[tilespmem:$0xA200] =	vst v63  }
0x6b: {  	_ =	swait.ge [sflag:s18], $0x1000  }
0x6c: {  	[sflag:s18] =	ssyncset.done $0x0  }
0x6d: {  	[sflag:s18] =	ssyncadd.s32 $0xFFFFF000  }
0x6e: {  	_ =	swait.ge [sflag:s19], $0x1000  }
0x6f: {  	[sflag:s19] =	ssyncset.done $0x0  }
0x70: {  	[sflag:s19] =	ssyncadd.s32 $0xFFFFF000  }
0x71: {  	[hbm4b:s7+s2] =	stream.linear.scatter [tilespmem:s23], [sflag:$0x3], $0x1000, $0x38;
	[tilespmem:$0xA200] =	vst v63  }
0x72: {  	s25 =	sadd.s32 $0x1, s25;
	_ =	swait.ge [sflag:s14], $0x1000  }
0x73: {  	p0 =	sne.s32 s25, s9;
	[sflag:s14] =	ssyncset.done $0x0  }
.Ltmp1:
0x74: {  	[sflag:s14] =	ssyncadd.s32 $0xFFFFF000;
	(pc) =	sbr.rel @p0 .LBB2_1-.Ltmp1, $4  }
0x75: {  	[hbm4b:s8+s2] =	stream.linear.scatter [tilespmem:s24], [sflag:$0x3], $0x1000, $0x38;
	[tilespmem:$0xA200] =	vst v63  }
0x76: {  	_ =	swait.ge [sflag:s14], $0x1000  }
0x77: {  	[sflag:s14] =	ssyncset.done $0x0  }
0x78: {  	[sflag:s14] =	ssyncadd.s32 $0xFFFFF000  }
0x79: {  	_ =	sfence.sel $0x180000  }
0x7a: {  	[bflag:$0x0] =	sbarrier.arrive $0xFFFF  }
0x7b: {  	_ =	strace $0x9000004A  }
0x7c: {  	s0 =	stileid.u32;
	[bflag:$0x2] =	sbarrier.arrive $0xFFFF  }
0x7d: {  	p0 =	sne.s32 s0, $0x0;
	s0 =	rddreg [dreg:$0x2]  }
0x7e: {  	s0 =	sadd.s32 @!p0 $0x100000, s0  }
0x7f: {  	[sflag:s0] =	ssyncadd.tile.s32 @!p0 $0x1;
	_ =	shalt  }
.Lfunc_end2:
_tile_overlayer_lowered:
.L_overlay_start_2:
0x80: {  	(tag) =	ssettag $0x2  }
0x81: {  	s0 =	rddreg [dreg:$0x0];
	s2 =	stileid.u32  }
0x82: {  	s1 =	rddreg [dreg:$0x1];
	p0 =	sne.s32 s2, $0x0  }
0x83: {  	s3 =	rddreg [dreg:$0x2];
	[bflag:$0x3] =	sbarrier.arrive $0xFFFF;
	s2 =	simm.s32 @!p0 $0x1C03  }
0x84: {  	[timem:s3], [sflag:s2] =	dma.local @!p0 [hbm:s0], s1  }
0x85: {  	s0 =	simm.s32 @!p0 $0x3  }
0x86: {  	_ =	swait.ge @!p0 [sflag:s0], s1  }
0x87: {  	s1 =	ssub.s32 @!p0 $0x0, s1;
	[sflag:s0] =	ssyncset.done @!p0 $0x0  }
0x88: {  	[sflag:s0] =	ssyncadd.s32 @!p0 s1  }
0x89: {  	[bflag:$0x3] =	sbarrier.arrive $0xFFFF  }
0x8a: {  	_ =	shalt  }

</sc_bundles>
